<compile_context>
chip_gen: v7x
topology: tpu7x:2x2x1
jax: 0.10.2.dev20260603
libtpu: 0.0.44.dev20260713+nightly
codegen_flags: <defaults>
</compile_context>

<pallas_src>
import jax
import jax.numpy as jnp
from jax import lax
from jax.experimental import pallas as pl
from jax.experimental.pallas import tpu as pltpu
from jax.experimental.pallas import tpu_sc as plsc

_D = 32
_LANE = 128
_PACK = _LANE // _D
_RBLK = 8192
_BLK = 2048


def _relayout_body(xt_ref, eye_ref, out_ref):
    x = xt_ref[...]
    eye = eye_ref[...]
    for j in range(_PACK):
        xs = x[:, j * _RBLK:(j + 1) * _RBLK]
        out_ref[:, j * _D:(j + 1) * _D] = lax.dot_general(
            xs, eye, (((0,), (0,)), ((), ())),
            preferred_element_type=jnp.float32)


def _relayout(tab_t, eye, V):
    grid = (V + _PACK * _RBLK - 1) // (_PACK * _RBLK)
    return pl.pallas_call(
        _relayout_body,
        grid=(grid,),
        in_specs=[pl.BlockSpec((_D, _PACK * _RBLK), lambda i: (0, i)),
                  pl.BlockSpec((_D, _D), lambda i: (0, 0))],
        out_specs=pl.BlockSpec((_RBLK, _LANE), lambda i: (i, 0)),
        out_shape=jax.ShapeDtypeStruct((grid * _RBLK, _LANE), jnp.float32),
    )(tab_t, eye)


def _build_gather_u(B, mesh):
    NC, NS = mesh.num_cores, mesh.num_subcores
    NW = NC * NS
    bpw = B // NW
    nq = bpw // _LANE
    nbv = bpw // 16
    sr = _RBLK.bit_length() - 1

    def body(uidx_hbm, utab_hbm, ut_hbm, uidx_v, kidx_v, gbuf_v, xt_v, sem):
        wid = lax.axis_index("s") * NC + lax.axis_index("c")
        base = wid * bpw
        pltpu.sync_copy(uidx_hbm.at[pl.ds(base, bpw)], uidx_v)
        lanes16 = lax.iota(jnp.int32, 16)
        for v in range(nbv):
            sl = pl.ds(v * 16, 16)
            r = uidx_v[sl]
            kidx_v[sl] = ((r >> (sr + 2)) << sr) + (r & (_RBLK - 1))
        copies = [
            pltpu.async_copy(
                utab_hbm.at[kidx_v.at[pl.ds(q * _LANE, _LANE)]],
                gbuf_v.at[pl.ds(q * _LANE, _LANE), :], sem)
            for q in range(nq)
        ]
        for c in copies:
            c.wait()

        def extract(bb, _):
            bvec = bb * 16 + lanes16
            r = uidx_v[pl.ds(bb * 16, 16)]
            col0 = ((r >> sr) & (_PACK - 1)) * _D
            for c in range(_D):
                vals = plsc.load_gather(gbuf_v, [bvec, col0 + c])
                xt_v[c, pl.ds(bb * 16, 16)] = vals
            return 0

        lax.fori_loop(0, nbv, extract, 0, unroll=False)
        pltpu.sync_copy(xt_v, ut_hbm.at[:, pl.ds(base, bpw)])

    return pl.kernel(
        body,
        out_type=jax.ShapeDtypeStruct((_D, B), jnp.float32),
        mesh=mesh,
        compiler_params=pltpu.CompilerParams(needs_layout_passes=False),
        scratch_types=[
            pltpu.VMEM((bpw,), jnp.int32),
            pltpu.VMEM((bpw,), jnp.int32),
            pltpu.VMEM((bpw, _LANE), jnp.float32),
            pltpu.VMEM((_D, bpw), jnp.float32),
            pltpu.SemaphoreType.DMA,
        ])


def _mlp_body(ut_ref, it_ref, w1t, b1c, w2t, b2c, w3t, b3r, out_ref):
    x = jnp.concatenate([ut_ref[...], it_ref[...]], axis=0)
    h = jnp.maximum(
        jnp.dot(w1t[...], x, preferred_element_type=jnp.float32) + b1c[...], 0.0)
    h = jnp.maximum(
        jnp.dot(w2t[...], h, preferred_element_type=jnp.float32) + b2c[...], 0.0)
    o = jnp.dot(w3t[...], h, preferred_element_type=jnp.float32) + b3r[0, 0]
    out_ref[...] = 1.0 / (1.0 + jnp.exp(-o))


def _mlp(ut, it, w1t, b1c, w2t, b2c, w3t, b3, B):
    grid = B // _BLK

    def full(shape):
        return pl.BlockSpec(shape, lambda i: tuple(0 for _ in shape))

    return pl.pallas_call(
        _mlp_body,
        grid=(grid,),
        in_specs=[
            pl.BlockSpec((_D, _BLK), lambda i: (0, i)),
            pl.BlockSpec((_D, _BLK), lambda i: (0, i)),
            full(w1t.shape), full(b1c.shape),
            full(w2t.shape), full(b2c.shape),
            full(w3t.shape), full(b3.shape),
        ],
        out_specs=pl.BlockSpec((1, _BLK), lambda i: (0, i)),
        out_shape=jax.ShapeDtypeStruct((1, B), jnp.float32),
    )(ut, it, w1t, b1c, w2t, b2c, w3t, b3)


def kernel(user, item, user_table, item_table, W1, b1, W2, b2, W3, b3):
    B = user.shape[0]
    V = user_table.shape[0]
    mesh = plsc.VectorSubcoreMesh(core_axis_name="c", subcore_axis_name="s")
    eye = jnp.eye(_D, dtype=jnp.float32)
    uidx = user.astype(jnp.int32)
    iidx = item.astype(jnp.int32)
    gather = _build_gather_u(B, mesh)
    ut = gather(uidx, _relayout(user_table.T, eye, V))
    it = gather(iidx, _relayout(item_table.T, eye, V))
    out2 = _mlp(ut, it, W1.T, b1.reshape(-1, 1),
                W2.T, b2.reshape(-1, 1), W3.reshape(1, -1), b3.reshape(1, 1), B)
    return out2.reshape(-1)

# --- scband reference (transcript-rebuilt; emitter-appended) ---
"""Pipeline reference for scband-ncf-34342558499125 (READ-ONLY COPY).

The authoritative reference and input builder live on the scoring server;
editing this copy changes nothing except your own understanding.
"""

import jax, jax.numpy as jnp
import numpy as np

B = 16384
NU = 1000000
NI = 1000000
D = 32

def setup_inputs(seed: int = 0) -> dict:
    key = jax.random.key(seed)
    ks = jax.random.split(key, 8)
    user = jax.random.randint(ks[0], (B,), 0, NU)
    item = jax.random.randint(ks[1], (B,), 0, NI)
    user_table = jax.random.normal(ks[2], (NU, D), dtype=jnp.float32) * 0.02
    item_table = jax.random.normal(ks[3], (NI, D), dtype=jnp.float32) * 0.02
    W1 = jax.random.normal(ks[4], (2 * D, 64), dtype=jnp.float32) * 0.1
    b1 = jnp.zeros((64,), jnp.float32)
    W2 = jax.random.normal(ks[5], (64, 32), dtype=jnp.float32) * 0.1
    b2 = jnp.zeros((32,), jnp.float32)
    W3 = jax.random.normal(ks[6], (32, 1), dtype=jnp.float32) * 0.1
    b3 = jnp.zeros((1,), jnp.float32)
    return {"user": user, "item": item, "user_table": user_table, "item_table": item_table,
            "W1": W1, "b1": b1, "W2": W2, "b2": b2, "W3": W3, "b3": b3}

def reference(user, item, user_table, item_table, W1, b1, W2, b2, W3, b3):
    ue = jnp.take(user_table, user, axis=0)
    ie = jnp.take(item_table, item, axis=0)
    x = jnp.concatenate([ue, ie], axis=1)
    h = jax.nn.relu(x @ W1 + b1)
    h = jax.nn.relu(h @ W2 + b2)
    out = jax.nn.sigmoid(h @ W3 + b3)
    return out.reshape(-1)

if __name__ == "__main__":
    import jax
    _d = setup_inputs()
    print(jax.jit(kernel)(*tuple(_d.values())))

</pallas_src>

<mosaic_0001>
#map = affine_map<(d0, d1) -> (0)>
#map1 = affine_map<(d0, d1) -> (0, 0)>
module attributes {stable_mosaic.version = 14 : i64} {
  func.func @body(%arg0: i32, %arg1: i32, %arg2: memref<16384xi32, #tpu.memory_space<hbm>>, %arg3: memref<253952x128xf32, #tpu.memory_space<hbm>>, %arg4: memref<32x16384xf32, #tpu.memory_space<hbm>>, %arg5: memref<512xi32, #tpu.memory_space<vmem>>, %arg6: memref<512xi32, #tpu.memory_space<vmem>>, %arg7: memref<512x128xf32, #tpu.memory_space<vmem>>, %arg8: memref<32x512xf32, #tpu.memory_space<vmem>>, %arg9: memref<!tpu.dma_semaphore, #tpu.memory_space<semaphore_mem>>) attributes {dimension_semantics = [#tpu.dimension_semantics<core_parallel>, #tpu.dimension_semantics<subcore_parallel>], iteration_bounds = array<i64: 2, 16>, scalar_prefetch = 0 : i64, scratch_operands = 5 : i64, tpu.core_type = #tpu.core_type<sc_vector_subcore>, window_params = [{transform_indices = #map}, {transform_indices = #map1}, {transform_indices = #map1}]} {
    %mul3A = arith.constant 2 : i32
    %mul3A_0 = arith.muli %arg1, %mul3A : i32
    %add3A = arith.addi %mul3A_0, %arg0 : i32
    %mul3A_1 = arith.constant 512 : i32
    %mul3A_2 = arith.muli %add3A, %mul3A_1 : i32
    "tpu.region"() ({
      %run_scoped3A = tpu.sem_alloc : memref<!tpu.dma_semaphore, #tpu.memory_space<semaphore_mem>>
      %dma_start3A_514 = tpu.memref_slice %arg2[%mul3A_2] : memref<16384xi32, #tpu.memory_space<hbm>> -> memref<512xi32, #tpu.memory_space<hbm>>
      %dma_start3A_515 = tpu.memref_slice %arg2[%mul3A_2] : memref<16384xi32, #tpu.memory_space<hbm>> -> memref<512xi32, #tpu.memory_space<hbm>>
      tpu.enqueue_dma source(%dma_start3A_515 : memref<512xi32, #tpu.memory_space<hbm>>) target(%arg5 : memref<512xi32, #tpu.memory_space<vmem>>) target_semaphore(%run_scoped3A : memref<!tpu.dma_semaphore, #tpu.memory_space<semaphore_mem>>)
      %dma_wait3A_516 = tpu.memref_slice %arg2[%mul3A_2] : memref<16384xi32, #tpu.memory_space<hbm>> -> memref<512xi32, #tpu.memory_space<hbm>>
      %dma_wait3A_517 = tpu.memref_slice %arg2[%mul3A_2] : memref<16384xi32, #tpu.memory_space<hbm>> -> memref<512xi32, #tpu.memory_space<hbm>>
      tpu.wait_dma2 semaphore(%run_scoped3A : memref<!tpu.dma_semaphore, #tpu.memory_space<semaphore_mem>>) src(%dma_wait3A_517 : memref<512xi32, #tpu.memory_space<hbm>>) dst(%arg5 : memref<512xi32, #tpu.memory_space<vmem>>)
      tpu.yield
    }) : () -> ()
    %iota3A = tpu.iota {dimensions = array<i32: 0>} : vector<16xi32>
    %get3A = arith.constant 0 : index
    %get3A_3 = tpu.vector_load %arg5[%get3A] {strides = array<i32>} : memref<512xi32, #tpu.memory_space<vmem>>, vector<16xi32>,
    %shift_right_arithmetic3A = arith.constant 15 : i32
    %shift_right_arithmetic3A_4 = vector.broadcast %shift_right_arithmetic3A : i32 to vector<16xi32>
    %shift_right_arithmetic3A_5 = arith.shrsi %get3A_3, %shift_right_arithmetic3A_4 : vector<16xi32>
    %shift_left3A = arith.constant 13 : i32
    %shift_left3A_6 = vector.broadcast %shift_left3A : i32 to vector<16xi32>
    %shift_left3A_7 = arith.shli %shift_right_arithmetic3A_5, %shift_left3A_6 : vector<16xi32>
    %and3A = arith.constant 8191 : i32
    %and3A_8 = vector.broadcast %and3A : i32 to vector<16xi32>
    %and3A_9 = arith.andi %get3A_3, %and3A_8 : vector<16xi32>
    %add3A_10 = arith.addi %shift_left3A_7, %and3A_9 : vector<16xi32>
    %swap3A = arith.constant 0 : index
    %swap3A_11 = tpu.vector_load %arg6[%swap3A] {strides = array<i32>} : memref<512xi32, #tpu.memory_space<vmem>>, vector<16xi32>,
    tpu.vector_store %arg6[%swap3A], %add3A_10 {strides = array<i32>} : memref<512xi32, #tpu.memory_space<vmem>>, vector<16xi32>,
    %get3A_12 = arith.constant 16 : index
    %get3A_13 = tpu.vector_load %arg5[%get3A_12] {strides = array<i32>} : memref<512xi32, #tpu.memory_space<vmem>>, vector<16xi32>,
    %shift_right_arithmetic3A_14 = arith.constant 15 : i32
    %shift_right_arithmetic3A_15 = vector.broadcast %shift_right_arithmetic3A_14 : i32 to vector<16xi32>
    %shift_right_arithmetic3A_16 = arith.shrsi %get3A_13, %shift_right_arithmetic3A_15 : vector<16xi32>
    %shift_left3A_17 = arith.constant 13 : i32
    %shift_left3A_18 = vector.broadcast %shift_left3A_17 : i32 to vector<16xi32>
    %shift_left3A_19 = arith.shli %shift_right_arithmetic3A_16, %shift_left3A_18 : vector<16xi32>
    %and3A_20 = arith.constant 8191 : i32
    %and3A_21 = vector.broadcast %and3A_20 : i32 to vector<16xi32>
    %and3A_22 = arith.andi %get3A_13, %and3A_21 : vector<16xi32>
    %add3A_23 = arith.addi %shift_left3A_19, %and3A_22 : vector<16xi32>
    %swap3A_24 = arith.constant 16 : index
    %swap3A_25 = tpu.vector_load %arg6[%swap3A_24] {strides = array<i32>} : memref<512xi32, #tpu.memory_space<vmem>>, vector<16xi32>,
    tpu.vector_store %arg6[%swap3A_24], %add3A_23 {strides = array<i32>} : memref<512xi32, #tpu.memory_space<vmem>>, vector<16xi32>,
    %get3A_26 = arith.constant 32 : index
    %get3A_27 = tpu.vector_load %arg5[%get3A_26] {strides = array<i32>} : memref<512xi32, #tpu.memory_space<vmem>>, vector<16xi32>,
    %shift_right_arithmetic3A_28 = arith.constant 15 : i32
    %shift_right_arithmetic3A_29 = vector.broadcast %shift_right_arithmetic3A_28 : i32 to vector<16xi32>
    %shift_right_arithmetic3A_30 = arith.shrsi %get3A_27, %shift_right_arithmetic3A_29 : vector<16xi32>
    %shift_left3A_31 = arith.constant 13 : i32
    %shift_left3A_32 = vector.broadcast %shift_left3A_31 : i32 to vector<16xi32>
    %shift_left3A_33 = arith.shli %shift_right_arithmetic3A_30, %shift_left3A_32 : vector<16xi32>
    %and3A_34 = arith.constant 8191 : i32
    %and3A_35 = vector.broadcast %and3A_34 : i32 to vector<16xi32>
    %and3A_36 = arith.andi %get3A_27, %and3A_35 : vector<16xi32>
    %add3A_37 = arith.addi %shift_left3A_33, %and3A_36 : vector<16xi32>
    %swap3A_38 = arith.constant 32 : index
    %swap3A_39 = tpu.vector_load %arg6[%swap3A_38] {strides = array<i32>} : memref<512xi32, #tpu.memory_space<vmem>>, vector<16xi32>,
    tpu.vector_store %arg6[%swap3A_38], %add3A_37 {strides = array<i32>} : memref<512xi32, #tpu.memory_space<vmem>>, vector<16xi32>,
    %get3A_40 = arith.constant 48 : index
    %get3A_41 = tpu.vector_load %arg5[%get3A_40] {strides = array<i32>} : memref<512xi32, #tpu.memory_space<vmem>>, vector<16xi32>,
    %shift_right_arithmetic3A_42 = arith.constant 15 : i32
    %shift_right_arithmetic3A_43 = vector.broadcast %shift_right_arithmetic3A_42 : i32 to vector<16xi32>
    %shift_right_arithmetic3A_44 = arith.shrsi %get3A_41, %shift_right_arithmetic3A_43 : vector<16xi32>
    %shift_left3A_45 = arith.constant 13 : i32
    %shift_left3A_46 = vector.broadcast %shift_left3A_45 : i32 to vector<16xi32>
    %shift_left3A_47 = arith.shli %shift_right_arithmetic3A_44, %shift_left3A_46 : vector<16xi32>
    %and3A_48 = arith.constant 8191 : i32
    %and3A_49 = vector.broadcast %and3A_48 : i32 to vector<16xi32>
    %and3A_50 = arith.andi %get3A_41, %and3A_49 : vector<16xi32>
    %add3A_51 = arith.addi %shift_left3A_47, %and3A_50 : vector<16xi32>
    %swap3A_52 = arith.constant 48 : index
    %swap3A_53 = tpu.vector_load %arg6[%swap3A_52] {strides = array<i32>} : memref<512xi32, #tpu.memory_space<vmem>>, vector<16xi32>,
    tpu.vector_store %arg6[%swap3A_52], %add3A_51 {strides = array<i32>} : memref<512xi32, #tpu.memory_space<vmem>>, vector<16xi32>,
    %get3A_54 = arith.constant 64 : index
    %get3A_55 = tpu.vector_load %arg5[%get3A_54] {strides = array<i32>} : memref<512xi32, #tpu.memory_space<vmem>>, vector<16xi32>,
    %shift_right_arithmetic3A_56 = arith.constant 15 : i32
    %shift_right_arithmetic3A_57 = vector.broadcast %shift_right_arithmetic3A_56 : i32 to vector<16xi32>
    %shift_right_arithmetic3A_58 = arith.shrsi %get3A_55, %shift_right_arithmetic3A_57 : vector<16xi32>
    %shift_left3A_59 = arith.constant 13 : i32
    %shift_left3A_60 = vector.broadcast %shift_left3A_59 : i32 to vector<16xi32>
    %shift_left3A_61 = arith.shli %shift_right_arithmetic3A_58, %shift_left3A_60 : vector<16xi32>
    %and3A_62 = arith.constant 8191 : i32
    %and3A_63 = vector.broadcast %and3A_62 : i32 to vector<16xi32>
    %and3A_64 = arith.andi %get3A_55, %and3A_63 : vector<16xi32>
    %add3A_65 = arith.addi %shift_left3A_61, %and3A_64 : vector<16xi32>
    %swap3A_66 = arith.constant 64 : index
    %swap3A_67 = tpu.vector_load %arg6[%swap3A_66] {strides = array<i32>} : memref<512xi32, #tpu.memory_space<vmem>>, vector<16xi32>,
    tpu.vector_store %arg6[%swap3A_66], %add3A_65 {strides = array<i32>} : memref<512xi32, #tpu.memory_space<vmem>>, vector<16xi32>,
    %get3A_68 = arith.constant 80 : index
    %get3A_69 = tpu.vector_load %arg5[%get3A_68] {strides = array<i32>} : memref<512xi32, #tpu.memory_space<vmem>>, vector<16xi32>,
    %shift_right_arithmetic3A_70 = arith.constant 15 : i32
    %shift_right_arithmetic3A_71 = vector.broadcast %shift_right_arithmetic3A_70 : i32 to vector<16xi32>
    %shift_right_arithmetic3A_72 = arith.shrsi %get3A_69, %shift_right_arithmetic3A_71 : vector<16xi32>
    %shift_left3A_73 = arith.constant 13 : i32
    %shift_left3A_74 = vector.broadcast %shift_left3A_73 : i32 to vector<16xi32>
    %shift_left3A_75 = arith.shli %shift_right_arithmetic3A_72, %shift_left3A_74 : vector<16xi32>
    %and3A_76 = arith.constant 8191 : i32
    %and3A_77 = vector.broadcast %and3A_76 : i32 to vector<16xi32>
    %and3A_78 = arith.andi %get3A_69, %and3A_77 : vector<16xi32>
    %add3A_79 = arith.addi %shift_left3A_75, %and3A_78 : vector<16xi32>
    %swap3A_80 = arith.constant 80 : index
    %swap3A_81 = tpu.vector_load %arg6[%swap3A_80] {strides = array<i32>} : memref<512xi32, #tpu.memory_space<vmem>>, vector<16xi32>,
    tpu.vector_store %arg6[%swap3A_80], %add3A_79 {strides = array<i32>} : memref<512xi32, #tpu.memory_space<vmem>>, vector<16xi32>,
    %get3A_82 = arith.constant 96 : index
    %get3A_83 = tpu.vector_load %arg5[%get3A_82] {strides = array<i32>} : memref<512xi32, #tpu.memory_space<vmem>>, vector<16xi32>,
    %shift_right_arithmetic3A_84 = arith.constant 15 : i32
    %shift_right_arithmetic3A_85 = vector.broadcast %shift_right_arithmetic3A_84 : i32 to vector<16xi32>
    %shift_right_arithmetic3A_86 = arith.shrsi %get3A_83, %shift_right_arithmetic3A_85 : vector<16xi32>
    %shift_left3A_87 = arith.constant 13 : i32
    %shift_left3A_88 = vector.broadcast %shift_left3A_87 : i32 to vector<16xi32>
    %shift_left3A_89 = arith.shli %shift_right_arithmetic3A_86, %shift_left3A_88 : vector<16xi32>
    %and3A_90 = arith.constant 8191 : i32
    %and3A_91 = vector.broadcast %and3A_90 : i32 to vector<16xi32>
    %and3A_92 = arith.andi %get3A_83, %and3A_91 : vector<16xi32>
    %add3A_93 = arith.addi %shift_left3A_89, %and3A_92 : vector<16xi32>
    %swap3A_94 = arith.constant 96 : index
    %swap3A_95 = tpu.vector_load %arg6[%swap3A_94] {strides = array<i32>} : memref<512xi32, #tpu.memory_space<vmem>>, vector<16xi32>,
    tpu.vector_store %arg6[%swap3A_94], %add3A_93 {strides = array<i32>} : memref<512xi32, #tpu.memory_space<vmem>>, vector<16xi32>,
    %get3A_96 = arith.constant 112 : index
    %get3A_97 = tpu.vector_load %arg5[%get3A_96] {strides = array<i32>} : memref<512xi32, #tpu.memory_space<vmem>>, vector<16xi32>,
    %shift_right_arithmetic3A_98 = arith.constant 15 : i32
    %shift_right_arithmetic3A_99 = vector.broadcast %shift_right_arithmetic3A_98 : i32 to vector<16xi32>
    %shift_right_arithmetic3A_100 = arith.shrsi %get3A_97, %shift_right_arithmetic3A_99 : vector<16xi32>
    %shift_left3A_101 = arith.constant 13 : i32
    %shift_left3A_102 = vector.broadcast %shift_left3A_101 : i32 to vector<16xi32>
    %shift_left3A_103 = arith.shli %shift_right_arithmetic3A_100, %shift_left3A_102 : vector<16xi32>
    %and3A_104 = arith.constant 8191 : i32
    %and3A_105 = vector.broadcast %and3A_104 : i32 to vector<16xi32>
    %and3A_106 = arith.andi %get3A_97, %and3A_105 : vector<16xi32>
    %add3A_107 = arith.addi %shift_left3A_103, %and3A_106 : vector<16xi32>
    %swap3A_108 = arith.constant 112 : index
    %swap3A_109 = tpu.vector_load %arg6[%swap3A_108] {strides = array<i32>} : memref<512xi32, #tpu.memory_space<vmem>>, vector<16xi32>,
    tpu.vector_store %arg6[%swap3A_108], %add3A_107 {strides = array<i32>} : memref<512xi32, #tpu.memory_space<vmem>>, vector<16xi32>,
    %get3A_110 = arith.constant 128 : index
    %get3A_111 = tpu.vector_load %arg5[%get3A_110] {strides = array<i32>} : memref<512xi32, #tpu.memory_space<vmem>>, vector<16xi32>,
    %shift_right_arithmetic3A_112 = arith.constant 15 : i32
    %shift_right_arithmetic3A_113 = vector.broadcast %shift_right_arithmetic3A_112 : i32 to vector<16xi32>
    %shift_right_arithmetic3A_114 = arith.shrsi %get3A_111, %shift_right_arithmetic3A_113 : vector<16xi32>
    %shift_left3A_115 = arith.constant 13 : i32
    %shift_left3A_116 = vector.broadcast %shift_left3A_115 : i32 to vector<16xi32>
    %shift_left3A_117 = arith.shli %shift_right_arithmetic3A_114, %shift_left3A_116 : vector<16xi32>
    %and3A_118 = arith.constant 8191 : i32
    %and3A_119 = vector.broadcast %and3A_118 : i32 to vector<16xi32>
    %and3A_120 = arith.andi %get3A_111, %and3A_119 : vector<16xi32>
    %add3A_121 = arith.addi %shift_left3A_117, %and3A_120 : vector<16xi32>
    %swap3A_122 = arith.constant 128 : index
    %swap3A_123 = tpu.vector_load %arg6[%swap3A_122] {strides = array<i32>} : memref<512xi32, #tpu.memory_space<vmem>>, vector<16xi32>,
    tpu.vector_store %arg6[%swap3A_122], %add3A_121 {strides = array<i32>} : memref<512xi32, #tpu.memory_space<vmem>>, vector<16xi32>,
    %get3A_124 = arith.constant 144 : index
    %get3A_125 = tpu.vector_load %arg5[%get3A_124] {strides = array<i32>} : memref<512xi32, #tpu.memory_space<vmem>>, vector<16xi32>,
    %shift_right_arithmetic3A_126 = arith.constant 15 : i32
    %shift_right_arithmetic3A_127 = vector.broadcast %shift_right_arithmetic3A_126 : i32 to vector<16xi32>
    %shift_right_arithmetic3A_128 = arith.shrsi %get3A_125, %shift_right_arithmetic3A_127 : vector<16xi32>
    %shift_left3A_129 = arith.constant 13 : i32
    %shift_left3A_130 = vector.broadcast %shift_left3A_129 : i32 to vector<16xi32>
    %shift_left3A_131 = arith.shli %shift_right_arithmetic3A_128, %shift_left3A_130 : vector<16xi32>
    %and3A_132 = arith.constant 8191 : i32
    %and3A_133 = vector.broadcast %and3A_132 : i32 to vector<16xi32>
    %and3A_134 = arith.andi %get3A_125, %and3A_133 : vector<16xi32>
    %add3A_135 = arith.addi %shift_left3A_131, %and3A_134 : vector<16xi32>
    %swap3A_136 = arith.constant 144 : index
    %swap3A_137 = tpu.vector_load %arg6[%swap3A_136] {strides = array<i32>} : memref<512xi32, #tpu.memory_space<vmem>>, vector<16xi32>,
    tpu.vector_store %arg6[%swap3A_136], %add3A_135 {strides = array<i32>} : memref<512xi32, #tpu.memory_space<vmem>>, vector<16xi32>,
    %get3A_138 = arith.constant 160 : index
    %get3A_139 = tpu.vector_load %arg5[%get3A_138] {strides = array<i32>} : memref<512xi32, #tpu.memory_space<vmem>>, vector<16xi32>,
    %shift_right_arithmetic3A_140 = arith.constant 15 : i32
    %shift_right_arithmetic3A_141 = vector.broadcast %shift_right_arithmetic3A_140 : i32 to vector<16xi32>
    %shift_right_arithmetic3A_142 = arith.shrsi %get3A_139, %shift_right_arithmetic3A_141 : vector<16xi32>
    %shift_left3A_143 = arith.constant 13 : i32
    %shift_left3A_144 = vector.broadcast %shift_left3A_143 : i32 to vector<16xi32>
    %shift_left3A_145 = arith.shli %shift_right_arithmetic3A_142, %shift_left3A_144 : vector<16xi32>
    %and3A_146 = arith.constant 8191 : i32
    %and3A_147 = vector.broadcast %and3A_146 : i32 to vector<16xi32>
    %and3A_148 = arith.andi %get3A_139, %and3A_147 : vector<16xi32>
    %add3A_149 = arith.addi %shift_left3A_145, %and3A_148 : vector<16xi32>
    %swap3A_150 = arith.constant 160 : index
    %swap3A_151 = tpu.vector_load %arg6[%swap3A_150] {strides = array<i32>} : memref<512xi32, #tpu.memory_space<vmem>>, vector<16xi32>,
    tpu.vector_store %arg6[%swap3A_150], %add3A_149 {strides = array<i32>} : memref<512xi32, #tpu.memory_space<vmem>>, vector<16xi32>,
    %get3A_152 = arith.constant 176 : index
    %get3A_153 = tpu.vector_load %arg5[%get3A_152] {strides = array<i32>} : memref<512xi32, #tpu.memory_space<vmem>>, vector<16xi32>,
    %shift_right_arithmetic3A_154 = arith.constant 15 : i32
    %shift_right_arithmetic3A_155 = vector.broadcast %shift_right_arithmetic3A_154 : i32 to vector<16xi32>
    %shift_right_arithmetic3A_156 = arith.shrsi %get3A_153, %shift_right_arithmetic3A_155 : vector<16xi32>
    %shift_left3A_157 = arith.constant 13 : i32
    %shift_left3A_158 = vector.broadcast %shift_left3A_157 : i32 to vector<16xi32>
    %shift_left3A_159 = arith.shli %shift_right_arithmetic3A_156, %shift_left3A_158 : vector<16xi32>
    %and3A_160 = arith.constant 8191 : i32
    %and3A_161 = vector.broadcast %and3A_160 : i32 to vector<16xi32>
    %and3A_162 = arith.andi %get3A_153, %and3A_161 : vector<16xi32>
    %add3A_163 = arith.addi %shift_left3A_159, %and3A_162 : vector<16xi32>
    %swap3A_164 = arith.constant 176 : index
    %swap3A_165 = tpu.vector_load %arg6[%swap3A_164] {strides = array<i32>} : memref<512xi32, #tpu.memory_space<vmem>>, vector<16xi32>,
    tpu.vector_store %arg6[%swap3A_164], %add3A_163 {strides = array<i32>} : memref<512xi32, #tpu.memory_space<vmem>>, vector<16xi32>,
    %get3A_166 = arith.constant 192 : index
    %get3A_167 = tpu.vector_load %arg5[%get3A_166] {strides = array<i32>} : memref<512xi32, #tpu.memory_space<vmem>>, vector<16xi32>,
    %shift_right_arithmetic3A_168 = arith.constant 15 : i32
    %shift_right_arithmetic3A_169 = vector.broadcast %shift_right_arithmetic3A_168 : i32 to vector<16xi32>
    %shift_right_arithmetic3A_170 = arith.shrsi %get3A_167, %shift_right_arithmetic3A_169 : vector<16xi32>
    %shift_left3A_171 = arith.constant 13 : i32
    %shift_left3A_172 = vector.broadcast %shift_left3A_171 : i32 to vector<16xi32>
    %shift_left3A_173 = arith.shli %shift_right_arithmetic3A_170, %shift_left3A_172 : vector<16xi32>
    %and3A_174 = arith.constant 8191 : i32
    %and3A_175 = vector.broadcast %and3A_174 : i32 to vector<16xi32>
    %and3A_176 = arith.andi %get3A_167, %and3A_175 : vector<16xi32>
    %add3A_177 = arith.addi %shift_left3A_173, %and3A_176 : vector<16xi32>
    %swap3A_178 = arith.constant 192 : index
    %swap3A_179 = tpu.vector_load %arg6[%swap3A_178] {strides = array<i32>} : memref<512xi32, #tpu.memory_space<vmem>>, vector<16xi32>,
    tpu.vector_store %arg6[%swap3A_178], %add3A_177 {strides = array<i32>} : memref<512xi32, #tpu.memory_space<vmem>>, vector<16xi32>,
    %get3A_180 = arith.constant 208 : index
    %get3A_181 = tpu.vector_load %arg5[%get3A_180] {strides = array<i32>} : memref<512xi32, #tpu.memory_space<vmem>>, vector<16xi32>,
    %shift_right_arithmetic3A_182 = arith.constant 15 : i32
    %shift_right_arithmetic3A_183 = vector.broadcast %shift_right_arithmetic3A_182 : i32 to vector<16xi32>
    %shift_right_arithmetic3A_184 = arith.shrsi %get3A_181, %shift_right_arithmetic3A_183 : vector<16xi32>
    %shift_left3A_185 = arith.constant 13 : i32
    %shift_left3A_186 = vector.broadcast %shift_left3A_185 : i32 to vector<16xi32>
    %shift_left3A_187 = arith.shli %shift_right_arithmetic3A_184, %shift_left3A_186 : vector<16xi32>
    %and3A_188 = arith.constant 8191 : i32
    %and3A_189 = vector.broadcast %and3A_188 : i32 to vector<16xi32>
    %and3A_190 = arith.andi %get3A_181, %and3A_189 : vector<16xi32>
    %add3A_191 = arith.addi %shift_left3A_187, %and3A_190 : vector<16xi32>
    %swap3A_192 = arith.constant 208 : index
    %swap3A_193 = tpu.vector_load %arg6[%swap3A_192] {strides = array<i32>} : memref<512xi32, #tpu.memory_space<vmem>>, vector<16xi32>,
    tpu.vector_store %arg6[%swap3A_192], %add3A_191 {strides = array<i32>} : memref<512xi32, #tpu.memory_space<vmem>>, vector<16xi32>,
    %get3A_194 = arith.constant 224 : index
    %get3A_195 = tpu.vector_load %arg5[%get3A_194] {strides = array<i32>} : memref<512xi32, #tpu.memory_space<vmem>>, vector<16xi32>,
    %shift_right_arithmetic3A_196 = arith.constant 15 : i32
    %shift_right_arithmetic3A_197 = vector.broadcast %shift_right_arithmetic3A_196 : i32 to vector<16xi32>
    %shift_right_arithmetic3A_198 = arith.shrsi %get3A_195, %shift_right_arithmetic3A_197 : vector<16xi32>
    %shift_left3A_199 = arith.constant 13 : i32
    %shift_left3A_200 = vector.broadcast %shift_left3A_199 : i32 to vector<16xi32>
    %shift_left3A_201 = arith.shli %shift_right_arithmetic3A_198, %shift_left3A_200 : vector<16xi32>
    %and3A_202 = arith.constant 8191 : i32
    %and3A_203 = vector.broadcast %and3A_202 : i32 to vector<16xi32>
    %and3A_204 = arith.andi %get3A_195, %and3A_203 : vector<16xi32>
    %add3A_205 = arith.addi %shift_left3A_201, %and3A_204 : vector<16xi32>
    %swap3A_206 = arith.constant 224 : index
    %swap3A_207 = tpu.vector_load %arg6[%swap3A_206] {strides = array<i32>} : memref<512xi32, #tpu.memory_space<vmem>>, vector<16xi32>,
    tpu.vector_store %arg6[%swap3A_206], %add3A_205 {strides = array<i32>} : memref<512xi32, #tpu.memory_space<vmem>>, vector<16xi32>,
    %get3A_208 = arith.constant 240 : index
    %get3A_209 = tpu.vector_load %arg5[%get3A_208] {strides = array<i32>} : memref<512xi32, #tpu.memory_space<vmem>>, vector<16xi32>,
    %shift_right_arithmetic3A_210 = arith.constant 15 : i32
    %shift_right_arithmetic3A_211 = vector.broadcast %shift_right_arithmetic3A_210 : i32 to vector<16xi32>
    %shift_right_arithmetic3A_212 = arith.shrsi %get3A_209, %shift_right_arithmetic3A_211 : vector<16xi32>
    %shift_left3A_213 = arith.constant 13 : i32
    %shift_left3A_214 = vector.broadcast %shift_left3A_213 : i32 to vector<16xi32>
    %shift_left3A_215 = arith.shli %shift_right_arithmetic3A_212, %shift_left3A_214 : vector<16xi32>
    %and3A_216 = arith.constant 8191 : i32
    %and3A_217 = vector.broadcast %and3A_216 : i32 to vector<16xi32>
    %and3A_218 = arith.andi %get3A_209, %and3A_217 : vector<16xi32>
    %add3A_219 = arith.addi %shift_left3A_215, %and3A_218 : vector<16xi32>
    %swap3A_220 = arith.constant 240 : index
    %swap3A_221 = tpu.vector_load %arg6[%swap3A_220] {strides = array<i32>} : memref<512xi32, #tpu.memory_space<vmem>>, vector<16xi32>,
    tpu.vector_store %arg6[%swap3A_220], %add3A_219 {strides = array<i32>} : memref<512xi32, #tpu.memory_space<vmem>>, vector<16xi32>,
    %get3A_222 = arith.constant 256 : index
    %get3A_223 = tpu.vector_load %arg5[%get3A_222] {strides = array<i32>} : memref<512xi32, #tpu.memory_space<vmem>>, vector<16xi32>,
    %shift_right_arithmetic3A_224 = arith.constant 15 : i32
    %shift_right_arithmetic3A_225 = vector.broadcast %shift_right_arithmetic3A_224 : i32 to vector<16xi32>
    %shift_right_arithmetic3A_226 = arith.shrsi %get3A_223, %shift_right_arithmetic3A_225 : vector<16xi32>
    %shift_left3A_227 = arith.constant 13 : i32
    %shift_left3A_228 = vector.broadcast %shift_left3A_227 : i32 to vector<16xi32>
    %shift_left3A_229 = arith.shli %shift_right_arithmetic3A_226, %shift_left3A_228 : vector<16xi32>
    %and3A_230 = arith.constant 8191 : i32
    %and3A_231 = vector.broadcast %and3A_230 : i32 to vector<16xi32>
    %and3A_232 = arith.andi %get3A_223, %and3A_231 : vector<16xi32>
    %add3A_233 = arith.addi %shift_left3A_229, %and3A_232 : vector<16xi32>
    %swap3A_234 = arith.constant 256 : index
    %swap3A_235 = tpu.vector_load %arg6[%swap3A_234] {strides = array<i32>} : memref<512xi32, #tpu.memory_space<vmem>>, vector<16xi32>,
    tpu.vector_store %arg6[%swap3A_234], %add3A_233 {strides = array<i32>} : memref<512xi32, #tpu.memory_space<vmem>>, vector<16xi32>,
    %get3A_236 = arith.constant 272 : index
    %get3A_237 = tpu.vector_load %arg5[%get3A_236] {strides = array<i32>} : memref<512xi32, #tpu.memory_space<vmem>>, vector<16xi32>,
    %shift_right_arithmetic3A_238 = arith.constant 15 : i32
    %shift_right_arithmetic3A_239 = vector.broadcast %shift_right_arithmetic3A_238 : i32 to vector<16xi32>
    %shift_right_arithmetic3A_240 = arith.shrsi %get3A_237, %shift_right_arithmetic3A_239 : vector<16xi32>
    %shift_left3A_241 = arith.constant 13 : i32
    %shift_left3A_242 = vector.broadcast %shift_left3A_241 : i32 to vector<16xi32>
    %shift_left3A_243 = arith.shli %shift_right_arithmetic3A_240, %shift_left3A_242 : vector<16xi32>
    %and3A_244 = arith.constant 8191 : i32
    %and3A_245 = vector.broadcast %and3A_244 : i32 to vector<16xi32>
    %and3A_246 = arith.andi %get3A_237, %and3A_245 : vector<16xi32>
    %add3A_247 = arith.addi %shift_left3A_243, %and3A_246 : vector<16xi32>
    %swap3A_248 = arith.constant 272 : index
    %swap3A_249 = tpu.vector_load %arg6[%swap3A_248] {strides = array<i32>} : memref<512xi32, #tpu.memory_space<vmem>>, vector<16xi32>,
    tpu.vector_store %arg6[%swap3A_248], %add3A_247 {strides = array<i32>} : memref<512xi32, #tpu.memory_space<vmem>>, vector<16xi32>,
    %get3A_250 = arith.constant 288 : index
    %get3A_251 = tpu.vector_load %arg5[%get3A_250] {strides = array<i32>} : memref<512xi32, #tpu.memory_space<vmem>>, vector<16xi32>,
    %shift_right_arithmetic3A_252 = arith.constant 15 : i32
    %shift_right_arithmetic3A_253 = vector.broadcast %shift_right_arithmetic3A_252 : i32 to vector<16xi32>
    %shift_right_arithmetic3A_254 = arith.shrsi %get3A_251, %shift_right_arithmetic3A_253 : vector<16xi32>
    %shift_left3A_255 = arith.constant 13 : i32
    %shift_left3A_256 = vector.broadcast %shift_left3A_255 : i32 to vector<16xi32>
    %shift_left3A_257 = arith.shli %shift_right_arithmetic3A_254, %shift_left3A_256 : vector<16xi32>
    %and3A_258 = arith.constant 8191 : i32
    %and3A_259 = vector.broadcast %and3A_258 : i32 to vector<16xi32>
    %and3A_260 = arith.andi %get3A_251, %and3A_259 : vector<16xi32>
    %add3A_261 = arith.addi %shift_left3A_257, %and3A_260 : vector<16xi32>
    %swap3A_262 = arith.constant 288 : index
    %swap3A_263 = tpu.vector_load %arg6[%swap3A_262] {strides = array<i32>} : memref<512xi32, #tpu.memory_space<vmem>>, vector<16xi32>,
    tpu.vector_store %arg6[%swap3A_262], %add3A_261 {strides = array<i32>} : memref<512xi32, #tpu.memory_space<vmem>>, vector<16xi32>,
    %get3A_264 = arith.constant 304 : index
    %get3A_265 = tpu.vector_load %arg5[%get3A_264] {strides = array<i32>} : memref<512xi32, #tpu.memory_space<vmem>>, vector<16xi32>,
    %shift_right_arithmetic3A_266 = arith.constant 15 : i32
    %shift_right_arithmetic3A_267 = vector.broadcast %shift_right_arithmetic3A_266 : i32 to vector<16xi32>
    %shift_right_arithmetic3A_268 = arith.shrsi %get3A_265, %shift_right_arithmetic3A_267 : vector<16xi32>
    %shift_left3A_269 = arith.constant 13 : i32
    %shift_left3A_270 = vector.broadcast %shift_left3A_269 : i32 to vector<16xi32>
    %shift_left3A_271 = arith.shli %shift_right_arithmetic3A_268, %shift_left3A_270 : vector<16xi32>
    %and3A_272 = arith.constant 8191 : i32
    %and3A_273 = vector.broadcast %and3A_272 : i32 to vector<16xi32>
    %and3A_274 = arith.andi %get3A_265, %and3A_273 : vector<16xi32>
    %add3A_275 = arith.addi %shift_left3A_271, %and3A_274 : vector<16xi32>
    %swap3A_276 = arith.constant 304 : index
    %swap3A_277 = tpu.vector_load %arg6[%swap3A_276] {strides = array<i32>} : memref<512xi32, #tpu.memory_space<vmem>>, vector<16xi32>,
    tpu.vector_store %arg6[%swap3A_276], %add3A_275 {strides = array<i32>} : memref<512xi32, #tpu.memory_space<vmem>>, vector<16xi32>,
    %get3A_278 = arith.constant 320 : index
    %get3A_279 = tpu.vector_load %arg5[%get3A_278] {strides = array<i32>} : memref<512xi32, #tpu.memory_space<vmem>>, vector<16xi32>,
    %shift_right_arithmetic3A_280 = arith.constant 15 : i32
    %shift_right_arithmetic3A_281 = vector.broadcast %shift_right_arithmetic3A_280 : i32 to vector<16xi32>
    %shift_right_arithmetic3A_282 = arith.shrsi %get3A_279, %shift_right_arithmetic3A_281 : vector<16xi32>
    %shift_left3A_283 = arith.constant 13 : i32
    %shift_left3A_284 = vector.broadcast %shift_left3A_283 : i32 to vector<16xi32>
    %shift_left3A_285 = arith.shli %shift_right_arithmetic3A_282, %shift_left3A_284 : vector<16xi32>
    %and3A_286 = arith.constant 8191 : i32
    %and3A_287 = vector.broadcast %and3A_286 : i32 to vector<16xi32>
    %and3A_288 = arith.andi %get3A_279, %and3A_287 : vector<16xi32>
    %add3A_289 = arith.addi %shift_left3A_285, %and3A_288 : vector<16xi32>
    %swap3A_290 = arith.constant 320 : index
    %swap3A_291 = tpu.vector_load %arg6[%swap3A_290] {strides = array<i32>} : memref<512xi32, #tpu.memory_space<vmem>>, vector<16xi32>,
    tpu.vector_store %arg6[%swap3A_290], %add3A_289 {strides = array<i32>} : memref<512xi32, #tpu.memory_space<vmem>>, vector<16xi32>,
    %get3A_292 = arith.constant 336 : index
    %get3A_293 = tpu.vector_load %arg5[%get3A_292] {strides = array<i32>} : memref<512xi32, #tpu.memory_space<vmem>>, vector<16xi32>,
    %shift_right_arithmetic3A_294 = arith.constant 15 : i32
    %shift_right_arithmetic3A_295 = vector.broadcast %shift_right_arithmetic3A_294 : i32 to vector<16xi32>
    %shift_right_arithmetic3A_296 = arith.shrsi %get3A_293, %shift_right_arithmetic3A_295 : vector<16xi32>
    %shift_left3A_297 = arith.constant 13 : i32
    %shift_left3A_298 = vector.broadcast %shift_left3A_297 : i32 to vector<16xi32>
    %shift_left3A_299 = arith.shli %shift_right_arithmetic3A_296, %shift_left3A_298 : vector<16xi32>
    %and3A_300 = arith.constant 8191 : i32
    %and3A_301 = vector.broadcast %and3A_300 : i32 to vector<16xi32>
    %and3A_302 = arith.andi %get3A_293, %and3A_301 : vector<16xi32>
    %add3A_303 = arith.addi %shift_left3A_299, %and3A_302 : vector<16xi32>
    %swap3A_304 = arith.constant 336 : index
    %swap3A_305 = tpu.vector_load %arg6[%swap3A_304] {strides = array<i32>} : memref<512xi32, #tpu.memory_space<vmem>>, vector<16xi32>,
    tpu.vector_store %arg6[%swap3A_304], %add3A_303 {strides = array<i32>} : memref<512xi32, #tpu.memory_space<vmem>>, vector<16xi32>,
    %get3A_306 = arith.constant 352 : index
    %get3A_307 = tpu.vector_load %arg5[%get3A_306] {strides = array<i32>} : memref<512xi32, #tpu.memory_space<vmem>>, vector<16xi32>,
    %shift_right_arithmetic3A_308 = arith.constant 15 : i32
    %shift_right_arithmetic3A_309 = vector.broadcast %shift_right_arithmetic3A_308 : i32 to vector<16xi32>
    %shift_right_arithmetic3A_310 = arith.shrsi %get3A_307, %shift_right_arithmetic3A_309 : vector<16xi32>
    %shift_left3A_311 = arith.constant 13 : i32
    %shift_left3A_312 = vector.broadcast %shift_left3A_311 : i32 to vector<16xi32>
    %shift_left3A_313 = arith.shli %shift_right_arithmetic3A_310, %shift_left3A_312 : vector<16xi32>
    %and3A_314 = arith.constant 8191 : i32
    %and3A_315 = vector.broadcast %and3A_314 : i32 to vector<16xi32>
    %and3A_316 = arith.andi %get3A_307, %and3A_315 : vector<16xi32>
    %add3A_317 = arith.addi %shift_left3A_313, %and3A_316 : vector<16xi32>
    %swap3A_318 = arith.constant 352 : index
    %swap3A_319 = tpu.vector_load %arg6[%swap3A_318] {strides = array<i32>} : memref<512xi32, #tpu.memory_space<vmem>>, vector<16xi32>,
    tpu.vector_store %arg6[%swap3A_318], %add3A_317 {strides = array<i32>} : memref<512xi32, #tpu.memory_space<vmem>>, vector<16xi32>,
    %get3A_320 = arith.constant 368 : index
    %get3A_321 = tpu.vector_load %arg5[%get3A_320] {strides = array<i32>} : memref<512xi32, #tpu.memory_space<vmem>>, vector<16xi32>,
    %shift_right_arithmetic3A_322 = arith.constant 15 : i32
    %shift_right_arithmetic3A_323 = vector.broadcast %shift_right_arithmetic3A_322 : i32 to vector<16xi32>
    %shift_right_arithmetic3A_324 = arith.shrsi %get3A_321, %shift_right_arithmetic3A_323 : vector<16xi32>
    %shift_left3A_325 = arith.constant 13 : i32
    %shift_left3A_326 = vector.broadcast %shift_left3A_325 : i32 to vector<16xi32>
    %shift_left3A_327 = arith.shli %shift_right_arithmetic3A_324, %shift_left3A_326 : vector<16xi32>
    %and3A_328 = arith.constant 8191 : i32
    %and3A_329 = vector.broadcast %and3A_328 : i32 to vector<16xi32>
    %and3A_330 = arith.andi %get3A_321, %and3A_329 : vector<16xi32>
    %add3A_331 = arith.addi %shift_left3A_327, %and3A_330 : vector<16xi32>
    %swap3A_332 = arith.constant 368 : index
    %swap3A_333 = tpu.vector_load %arg6[%swap3A_332] {strides = array<i32>} : memref<512xi32, #tpu.memory_space<vmem>>, vector<16xi32>,
    tpu.vector_store %arg6[%swap3A_332], %add3A_331 {strides = array<i32>} : memref<512xi32, #tpu.memory_space<vmem>>, vector<16xi32>,
    %get3A_334 = arith.constant 384 : index
    %get3A_335 = tpu.vector_load %arg5[%get3A_334] {strides = array<i32>} : memref<512xi32, #tpu.memory_space<vmem>>, vector<16xi32>,
    %shift_right_arithmetic3A_336 = arith.constant 15 : i32
    %shift_right_arithmetic3A_337 = vector.broadcast %shift_right_arithmetic3A_336 : i32 to vector<16xi32>
    %shift_right_arithmetic3A_338 = arith.shrsi %get3A_335, %shift_right_arithmetic3A_337 : vector<16xi32>
    %shift_left3A_339 = arith.constant 13 : i32
    %shift_left3A_340 = vector.broadcast %shift_left3A_339 : i32 to vector<16xi32>
    %shift_left3A_341 = arith.shli %shift_right_arithmetic3A_338, %shift_left3A_340 : vector<16xi32>
    %and3A_342 = arith.constant 8191 : i32
    %and3A_343 = vector.broadcast %and3A_342 : i32 to vector<16xi32>
    %and3A_344 = arith.andi %get3A_335, %and3A_343 : vector<16xi32>
    %add3A_345 = arith.addi %shift_left3A_341, %and3A_344 : vector<16xi32>
    %swap3A_346 = arith.constant 384 : index
    %swap3A_347 = tpu.vector_load %arg6[%swap3A_346] {strides = array<i32>} : memref<512xi32, #tpu.memory_space<vmem>>, vector<16xi32>,
    tpu.vector_store %arg6[%swap3A_346], %add3A_345 {strides = array<i32>} : memref<512xi32, #tpu.memory_space<vmem>>, vector<16xi32>,
    %get3A_348 = arith.constant 400 : index
    %get3A_349 = tpu.vector_load %arg5[%get3A_348] {strides = array<i32>} : memref<512xi32, #tpu.memory_space<vmem>>, vector<16xi32>,
    %shift_right_arithmetic3A_350 = arith.constant 15 : i32
    %shift_right_arithmetic3A_351 = vector.broadcast %shift_right_arithmetic3A_350 : i32 to vector<16xi32>
    %shift_right_arithmetic3A_352 = arith.shrsi %get3A_349, %shift_right_arithmetic3A_351 : vector<16xi32>
    %shift_left3A_353 = arith.constant 13 : i32
    %shift_left3A_354 = vector.broadcast %shift_left3A_353 : i32 to vector<16xi32>
    %shift_left3A_355 = arith.shli %shift_right_arithmetic3A_352, %shift_left3A_354 : vector<16xi32>
    %and3A_356 = arith.constant 8191 : i32
    %and3A_357 = vector.broadcast %and3A_356 : i32 to vector<16xi32>
    %and3A_358 = arith.andi %get3A_349, %and3A_357 : vector<16xi32>
    %add3A_359 = arith.addi %shift_left3A_355, %and3A_358 : vector<16xi32>
    %swap3A_360 = arith.constant 400 : index
    %swap3A_361 = tpu.vector_load %arg6[%swap3A_360] {strides = array<i32>} : memref<512xi32, #tpu.memory_space<vmem>>, vector<16xi32>,
    tpu.vector_store %arg6[%swap3A_360], %add3A_359 {strides = array<i32>} : memref<512xi32, #tpu.memory_space<vmem>>, vector<16xi32>,
    %get3A_362 = arith.constant 416 : index
    %get3A_363 = tpu.vector_load %arg5[%get3A_362] {strides = array<i32>} : memref<512xi32, #tpu.memory_space<vmem>>, vector<16xi32>,
    %shift_right_arithmetic3A_364 = arith.constant 15 : i32
    %shift_right_arithmetic3A_365 = vector.broadcast %shift_right_arithmetic3A_364 : i32 to vector<16xi32>
    %shift_right_arithmetic3A_366 = arith.shrsi %get3A_363, %shift_right_arithmetic3A_365 : vector<16xi32>
    %shift_left3A_367 = arith.constant 13 : i32
    %shift_left3A_368 = vector.broadcast %shift_left3A_367 : i32 to vector<16xi32>
    %shift_left3A_369 = arith.shli %shift_right_arithmetic3A_366, %shift_left3A_368 : vector<16xi32>
    %and3A_370 = arith.constant 8191 : i32
    %and3A_371 = vector.broadcast %and3A_370 : i32 to vector<16xi32>
    %and3A_372 = arith.andi %get3A_363, %and3A_371 : vector<16xi32>
    %add3A_373 = arith.addi %shift_left3A_369, %and3A_372 : vector<16xi32>
    %swap3A_374 = arith.constant 416 : index
    %swap3A_375 = tpu.vector_load %arg6[%swap3A_374] {strides = array<i32>} : memref<512xi32, #tpu.memory_space<vmem>>, vector<16xi32>,
    tpu.vector_store %arg6[%swap3A_374], %add3A_373 {strides = array<i32>} : memref<512xi32, #tpu.memory_space<vmem>>, vector<16xi32>,
    %get3A_376 = arith.constant 432 : index
    %get3A_377 = tpu.vector_load %arg5[%get3A_376] {strides = array<i32>} : memref<512xi32, #tpu.memory_space<vmem>>, vector<16xi32>,
    %shift_right_arithmetic3A_378 = arith.constant 15 : i32
    %shift_right_arithmetic3A_379 = vector.broadcast %shift_right_arithmetic3A_378 : i32 to vector<16xi32>
    %shift_right_arithmetic3A_380 = arith.shrsi %get3A_377, %shift_right_arithmetic3A_379 : vector<16xi32>
    %shift_left3A_381 = arith.constant 13 : i32
    %shift_left3A_382 = vector.broadcast %shift_left3A_381 : i32 to vector<16xi32>
    %shift_left3A_383 = arith.shli %shift_right_arithmetic3A_380, %shift_left3A_382 : vector<16xi32>
    %and3A_384 = arith.constant 8191 : i32
    %and3A_385 = vector.broadcast %and3A_384 : i32 to vector<16xi32>
    %and3A_386 = arith.andi %get3A_377, %and3A_385 : vector<16xi32>
    %add3A_387 = arith.addi %shift_left3A_383, %and3A_386 : vector<16xi32>
    %swap3A_388 = arith.constant 432 : index
    %swap3A_389 = tpu.vector_load %arg6[%swap3A_388] {strides = array<i32>} : memref<512xi32, #tpu.memory_space<vmem>>, vector<16xi32>,
    tpu.vector_store %arg6[%swap3A_388], %add3A_387 {strides = array<i32>} : memref<512xi32, #tpu.memory_space<vmem>>, vector<16xi32>,
    %get3A_390 = arith.constant 448 : index
    %get3A_391 = tpu.vector_load %arg5[%get3A_390] {strides = array<i32>} : memref<512xi32, #tpu.memory_space<vmem>>, vector<16xi32>,
    %shift_right_arithmetic3A_392 = arith.constant 15 : i32
    %shift_right_arithmetic3A_393 = vector.broadcast %shift_right_arithmetic3A_392 : i32 to vector<16xi32>
    %shift_right_arithmetic3A_394 = arith.shrsi %get3A_391, %shift_right_arithmetic3A_393 : vector<16xi32>
    %shift_left3A_395 = arith.constant 13 : i32
    %shift_left3A_396 = vector.broadcast %shift_left3A_395 : i32 to vector<16xi32>
    %shift_left3A_397 = arith.shli %shift_right_arithmetic3A_394, %shift_left3A_396 : vector<16xi32>
    %and3A_398 = arith.constant 8191 : i32
    %and3A_399 = vector.broadcast %and3A_398 : i32 to vector<16xi32>
    %and3A_400 = arith.andi %get3A_391, %and3A_399 : vector<16xi32>
    %add3A_401 = arith.addi %shift_left3A_397, %and3A_400 : vector<16xi32>
    %swap3A_402 = arith.constant 448 : index
    %swap3A_403 = tpu.vector_load %arg6[%swap3A_402] {strides = array<i32>} : memref<512xi32, #tpu.memory_space<vmem>>, vector<16xi32>,
    tpu.vector_store %arg6[%swap3A_402], %add3A_401 {strides = array<i32>} : memref<512xi32, #tpu.memory_space<vmem>>, vector<16xi32>,
    %get3A_404 = arith.constant 464 : index
    %get3A_405 = tpu.vector_load %arg5[%get3A_404] {strides = array<i32>} : memref<512xi32, #tpu.memory_space<vmem>>, vector<16xi32>,
    %shift_right_arithmetic3A_406 = arith.constant 15 : i32
    %shift_right_arithmetic3A_407 = vector.broadcast %shift_right_arithmetic3A_406 : i32 to vector<16xi32>
    %shift_right_arithmetic3A_408 = arith.shrsi %get3A_405, %shift_right_arithmetic3A_407 : vector<16xi32>
    %shift_left3A_409 = arith.constant 13 : i32
    %shift_left3A_410 = vector.broadcast %shift_left3A_409 : i32 to vector<16xi32>
    %shift_left3A_411 = arith.shli %shift_right_arithmetic3A_408, %shift_left3A_410 : vector<16xi32>
    %and3A_412 = arith.constant 8191 : i32
    %and3A_413 = vector.broadcast %and3A_412 : i32 to vector<16xi32>
    %and3A_414 = arith.andi %get3A_405, %and3A_413 : vector<16xi32>
    %add3A_415 = arith.addi %shift_left3A_411, %and3A_414 : vector<16xi32>
    %swap3A_416 = arith.constant 464 : index
    %swap3A_417 = tpu.vector_load %arg6[%swap3A_416] {strides = array<i32>} : memref<512xi32, #tpu.memory_space<vmem>>, vector<16xi32>,
    tpu.vector_store %arg6[%swap3A_416], %add3A_415 {strides = array<i32>} : memref<512xi32, #tpu.memory_space<vmem>>, vector<16xi32>,
    %get3A_418 = arith.constant 480 : index
    %get3A_419 = tpu.vector_load %arg5[%get3A_418] {strides = array<i32>} : memref<512xi32, #tpu.memory_space<vmem>>, vector<16xi32>,
    %shift_right_arithmetic3A_420 = arith.constant 15 : i32
    %shift_right_arithmetic3A_421 = vector.broadcast %shift_right_arithmetic3A_420 : i32 to vector<16xi32>
    %shift_right_arithmetic3A_422 = arith.shrsi %get3A_419, %shift_right_arithmetic3A_421 : vector<16xi32>
    %shift_left3A_423 = arith.constant 13 : i32
    %shift_left3A_424 = vector.broadcast %shift_left3A_423 : i32 to vector<16xi32>
    %shift_left3A_425 = arith.shli %shift_right_arithmetic3A_422, %shift_left3A_424 : vector<16xi32>
    %and3A_426 = arith.constant 8191 : i32
    %and3A_427 = vector.broadcast %and3A_426 : i32 to vector<16xi32>
    %and3A_428 = arith.andi %get3A_419, %and3A_427 : vector<16xi32>
    %add3A_429 = arith.addi %shift_left3A_425, %and3A_428 : vector<16xi32>
    %swap3A_430 = arith.constant 480 : index
    %swap3A_431 = tpu.vector_load %arg6[%swap3A_430] {strides = array<i32>} : memref<512xi32, #tpu.memory_space<vmem>>, vector<16xi32>,
    tpu.vector_store %arg6[%swap3A_430], %add3A_429 {strides = array<i32>} : memref<512xi32, #tpu.memory_space<vmem>>, vector<16xi32>,
    %get3A_432 = arith.constant 496 : index
    %get3A_433 = tpu.vector_load %arg5[%get3A_432] {strides = array<i32>} : memref<512xi32, #tpu.memory_space<vmem>>, vector<16xi32>,
    %shift_right_arithmetic3A_434 = arith.constant 15 : i32
    %shift_right_arithmetic3A_435 = vector.broadcast %shift_right_arithmetic3A_434 : i32 to vector<16xi32>
    %shift_right_arithmetic3A_436 = arith.shrsi %get3A_433, %shift_right_arithmetic3A_435 : vector<16xi32>
    %shift_left3A_437 = arith.constant 13 : i32
    %shift_left3A_438 = vector.broadcast %shift_left3A_437 : i32 to vector<16xi32>
    %shift_left3A_439 = arith.shli %shift_right_arithmetic3A_436, %shift_left3A_438 : vector<16xi32>
    %and3A_440 = arith.constant 8191 : i32
    %and3A_441 = vector.broadcast %and3A_440 : i32 to vector<16xi32>
    %and3A_442 = arith.andi %get3A_433, %and3A_441 : vector<16xi32>
    %add3A_443 = arith.addi %shift_left3A_439, %and3A_442 : vector<16xi32>
    %swap3A_444 = arith.constant 496 : index
    %swap3A_445 = tpu.vector_load %arg6[%swap3A_444] {strides = array<i32>} : memref<512xi32, #tpu.memory_space<vmem>>, vector<16xi32>,
    tpu.vector_store %arg6[%swap3A_444], %add3A_443 {strides = array<i32>} : memref<512xi32, #tpu.memory_space<vmem>>, vector<16xi32>,
    %dma_start3A = arith.constant 0 : i32
    %dma_start3A_446 = arith.constant 0 : i32
    %dma_start3A_447 = tpu.memref_slice %arg7[%dma_start3A, %dma_start3A_446] : memref<512x128xf32, #tpu.memory_space<vmem>> -> memref<128x128xf32, #tpu.memory_space<vmem>>
    %dma_start3A_448 = arith.constant 0 : i32
    %dma_start3A_449 = tpu.memref_slice %arg6[%dma_start3A_448] : memref<512xi32, #tpu.memory_space<vmem>> -> memref<128xi32, #tpu.memory_space<vmem>>
    %dma_start3A_450 = arith.constant 0 : i32
    %dma_start3A_451 = arith.constant 0 : i32
    %dma_start3A_452 = tpu.memref_slice %arg3[%dma_start3A_450, %dma_start3A_451] : memref<253952x128xf32, #tpu.memory_space<hbm>> -> memref<253952x128xf32, #tpu.memory_space<hbm>>
    tpu.enqueue_indirect_dma source(%dma_start3A_452 : memref<253952x128xf32, #tpu.memory_space<hbm>>) target(%dma_start3A_447 : memref<128x128xf32, #tpu.memory_space<vmem>>) offsets(%dma_start3A_449 : memref<128xi32, #tpu.memory_space<vmem>>) semaphore(%arg9 : memref<!tpu.dma_semaphore, #tpu.memory_space<semaphore_mem>>)
    %dma_start3A_453 = arith.constant 128 : i32
    %dma_start3A_454 = arith.constant 0 : i32
    %dma_start3A_455 = tpu.memref_slice %arg7[%dma_start3A_453, %dma_start3A_454] : memref<512x128xf32, #tpu.memory_space<vmem>> -> memref<128x128xf32, #tpu.memory_space<vmem>>
    %dma_start3A_456 = arith.constant 128 : i32
    %dma_start3A_457 = tpu.memref_slice %arg6[%dma_start3A_456] : memref<512xi32, #tpu.memory_space<vmem>> -> memref<128xi32, #tpu.memory_space<vmem>>
    %dma_start3A_458 = arith.constant 0 : i32
    %dma_start3A_459 = arith.constant 0 : i32
    %dma_start3A_460 = tpu.memref_slice %arg3[%dma_start3A_458, %dma_start3A_459] : memref<253952x128xf32, #tpu.memory_space<hbm>> -> memref<253952x128xf32, #tpu.memory_space<hbm>>
    tpu.enqueue_indirect_dma source(%dma_start3A_460 : memref<253952x128xf32, #tpu.memory_space<hbm>>) target(%dma_start3A_455 : memref<128x128xf32, #tpu.memory_space<vmem>>) offsets(%dma_start3A_457 : memref<128xi32, #tpu.memory_space<vmem>>) semaphore(%arg9 : memref<!tpu.dma_semaphore, #tpu.memory_space<semaphore_mem>>)
    %dma_start3A_461 = arith.constant 256 : i32
    %dma_start3A_462 = arith.constant 0 : i32
    %dma_start3A_463 = tpu.memref_slice %arg7[%dma_start3A_461, %dma_start3A_462] : memref<512x128xf32, #tpu.memory_space<vmem>> -> memref<128x128xf32, #tpu.memory_space<vmem>>
    %dma_start3A_464 = arith.constant 256 : i32
    %dma_start3A_465 = tpu.memref_slice %arg6[%dma_start3A_464] : memref<512xi32, #tpu.memory_space<vmem>> -> memref<128xi32, #tpu.memory_space<vmem>>
    %dma_start3A_466 = arith.constant 0 : i32
    %dma_start3A_467 = arith.constant 0 : i32
    %dma_start3A_468 = tpu.memref_slice %arg3[%dma_start3A_466, %dma_start3A_467] : memref<253952x128xf32, #tpu.memory_space<hbm>> -> memref<253952x128xf32, #tpu.memory_space<hbm>>
    tpu.enqueue_indirect_dma source(%dma_start3A_468 : memref<253952x128xf32, #tpu.memory_space<hbm>>) target(%dma_start3A_463 : memref<128x128xf32, #tpu.memory_space<vmem>>) offsets(%dma_start3A_465 : memref<128xi32, #tpu.memory_space<vmem>>) semaphore(%arg9 : memref<!tpu.dma_semaphore, #tpu.memory_space<semaphore_mem>>)
    %dma_start3A_469 = arith.constant 384 : i32
    %dma_start3A_470 = arith.constant 0 : i32
    %dma_start3A_471 = tpu.memref_slice %arg7[%dma_start3A_469, %dma_start3A_470] : memref<512x128xf32, #tpu.memory_space<vmem>> -> memref<128x128xf32, #tpu.memory_space<vmem>>
    %dma_start3A_472 = arith.constant 384 : i32
    %dma_start3A_473 = tpu.memref_slice %arg6[%dma_start3A_472] : memref<512xi32, #tpu.memory_space<vmem>> -> memref<128xi32, #tpu.memory_space<vmem>>
    %dma_start3A_474 = arith.constant 0 : i32
    %dma_start3A_475 = arith.constant 0 : i32
    %dma_start3A_476 = tpu.memref_slice %arg3[%dma_start3A_474, %dma_start3A_475] : memref<253952x128xf32, #tpu.memory_space<hbm>> -> memref<253952x128xf32, #tpu.memory_space<hbm>>
    tpu.enqueue_indirect_dma source(%dma_start3A_476 : memref<253952x128xf32, #tpu.memory_space<hbm>>) target(%dma_start3A_471 : memref<128x128xf32, #tpu.memory_space<vmem>>) offsets(%dma_start3A_473 : memref<128xi32, #tpu.memory_space<vmem>>) semaphore(%arg9 : memref<!tpu.dma_semaphore, #tpu.memory_space<semaphore_mem>>)
    %dma_wait3A = arith.constant 0 : i32
    %dma_wait3A_477 = arith.constant 0 : i32
    %dma_wait3A_478 = tpu.memref_slice %arg7[%dma_wait3A, %dma_wait3A_477] : memref<512x128xf32, #tpu.memory_space<vmem>> -> memref<128x128xf32, #tpu.memory_space<vmem>>
    %dma_wait3A_479 = arith.constant 0 : i32
    %dma_wait3A_480 = tpu.memref_slice %arg6[%dma_wait3A_479] : memref<512xi32, #tpu.memory_space<vmem>> -> memref<128xi32, #tpu.memory_space<vmem>>
    %dma_wait3A_481 = arith.constant 0 : i32
    %dma_wait3A_482 = arith.constant 0 : i32
    %dma_wait3A_483 = tpu.memref_slice %arg3[%dma_wait3A_481, %dma_wait3A_482] : memref<253952x128xf32, #tpu.memory_space<hbm>> -> memref<253952x128xf32, #tpu.memory_space<hbm>>
    tpu.wait_indirect_dma semaphore(%arg9 : memref<!tpu.dma_semaphore, #tpu.memory_space<semaphore_mem>>) src(%dma_wait3A_483 : memref<253952x128xf32, #tpu.memory_space<hbm>>) dst(%dma_wait3A_478 : memref<128x128xf32, #tpu.memory_space<vmem>>)
    %dma_wait3A_484 = arith.constant 128 : i32
    %dma_wait3A_485 = arith.constant 0 : i32
    %dma_wait3A_486 = tpu.memref_slice %arg7[%dma_wait3A_484, %dma_wait3A_485] : memref<512x128xf32, #tpu.memory_space<vmem>> -> memref<128x128xf32, #tpu.memory_space<vmem>>
    %dma_wait3A_487 = arith.constant 128 : i32
    %dma_wait3A_488 = tpu.memref_slice %arg6[%dma_wait3A_487] : memref<512xi32, #tpu.memory_space<vmem>> -> memref<128xi32, #tpu.memory_space<vmem>>
    %dma_wait3A_489 = arith.constant 0 : i32
    %dma_wait3A_490 = arith.constant 0 : i32
    %dma_wait3A_491 = tpu.memref_slice %arg3[%dma_wait3A_489, %dma_wait3A_490] : memref<253952x128xf32, #tpu.memory_space<hbm>> -> memref<253952x128xf32, #tpu.memory_space<hbm>>
    tpu.wait_indirect_dma semaphore(%arg9 : memref<!tpu.dma_semaphore, #tpu.memory_space<semaphore_mem>>) src(%dma_wait3A_491 : memref<253952x128xf32, #tpu.memory_space<hbm>>) dst(%dma_wait3A_486 : memref<128x128xf32, #tpu.memory_space<vmem>>)
    %dma_wait3A_492 = arith.constant 256 : i32
    %dma_wait3A_493 = arith.constant 0 : i32
    %dma_wait3A_494 = tpu.memref_slice %arg7[%dma_wait3A_492, %dma_wait3A_493] : memref<512x128xf32, #tpu.memory_space<vmem>> -> memref<128x128xf32, #tpu.memory_space<vmem>>
    %dma_wait3A_495 = arith.constant 256 : i32
    %dma_wait3A_496 = tpu.memref_slice %arg6[%dma_wait3A_495] : memref<512xi32, #tpu.memory_space<vmem>> -> memref<128xi32, #tpu.memory_space<vmem>>
    %dma_wait3A_497 = arith.constant 0 : i32
    %dma_wait3A_498 = arith.constant 0 : i32
    %dma_wait3A_499 = tpu.memref_slice %arg3[%dma_wait3A_497, %dma_wait3A_498] : memref<253952x128xf32, #tpu.memory_space<hbm>> -> memref<253952x128xf32, #tpu.memory_space<hbm>>
    tpu.wait_indirect_dma semaphore(%arg9 : memref<!tpu.dma_semaphore, #tpu.memory_space<semaphore_mem>>) src(%dma_wait3A_499 : memref<253952x128xf32, #tpu.memory_space<hbm>>) dst(%dma_wait3A_494 : memref<128x128xf32, #tpu.memory_space<vmem>>)
    %dma_wait3A_500 = arith.constant 384 : i32
    %dma_wait3A_501 = arith.constant 0 : i32
    %dma_wait3A_502 = tpu.memref_slice %arg7[%dma_wait3A_500, %dma_wait3A_501] : memref<512x128xf32, #tpu.memory_space<vmem>> -> memref<128x128xf32, #tpu.memory_space<vmem>>
    %dma_wait3A_503 = arith.constant 384 : i32
    %dma_wait3A_504 = tpu.memref_slice %arg6[%dma_wait3A_503] : memref<512xi32, #tpu.memory_space<vmem>> -> memref<128xi32, #tpu.memory_space<vmem>>
    %dma_wait3A_505 = arith.constant 0 : i32
    %dma_wait3A_506 = arith.constant 0 : i32
    %dma_wait3A_507 = tpu.memref_slice %arg3[%dma_wait3A_505, %dma_wait3A_506] : memref<253952x128xf32, #tpu.memory_space<hbm>> -> memref<253952x128xf32, #tpu.memory_space<hbm>>
    tpu.wait_indirect_dma semaphore(%arg9 : memref<!tpu.dma_semaphore, #tpu.memory_space<semaphore_mem>>) src(%dma_wait3A_507 : memref<253952x128xf32, #tpu.memory_space<hbm>>) dst(%dma_wait3A_502 : memref<128x128xf32, #tpu.memory_space<vmem>>)
    %scan3A = arith.constant 0 : i32
    %scan3A_508 = arith.constant 0 : i32
    %scan3A_509 = arith.constant 32 : i32
    %scan3A_510 = arith.addi %scan3A_508, %scan3A_509 : i32
    %scan3A_511 = arith.constant 1 : i32
    %scan3A_512 = scf.for %scan3A_514 = %scan3A_508 to %scan3A_510 step %scan3A_511 iter_args(%scan3A_515 = %scan3A) -> (i32)  : i32 {
      %mul3A_516 = arith.constant 16 : i32
      %mul3A_517 = arith.muli %scan3A_514, %mul3A_516 : i32
      %add3A_518 = vector.broadcast %mul3A_517 : i32 to vector<16xi32>
      %add3A_519 = arith.addi %add3A_518, %iota3A : vector<16xi32>
      %mul3A_520 = arith.constant 16 : i32
      %mul3A_521 = arith.muli %scan3A_514, %mul3A_520 : i32
      %get3A_522 = arith.index_cast %mul3A_521 : i32 to index
      %get3A_523 = tpu.vector_load %arg5[%get3A_522] {strides = array<i32>} : memref<512xi32, #tpu.memory_space<vmem>>, vector<16xi32>,
      %shift_right_arithmetic3A_524 = arith.constant 13 : i32
      %shift_right_arithmetic3A_525 = vector.broadcast %shift_right_arithmetic3A_524 : i32 to vector<16xi32>
      %shift_right_arithmetic3A_526 = arith.shrsi %get3A_523, %shift_right_arithmetic3A_525 : vector<16xi32>
      %and3A_527 = arith.constant 3 : i32
      %and3A_528 = vector.broadcast %and3A_527 : i32 to vector<16xi32>
      %and3A_529 = arith.andi %shift_right_arithmetic3A_526, %and3A_528 : vector<16xi32>
      %mul3A_530 = arith.constant 32 : i32
      %mul3A_531 = vector.broadcast %mul3A_530 : i32 to vector<16xi32>
      %mul3A_532 = arith.muli %and3A_529, %mul3A_531 : vector<16xi32>
      %add3A_533 = arith.constant 0 : i32
      %add3A_534 = vector.broadcast %add3A_533 : i32 to vector<16xi32>
      %add3A_535 = arith.addi %mul3A_532, %add3A_534 : vector<16xi32>
      %gather3A = tpu.vector_load_idx %arg7[%add3A_519, %add3A_535] : memref<512x128xf32, #tpu.memory_space<vmem>>[vector<16xi32>, vector<16xi32>], vector<16xf32>,
      %mul3A_536 = arith.constant 16 : i32
      %mul3A_537 = arith.muli %scan3A_514, %mul3A_536 : i32
      %swap3A_538 = arith.constant 0 : i32
      %swap3A_539 = arith.index_cast %swap3A_538 : i32 to index
      %swap3A_540 = arith.index_cast %mul3A_537 : i32 to index
      %swap3A_541 = tpu.vector_load %arg8[%swap3A_539, %swap3A_540] {strides = array<i32>} : memref<32x512xf32, #tpu.memory_space<vmem>>, vector<16xf32>,
      tpu.vector_store %arg8[%swap3A_539, %swap3A_540], %gather3A {strides = array<i32>} : memref<32x512xf32, #tpu.memory_space<vmem>>, vector<16xf32>,
      %add3A_542 = arith.constant 1 : i32
      %add3A_543 = vector.broadcast %add3A_542 : i32 to vector<16xi32>
      %add3A_544 = arith.addi %mul3A_532, %add3A_543 : vector<16xi32>
      %gather3A_545 = tpu.vector_load_idx %arg7[%add3A_519, %add3A_544] : memref<512x128xf32, #tpu.memory_space<vmem>>[vector<16xi32>, vector<16xi32>], vector<16xf32>,
      %mul3A_546 = arith.constant 16 : i32
      %mul3A_547 = arith.muli %scan3A_514, %mul3A_546 : i32
      %swap3A_548 = arith.constant 1 : i32
      %swap3A_549 = arith.index_cast %swap3A_548 : i32 to index
      %swap3A_550 = arith.index_cast %mul3A_547 : i32 to index
      %swap3A_551 = tpu.vector_load %arg8[%swap3A_549, %swap3A_550] {strides = array<i32>} : memref<32x512xf32, #tpu.memory_space<vmem>>, vector<16xf32>,
      tpu.vector_store %arg8[%swap3A_549, %swap3A_550], %gather3A_545 {strides = array<i32>} : memref<32x512xf32, #tpu.memory_space<vmem>>, vector<16xf32>,
      %add3A_552 = arith.constant 2 : i32
      %add3A_553 = vector.broadcast %add3A_552 : i32 to vector<16xi32>
      %add3A_554 = arith.addi %mul3A_532, %add3A_553 : vector<16xi32>
      %gather3A_555 = tpu.vector_load_idx %arg7[%add3A_519, %add3A_554] : memref<512x128xf32, #tpu.memory_space<vmem>>[vector<16xi32>, vector<16xi32>], vector<16xf32>,
      %mul3A_556 = arith.constant 16 : i32
      %mul3A_557 = arith.muli %scan3A_514, %mul3A_556 : i32
      %swap3A_558 = arith.constant 2 : i32
      %swap3A_559 = arith.index_cast %swap3A_558 : i32 to index
      %swap3A_560 = arith.index_cast %mul3A_557 : i32 to index
      %swap3A_561 = tpu.vector_load %arg8[%swap3A_559, %swap3A_560] {strides = array<i32>} : memref<32x512xf32, #tpu.memory_space<vmem>>, vector<16xf32>,
      tpu.vector_store %arg8[%swap3A_559, %swap3A_560], %gather3A_555 {strides = array<i32>} : memref<32x512xf32, #tpu.memory_space<vmem>>, vector<16xf32>,
      %add3A_562 = arith.constant 3 : i32
      %add3A_563 = vector.broadcast %add3A_562 : i32 to vector<16xi32>
      %add3A_564 = arith.addi %mul3A_532, %add3A_563 : vector<16xi32>
      %gather3A_565 = tpu.vector_load_idx %arg7[%add3A_519, %add3A_564] : memref<512x128xf32, #tpu.memory_space<vmem>>[vector<16xi32>, vector<16xi32>], vector<16xf32>,
      %mul3A_566 = arith.constant 16 : i32
      %mul3A_567 = arith.muli %scan3A_514, %mul3A_566 : i32
      %swap3A_568 = arith.constant 3 : i32
      %swap3A_569 = arith.index_cast %swap3A_568 : i32 to index
      %swap3A_570 = arith.index_cast %mul3A_567 : i32 to index
      %swap3A_571 = tpu.vector_load %arg8[%swap3A_569, %swap3A_570] {strides = array<i32>} : memref<32x512xf32, #tpu.memory_space<vmem>>, vector<16xf32>,
      tpu.vector_store %arg8[%swap3A_569, %swap3A_570], %gather3A_565 {strides = array<i32>} : memref<32x512xf32, #tpu.memory_space<vmem>>, vector<16xf32>,
      %add3A_572 = arith.constant 4 : i32
      %add3A_573 = vector.broadcast %add3A_572 : i32 to vector<16xi32>
      %add3A_574 = arith.addi %mul3A_532, %add3A_573 : vector<16xi32>
      %gather3A_575 = tpu.vector_load_idx %arg7[%add3A_519, %add3A_574] : memref<512x128xf32, #tpu.memory_space<vmem>>[vector<16xi32>, vector<16xi32>], vector<16xf32>,
      %mul3A_576 = arith.constant 16 : i32
      %mul3A_577 = arith.muli %scan3A_514, %mul3A_576 : i32
      %swap3A_578 = arith.constant 4 : i32
      %swap3A_579 = arith.index_cast %swap3A_578 : i32 to index
      %swap3A_580 = arith.index_cast %mul3A_577 : i32 to index
      %swap3A_581 = tpu.vector_load %arg8[%swap3A_579, %swap3A_580] {strides = array<i32>} : memref<32x512xf32, #tpu.memory_space<vmem>>, vector<16xf32>,
      tpu.vector_store %arg8[%swap3A_579, %swap3A_580], %gather3A_575 {strides = array<i32>} : memref<32x512xf32, #tpu.memory_space<vmem>>, vector<16xf32>,
      %add3A_582 = arith.constant 5 : i32
      %add3A_583 = vector.broadcast %add3A_582 : i32 to vector<16xi32>
      %add3A_584 = arith.addi %mul3A_532, %add3A_583 : vector<16xi32>
      %gather3A_585 = tpu.vector_load_idx %arg7[%add3A_519, %add3A_584] : memref<512x128xf32, #tpu.memory_space<vmem>>[vector<16xi32>, vector<16xi32>], vector<16xf32>,
      %mul3A_586 = arith.constant 16 : i32
      %mul3A_587 = arith.muli %scan3A_514, %mul3A_586 : i32
      %swap3A_588 = arith.constant 5 : i32
      %swap3A_589 = arith.index_cast %swap3A_588 : i32 to index
      %swap3A_590 = arith.index_cast %mul3A_587 : i32 to index
      %swap3A_591 = tpu.vector_load %arg8[%swap3A_589, %swap3A_590] {strides = array<i32>} : memref<32x512xf32, #tpu.memory_space<vmem>>, vector<16xf32>,
      tpu.vector_store %arg8[%swap3A_589, %swap3A_590], %gather3A_585 {strides = array<i32>} : memref<32x512xf32, #tpu.memory_space<vmem>>, vector<16xf32>,
      %add3A_592 = arith.constant 6 : i32
      %add3A_593 = vector.broadcast %add3A_592 : i32 to vector<16xi32>
      %add3A_594 = arith.addi %mul3A_532, %add3A_593 : vector<16xi32>
      %gather3A_595 = tpu.vector_load_idx %arg7[%add3A_519, %add3A_594] : memref<512x128xf32, #tpu.memory_space<vmem>>[vector<16xi32>, vector<16xi32>], vector<16xf32>,
      %mul3A_596 = arith.constant 16 : i32
      %mul3A_597 = arith.muli %scan3A_514, %mul3A_596 : i32
      %swap3A_598 = arith.constant 6 : i32
      %swap3A_599 = arith.index_cast %swap3A_598 : i32 to index
      %swap3A_600 = arith.index_cast %mul3A_597 : i32 to index
      %swap3A_601 = tpu.vector_load %arg8[%swap3A_599, %swap3A_600] {strides = array<i32>} : memref<32x512xf32, #tpu.memory_space<vmem>>, vector<16xf32>,
      tpu.vector_store %arg8[%swap3A_599, %swap3A_600], %gather3A_595 {strides = array<i32>} : memref<32x512xf32, #tpu.memory_space<vmem>>, vector<16xf32>,
      %add3A_602 = arith.constant 7 : i32
      %add3A_603 = vector.broadcast %add3A_602 : i32 to vector<16xi32>
      %add3A_604 = arith.addi %mul3A_532, %add3A_603 : vector<16xi32>
      %gather3A_605 = tpu.vector_load_idx %arg7[%add3A_519, %add3A_604] : memref<512x128xf32, #tpu.memory_space<vmem>>[vector<16xi32>, vector<16xi32>], vector<16xf32>,
      %mul3A_606 = arith.constant 16 : i32
      %mul3A_607 = arith.muli %scan3A_514, %mul3A_606 : i32
      %swap3A_608 = arith.constant 7 : i32
      %swap3A_609 = arith.index_cast %swap3A_608 : i32 to index
      %swap3A_610 = arith.index_cast %mul3A_607 : i32 to index
      %swap3A_611 = tpu.vector_load %arg8[%swap3A_609, %swap3A_610] {strides = array<i32>} : memref<32x512xf32, #tpu.memory_space<vmem>>, vector<16xf32>,
      tpu.vector_store %arg8[%swap3A_609, %swap3A_610], %gather3A_605 {strides = array<i32>} : memref<32x512xf32, #tpu.memory_space<vmem>>, vector<16xf32>,
      %add3A_612 = arith.constant 8 : i32
      %add3A_613 = vector.broadcast %add3A_612 : i32 to vector<16xi32>
      %add3A_614 = arith.addi %mul3A_532, %add3A_613 : vector<16xi32>
      %gather3A_615 = tpu.vector_load_idx %arg7[%add3A_519, %add3A_614] : memref<512x128xf32, #tpu.memory_space<vmem>>[vector<16xi32>, vector<16xi32>], vector<16xf32>,
      %mul3A_616 = arith.constant 16 : i32
      %mul3A_617 = arith.muli %scan3A_514, %mul3A_616 : i32
      %swap3A_618 = arith.constant 8 : i32
      %swap3A_619 = arith.index_cast %swap3A_618 : i32 to index
      %swap3A_620 = arith.index_cast %mul3A_617 : i32 to index
      %swap3A_621 = tpu.vector_load %arg8[%swap3A_619, %swap3A_620] {strides = array<i32>} : memref<32x512xf32, #tpu.memory_space<vmem>>, vector<16xf32>,
      tpu.vector_store %arg8[%swap3A_619, %swap3A_620], %gather3A_615 {strides = array<i32>} : memref<32x512xf32, #tpu.memory_space<vmem>>, vector<16xf32>,
      %add3A_622 = arith.constant 9 : i32
      %add3A_623 = vector.broadcast %add3A_622 : i32 to vector<16xi32>
      %add3A_624 = arith.addi %mul3A_532, %add3A_623 : vector<16xi32>
      %gather3A_625 = tpu.vector_load_idx %arg7[%add3A_519, %add3A_624] : memref<512x128xf32, #tpu.memory_space<vmem>>[vector<16xi32>, vector<16xi32>], vector<16xf32>,
      %mul3A_626 = arith.constant 16 : i32
      %mul3A_627 = arith.muli %scan3A_514, %mul3A_626 : i32
      %swap3A_628 = arith.constant 9 : i32
      %swap3A_629 = arith.index_cast %swap3A_628 : i32 to index
      %swap3A_630 = arith.index_cast %mul3A_627 : i32 to index
      %swap3A_631 = tpu.vector_load %arg8[%swap3A_629, %swap3A_630] {strides = array<i32>} : memref<32x512xf32, #tpu.memory_space<vmem>>, vector<16xf32>,
      tpu.vector_store %arg8[%swap3A_629, %swap3A_630], %gather3A_625 {strides = array<i32>} : memref<32x512xf32, #tpu.memory_space<vmem>>, vector<16xf32>,
      %add3A_632 = arith.constant 10 : i32
      %add3A_633 = vector.broadcast %add3A_632 : i32 to vector<16xi32>
      %add3A_634 = arith.addi %mul3A_532, %add3A_633 : vector<16xi32>
      %gather3A_635 = tpu.vector_load_idx %arg7[%add3A_519, %add3A_634] : memref<512x128xf32, #tpu.memory_space<vmem>>[vector<16xi32>, vector<16xi32>], vector<16xf32>,
      %mul3A_636 = arith.constant 16 : i32
      %mul3A_637 = arith.muli %scan3A_514, %mul3A_636 : i32
      %swap3A_638 = arith.constant 10 : i32
      %swap3A_639 = arith.index_cast %swap3A_638 : i32 to index
      %swap3A_640 = arith.index_cast %mul3A_637 : i32 to index
      %swap3A_641 = tpu.vector_load %arg8[%swap3A_639, %swap3A_640] {strides = array<i32>} : memref<32x512xf32, #tpu.memory_space<vmem>>, vector<16xf32>,
      tpu.vector_store %arg8[%swap3A_639, %swap3A_640], %gather3A_635 {strides = array<i32>} : memref<32x512xf32, #tpu.memory_space<vmem>>, vector<16xf32>,
      %add3A_642 = arith.constant 11 : i32
      %add3A_643 = vector.broadcast %add3A_642 : i32 to vector<16xi32>
      %add3A_644 = arith.addi %mul3A_532, %add3A_643 : vector<16xi32>
      %gather3A_645 = tpu.vector_load_idx %arg7[%add3A_519, %add3A_644] : memref<512x128xf32, #tpu.memory_space<vmem>>[vector<16xi32>, vector<16xi32>], vector<16xf32>,
      %mul3A_646 = arith.constant 16 : i32
      %mul3A_647 = arith.muli %scan3A_514, %mul3A_646 : i32
      %swap3A_648 = arith.constant 11 : i32
      %swap3A_649 = arith.index_cast %swap3A_648 : i32 to index
      %swap3A_650 = arith.index_cast %mul3A_647 : i32 to index
      %swap3A_651 = tpu.vector_load %arg8[%swap3A_649, %swap3A_650] {strides = array<i32>} : memref<32x512xf32, #tpu.memory_space<vmem>>, vector<16xf32>,
      tpu.vector_store %arg8[%swap3A_649, %swap3A_650], %gather3A_645 {strides = array<i32>} : memref<32x512xf32, #tpu.memory_space<vmem>>, vector<16xf32>,
      %add3A_652 = arith.constant 12 : i32
      %add3A_653 = vector.broadcast %add3A_652 : i32 to vector<16xi32>
      %add3A_654 = arith.addi %mul3A_532, %add3A_653 : vector<16xi32>
      %gather3A_655 = tpu.vector_load_idx %arg7[%add3A_519, %add3A_654] : memref<512x128xf32, #tpu.memory_space<vmem>>[vector<16xi32>, vector<16xi32>], vector<16xf32>,
      %mul3A_656 = arith.constant 16 : i32
      %mul3A_657 = arith.muli %scan3A_514, %mul3A_656 : i32
      %swap3A_658 = arith.constant 12 : i32
      %swap3A_659 = arith.index_cast %swap3A_658 : i32 to index
      %swap3A_660 = arith.index_cast %mul3A_657 : i32 to index
      %swap3A_661 = tpu.vector_load %arg8[%swap3A_659, %swap3A_660] {strides = array<i32>} : memref<32x512xf32, #tpu.memory_space<vmem>>, vector<16xf32>,
      tpu.vector_store %arg8[%swap3A_659, %swap3A_660], %gather3A_655 {strides = array<i32>} : memref<32x512xf32, #tpu.memory_space<vmem>>, vector<16xf32>,
      %add3A_662 = arith.constant 13 : i32
      %add3A_663 = vector.broadcast %add3A_662 : i32 to vector<16xi32>
      %add3A_664 = arith.addi %mul3A_532, %add3A_663 : vector<16xi32>
      %gather3A_665 = tpu.vector_load_idx %arg7[%add3A_519, %add3A_664] : memref<512x128xf32, #tpu.memory_space<vmem>>[vector<16xi32>, vector<16xi32>], vector<16xf32>,
      %mul3A_666 = arith.constant 16 : i32
      %mul3A_667 = arith.muli %scan3A_514, %mul3A_666 : i32
      %swap3A_668 = arith.constant 13 : i32
      %swap3A_669 = arith.index_cast %swap3A_668 : i32 to index
      %swap3A_670 = arith.index_cast %mul3A_667 : i32 to index
      %swap3A_671 = tpu.vector_load %arg8[%swap3A_669, %swap3A_670] {strides = array<i32>} : memref<32x512xf32, #tpu.memory_space<vmem>>, vector<16xf32>,
      tpu.vector_store %arg8[%swap3A_669, %swap3A_670], %gather3A_665 {strides = array<i32>} : memref<32x512xf32, #tpu.memory_space<vmem>>, vector<16xf32>,
      %add3A_672 = arith.constant 14 : i32
      %add3A_673 = vector.broadcast %add3A_672 : i32 to vector<16xi32>
      %add3A_674 = arith.addi %mul3A_532, %add3A_673 : vector<16xi32>
      %gather3A_675 = tpu.vector_load_idx %arg7[%add3A_519, %add3A_674] : memref<512x128xf32, #tpu.memory_space<vmem>>[vector<16xi32>, vector<16xi32>], vector<16xf32>,
      %mul3A_676 = arith.constant 16 : i32
      %mul3A_677 = arith.muli %scan3A_514, %mul3A_676 : i32
      %swap3A_678 = arith.constant 14 : i32
      %swap3A_679 = arith.index_cast %swap3A_678 : i32 to index
      %swap3A_680 = arith.index_cast %mul3A_677 : i32 to index
      %swap3A_681 = tpu.vector_load %arg8[%swap3A_679, %swap3A_680] {strides = array<i32>} : memref<32x512xf32, #tpu.memory_space<vmem>>, vector<16xf32>,
      tpu.vector_store %arg8[%swap3A_679, %swap3A_680], %gather3A_675 {strides = array<i32>} : memref<32x512xf32, #tpu.memory_space<vmem>>, vector<16xf32>,
      %add3A_682 = arith.constant 15 : i32
      %add3A_683 = vector.broadcast %add3A_682 : i32 to vector<16xi32>
      %add3A_684 = arith.addi %mul3A_532, %add3A_683 : vector<16xi32>
      %gather3A_685 = tpu.vector_load_idx %arg7[%add3A_519, %add3A_684] : memref<512x128xf32, #tpu.memory_space<vmem>>[vector<16xi32>, vector<16xi32>], vector<16xf32>,
      %mul3A_686 = arith.constant 16 : i32
      %mul3A_687 = arith.muli %scan3A_514, %mul3A_686 : i32
      %swap3A_688 = arith.constant 15 : i32
      %swap3A_689 = arith.index_cast %swap3A_688 : i32 to index
      %swap3A_690 = arith.index_cast %mul3A_687 : i32 to index
      %swap3A_691 = tpu.vector_load %arg8[%swap3A_689, %swap3A_690] {strides = array<i32>} : memref<32x512xf32, #tpu.memory_space<vmem>>, vector<16xf32>,
      tpu.vector_store %arg8[%swap3A_689, %swap3A_690], %gather3A_685 {strides = array<i32>} : memref<32x512xf32, #tpu.memory_space<vmem>>, vector<16xf32>,
      %add3A_692 = arith.constant 16 : i32
      %add3A_693 = vector.broadcast %add3A_692 : i32 to vector<16xi32>
      %add3A_694 = arith.addi %mul3A_532, %add3A_693 : vector<16xi32>
      %gather3A_695 = tpu.vector_load_idx %arg7[%add3A_519, %add3A_694] : memref<512x128xf32, #tpu.memory_space<vmem>>[vector<16xi32>, vector<16xi32>], vector<16xf32>,
      %mul3A_696 = arith.constant 16 : i32
      %mul3A_697 = arith.muli %scan3A_514, %mul3A_696 : i32
      %swap3A_698 = arith.constant 16 : i32
      %swap3A_699 = arith.index_cast %swap3A_698 : i32 to index
      %swap3A_700 = arith.index_cast %mul3A_697 : i32 to index
      %swap3A_701 = tpu.vector_load %arg8[%swap3A_699, %swap3A_700] {strides = array<i32>} : memref<32x512xf32, #tpu.memory_space<vmem>>, vector<16xf32>,
      tpu.vector_store %arg8[%swap3A_699, %swap3A_700], %gather3A_695 {strides = array<i32>} : memref<32x512xf32, #tpu.memory_space<vmem>>, vector<16xf32>,
      %add3A_702 = arith.constant 17 : i32
      %add3A_703 = vector.broadcast %add3A_702 : i32 to vector<16xi32>
      %add3A_704 = arith.addi %mul3A_532, %add3A_703 : vector<16xi32>
      %gather3A_705 = tpu.vector_load_idx %arg7[%add3A_519, %add3A_704] : memref<512x128xf32, #tpu.memory_space<vmem>>[vector<16xi32>, vector<16xi32>], vector<16xf32>,
      %mul3A_706 = arith.constant 16 : i32
      %mul3A_707 = arith.muli %scan3A_514, %mul3A_706 : i32
      %swap3A_708 = arith.constant 17 : i32
      %swap3A_709 = arith.index_cast %swap3A_708 : i32 to index
      %swap3A_710 = arith.index_cast %mul3A_707 : i32 to index
      %swap3A_711 = tpu.vector_load %arg8[%swap3A_709, %swap3A_710] {strides = array<i32>} : memref<32x512xf32, #tpu.memory_space<vmem>>, vector<16xf32>,
      tpu.vector_store %arg8[%swap3A_709, %swap3A_710], %gather3A_705 {strides = array<i32>} : memref<32x512xf32, #tpu.memory_space<vmem>>, vector<16xf32>,
      %add3A_712 = arith.constant 18 : i32
      %add3A_713 = vector.broadcast %add3A_712 : i32 to vector<16xi32>
      %add3A_714 = arith.addi %mul3A_532, %add3A_713 : vector<16xi32>
      %gather3A_715 = tpu.vector_load_idx %arg7[%add3A_519, %add3A_714] : memref<512x128xf32, #tpu.memory_space<vmem>>[vector<16xi32>, vector<16xi32>], vector<16xf32>,
      %mul3A_716 = arith.constant 16 : i32
      %mul3A_717 = arith.muli %scan3A_514, %mul3A_716 : i32
      %swap3A_718 = arith.constant 18 : i32
      %swap3A_719 = arith.index_cast %swap3A_718 : i32 to index
      %swap3A_720 = arith.index_cast %mul3A_717 : i32 to index
      %swap3A_721 = tpu.vector_load %arg8[%swap3A_719, %swap3A_720] {strides = array<i32>} : memref<32x512xf32, #tpu.memory_space<vmem>>, vector<16xf32>,
      tpu.vector_store %arg8[%swap3A_719, %swap3A_720], %gather3A_715 {strides = array<i32>} : memref<32x512xf32, #tpu.memory_space<vmem>>, vector<16xf32>,
      %add3A_722 = arith.constant 19 : i32
      %add3A_723 = vector.broadcast %add3A_722 : i32 to vector<16xi32>
      %add3A_724 = arith.addi %mul3A_532, %add3A_723 : vector<16xi32>
      %gather3A_725 = tpu.vector_load_idx %arg7[%add3A_519, %add3A_724] : memref<512x128xf32, #tpu.memory_space<vmem>>[vector<16xi32>, vector<16xi32>], vector<16xf32>,
      %mul3A_726 = arith.constant 16 : i32
      %mul3A_727 = arith.muli %scan3A_514, %mul3A_726 : i32
      %swap3A_728 = arith.constant 19 : i32
      %swap3A_729 = arith.index_cast %swap3A_728 : i32 to index
      %swap3A_730 = arith.index_cast %mul3A_727 : i32 to index
      %swap3A_731 = tpu.vector_load %arg8[%swap3A_729, %swap3A_730] {strides = array<i32>} : memref<32x512xf32, #tpu.memory_space<vmem>>, vector<16xf32>,
      tpu.vector_store %arg8[%swap3A_729, %swap3A_730], %gather3A_725 {strides = array<i32>} : memref<32x512xf32, #tpu.memory_space<vmem>>, vector<16xf32>,
      %add3A_732 = arith.constant 20 : i32
      %add3A_733 = vector.broadcast %add3A_732 : i32 to vector<16xi32>
      %add3A_734 = arith.addi %mul3A_532, %add3A_733 : vector<16xi32>
      %gather3A_735 = tpu.vector_load_idx %arg7[%add3A_519, %add3A_734] : memref<512x128xf32, #tpu.memory_space<vmem>>[vector<16xi32>, vector<16xi32>], vector<16xf32>,
      %mul3A_736 = arith.constant 16 : i32
      %mul3A_737 = arith.muli %scan3A_514, %mul3A_736 : i32
      %swap3A_738 = arith.constant 20 : i32
      %swap3A_739 = arith.index_cast %swap3A_738 : i32 to index
      %swap3A_740 = arith.index_cast %mul3A_737 : i32 to index
      %swap3A_741 = tpu.vector_load %arg8[%swap3A_739, %swap3A_740] {strides = array<i32>} : memref<32x512xf32, #tpu.memory_space<vmem>>, vector<16xf32>,
      tpu.vector_store %arg8[%swap3A_739, %swap3A_740], %gather3A_735 {strides = array<i32>} : memref<32x512xf32, #tpu.memory_space<vmem>>, vector<16xf32>,
      %add3A_742 = arith.constant 21 : i32
      %add3A_743 = vector.broadcast %add3A_742 : i32 to vector<16xi32>
      %add3A_744 = arith.addi %mul3A_532, %add3A_743 : vector<16xi32>
      %gather3A_745 = tpu.vector_load_idx %arg7[%add3A_519, %add3A_744] : memref<512x128xf32, #tpu.memory_space<vmem>>[vector<16xi32>, vector<16xi32>], vector<16xf32>,
      %mul3A_746 = arith.constant 16 : i32
      %mul3A_747 = arith.muli %scan3A_514, %mul3A_746 : i32
      %swap3A_748 = arith.constant 21 : i32
      %swap3A_749 = arith.index_cast %swap3A_748 : i32 to index
      %swap3A_750 = arith.index_cast %mul3A_747 : i32 to index
      %swap3A_751 = tpu.vector_load %arg8[%swap3A_749, %swap3A_750] {strides = array<i32>} : memref<32x512xf32, #tpu.memory_space<vmem>>, vector<16xf32>,
      tpu.vector_store %arg8[%swap3A_749, %swap3A_750], %gather3A_745 {strides = array<i32>} : memref<32x512xf32, #tpu.memory_space<vmem>>, vector<16xf32>,
      %add3A_752 = arith.constant 22 : i32
      %add3A_753 = vector.broadcast %add3A_752 : i32 to vector<16xi32>
      %add3A_754 = arith.addi %mul3A_532, %add3A_753 : vector<16xi32>
      %gather3A_755 = tpu.vector_load_idx %arg7[%add3A_519, %add3A_754] : memref<512x128xf32, #tpu.memory_space<vmem>>[vector<16xi32>, vector<16xi32>], vector<16xf32>,
      %mul3A_756 = arith.constant 16 : i32
      %mul3A_757 = arith.muli %scan3A_514, %mul3A_756 : i32
      %swap3A_758 = arith.constant 22 : i32
      %swap3A_759 = arith.index_cast %swap3A_758 : i32 to index
      %swap3A_760 = arith.index_cast %mul3A_757 : i32 to index
      %swap3A_761 = tpu.vector_load %arg8[%swap3A_759, %swap3A_760] {strides = array<i32>} : memref<32x512xf32, #tpu.memory_space<vmem>>, vector<16xf32>,
      tpu.vector_store %arg8[%swap3A_759, %swap3A_760], %gather3A_755 {strides = array<i32>} : memref<32x512xf32, #tpu.memory_space<vmem>>, vector<16xf32>,
      %add3A_762 = arith.constant 23 : i32
      %add3A_763 = vector.broadcast %add3A_762 : i32 to vector<16xi32>
      %add3A_764 = arith.addi %mul3A_532, %add3A_763 : vector<16xi32>
      %gather3A_765 = tpu.vector_load_idx %arg7[%add3A_519, %add3A_764] : memref<512x128xf32, #tpu.memory_space<vmem>>[vector<16xi32>, vector<16xi32>], vector<16xf32>,
      %mul3A_766 = arith.constant 16 : i32
      %mul3A_767 = arith.muli %scan3A_514, %mul3A_766 : i32
      %swap3A_768 = arith.constant 23 : i32
      %swap3A_769 = arith.index_cast %swap3A_768 : i32 to index
      %swap3A_770 = arith.index_cast %mul3A_767 : i32 to index
      %swap3A_771 = tpu.vector_load %arg8[%swap3A_769, %swap3A_770] {strides = array<i32>} : memref<32x512xf32, #tpu.memory_space<vmem>>, vector<16xf32>,
      tpu.vector_store %arg8[%swap3A_769, %swap3A_770], %gather3A_765 {strides = array<i32>} : memref<32x512xf32, #tpu.memory_space<vmem>>, vector<16xf32>,
      %add3A_772 = arith.constant 24 : i32
      %add3A_773 = vector.broadcast %add3A_772 : i32 to vector<16xi32>
      %add3A_774 = arith.addi %mul3A_532, %add3A_773 : vector<16xi32>
      %gather3A_775 = tpu.vector_load_idx %arg7[%add3A_519, %add3A_774] : memref<512x128xf32, #tpu.memory_space<vmem>>[vector<16xi32>, vector<16xi32>], vector<16xf32>,
      %mul3A_776 = arith.constant 16 : i32
      %mul3A_777 = arith.muli %scan3A_514, %mul3A_776 : i32
      %swap3A_778 = arith.constant 24 : i32
      %swap3A_779 = arith.index_cast %swap3A_778 : i32 to index
      %swap3A_780 = arith.index_cast %mul3A_777 : i32 to index
      %swap3A_781 = tpu.vector_load %arg8[%swap3A_779, %swap3A_780] {strides = array<i32>} : memref<32x512xf32, #tpu.memory_space<vmem>>, vector<16xf32>,
      tpu.vector_store %arg8[%swap3A_779, %swap3A_780], %gather3A_775 {strides = array<i32>} : memref<32x512xf32, #tpu.memory_space<vmem>>, vector<16xf32>,
      %add3A_782 = arith.constant 25 : i32
      %add3A_783 = vector.broadcast %add3A_782 : i32 to vector<16xi32>
      %add3A_784 = arith.addi %mul3A_532, %add3A_783 : vector<16xi32>
      %gather3A_785 = tpu.vector_load_idx %arg7[%add3A_519, %add3A_784] : memref<512x128xf32, #tpu.memory_space<vmem>>[vector<16xi32>, vector<16xi32>], vector<16xf32>,
      %mul3A_786 = arith.constant 16 : i32
      %mul3A_787 = arith.muli %scan3A_514, %mul3A_786 : i32
      %swap3A_788 = arith.constant 25 : i32
      %swap3A_789 = arith.index_cast %swap3A_788 : i32 to index
      %swap3A_790 = arith.index_cast %mul3A_787 : i32 to index
      %swap3A_791 = tpu.vector_load %arg8[%swap3A_789, %swap3A_790] {strides = array<i32>} : memref<32x512xf32, #tpu.memory_space<vmem>>, vector<16xf32>,
      tpu.vector_store %arg8[%swap3A_789, %swap3A_790], %gather3A_785 {strides = array<i32>} : memref<32x512xf32, #tpu.memory_space<vmem>>, vector<16xf32>,
      %add3A_792 = arith.constant 26 : i32
      %add3A_793 = vector.broadcast %add3A_792 : i32 to vector<16xi32>
      %add3A_794 = arith.addi %mul3A_532, %add3A_793 : vector<16xi32>
      %gather3A_795 = tpu.vector_load_idx %arg7[%add3A_519, %add3A_794] : memref<512x128xf32, #tpu.memory_space<vmem>>[vector<16xi32>, vector<16xi32>], vector<16xf32>,
      %mul3A_796 = arith.constant 16 : i32
      %mul3A_797 = arith.muli %scan3A_514, %mul3A_796 : i32
      %swap3A_798 = arith.constant 26 : i32
      %swap3A_799 = arith.index_cast %swap3A_798 : i32 to index
      %swap3A_800 = arith.index_cast %mul3A_797 : i32 to index
      %swap3A_801 = tpu.vector_load %arg8[%swap3A_799, %swap3A_800] {strides = array<i32>} : memref<32x512xf32, #tpu.memory_space<vmem>>, vector<16xf32>,
      tpu.vector_store %arg8[%swap3A_799, %swap3A_800], %gather3A_795 {strides = array<i32>} : memref<32x512xf32, #tpu.memory_space<vmem>>, vector<16xf32>,
      %add3A_802 = arith.constant 27 : i32
      %add3A_803 = vector.broadcast %add3A_802 : i32 to vector<16xi32>
      %add3A_804 = arith.addi %mul3A_532, %add3A_803 : vector<16xi32>
      %gather3A_805 = tpu.vector_load_idx %arg7[%add3A_519, %add3A_804] : memref<512x128xf32, #tpu.memory_space<vmem>>[vector<16xi32>, vector<16xi32>], vector<16xf32>,
      %mul3A_806 = arith.constant 16 : i32
      %mul3A_807 = arith.muli %scan3A_514, %mul3A_806 : i32
      %swap3A_808 = arith.constant 27 : i32
      %swap3A_809 = arith.index_cast %swap3A_808 : i32 to index
      %swap3A_810 = arith.index_cast %mul3A_807 : i32 to index
      %swap3A_811 = tpu.vector_load %arg8[%swap3A_809, %swap3A_810] {strides = array<i32>} : memref<32x512xf32, #tpu.memory_space<vmem>>, vector<16xf32>,
      tpu.vector_store %arg8[%swap3A_809, %swap3A_810], %gather3A_805 {strides = array<i32>} : memref<32x512xf32, #tpu.memory_space<vmem>>, vector<16xf32>,
      %add3A_812 = arith.constant 28 : i32
      %add3A_813 = vector.broadcast %add3A_812 : i32 to vector<16xi32>
      %add3A_814 = arith.addi %mul3A_532, %add3A_813 : vector<16xi32>
      %gather3A_815 = tpu.vector_load_idx %arg7[%add3A_519, %add3A_814] : memref<512x128xf32, #tpu.memory_space<vmem>>[vector<16xi32>, vector<16xi32>], vector<16xf32>,
      %mul3A_816 = arith.constant 16 : i32
      %mul3A_817 = arith.muli %scan3A_514, %mul3A_816 : i32
      %swap3A_818 = arith.constant 28 : i32
      %swap3A_819 = arith.index_cast %swap3A_818 : i32 to index
      %swap3A_820 = arith.index_cast %mul3A_817 : i32 to index
      %swap3A_821 = tpu.vector_load %arg8[%swap3A_819, %swap3A_820] {strides = array<i32>} : memref<32x512xf32, #tpu.memory_space<vmem>>, vector<16xf32>,
      tpu.vector_store %arg8[%swap3A_819, %swap3A_820], %gather3A_815 {strides = array<i32>} : memref<32x512xf32, #tpu.memory_space<vmem>>, vector<16xf32>,
      %add3A_822 = arith.constant 29 : i32
      %add3A_823 = vector.broadcast %add3A_822 : i32 to vector<16xi32>
      %add3A_824 = arith.addi %mul3A_532, %add3A_823 : vector<16xi32>
      %gather3A_825 = tpu.vector_load_idx %arg7[%add3A_519, %add3A_824] : memref<512x128xf32, #tpu.memory_space<vmem>>[vector<16xi32>, vector<16xi32>], vector<16xf32>,
      %mul3A_826 = arith.constant 16 : i32
      %mul3A_827 = arith.muli %scan3A_514, %mul3A_826 : i32
      %swap3A_828 = arith.constant 29 : i32
      %swap3A_829 = arith.index_cast %swap3A_828 : i32 to index
      %swap3A_830 = arith.index_cast %mul3A_827 : i32 to index
      %swap3A_831 = tpu.vector_load %arg8[%swap3A_829, %swap3A_830] {strides = array<i32>} : memref<32x512xf32, #tpu.memory_space<vmem>>, vector<16xf32>,
      tpu.vector_store %arg8[%swap3A_829, %swap3A_830], %gather3A_825 {strides = array<i32>} : memref<32x512xf32, #tpu.memory_space<vmem>>, vector<16xf32>,
      %add3A_832 = arith.constant 30 : i32
      %add3A_833 = vector.broadcast %add3A_832 : i32 to vector<16xi32>
      %add3A_834 = arith.addi %mul3A_532, %add3A_833 : vector<16xi32>
      %gather3A_835 = tpu.vector_load_idx %arg7[%add3A_519, %add3A_834] : memref<512x128xf32, #tpu.memory_space<vmem>>[vector<16xi32>, vector<16xi32>], vector<16xf32>,
      %mul3A_836 = arith.constant 16 : i32
      %mul3A_837 = arith.muli %scan3A_514, %mul3A_836 : i32
      %swap3A_838 = arith.constant 30 : i32
      %swap3A_839 = arith.index_cast %swap3A_838 : i32 to index
      %swap3A_840 = arith.index_cast %mul3A_837 : i32 to index
      %swap3A_841 = tpu.vector_load %arg8[%swap3A_839, %swap3A_840] {strides = array<i32>} : memref<32x512xf32, #tpu.memory_space<vmem>>, vector<16xf32>,
      tpu.vector_store %arg8[%swap3A_839, %swap3A_840], %gather3A_835 {strides = array<i32>} : memref<32x512xf32, #tpu.memory_space<vmem>>, vector<16xf32>,
      %add3A_842 = arith.constant 31 : i32
      %add3A_843 = vector.broadcast %add3A_842 : i32 to vector<16xi32>
      %add3A_844 = arith.addi %mul3A_532, %add3A_843 : vector<16xi32>
      %gather3A_845 = tpu.vector_load_idx %arg7[%add3A_519, %add3A_844] : memref<512x128xf32, #tpu.memory_space<vmem>>[vector<16xi32>, vector<16xi32>], vector<16xf32>,
      %mul3A_846 = arith.constant 16 : i32
      %mul3A_847 = arith.muli %scan3A_514, %mul3A_846 : i32
      %swap3A_848 = arith.constant 31 : i32
      %swap3A_849 = arith.index_cast %swap3A_848 : i32 to index
      %swap3A_850 = arith.index_cast %mul3A_847 : i32 to index
      %swap3A_851 = tpu.vector_load %arg8[%swap3A_849, %swap3A_850] {strides = array<i32>} : memref<32x512xf32, #tpu.memory_space<vmem>>, vector<16xf32>,
      tpu.vector_store %arg8[%swap3A_849, %swap3A_850], %gather3A_845 {strides = array<i32>} : memref<32x512xf32, #tpu.memory_space<vmem>>, vector<16xf32>,
      %scan3A_852 = arith.constant 0 : i32
      scf.yield %scan3A_852 : i32
    }
    %scan3A_513 = arith.constant 32 : i32
    "tpu.region"() ({
      %run_scoped3A = tpu.sem_alloc : memref<!tpu.dma_semaphore, #tpu.memory_space<semaphore_mem>>
      %dma_start3A_514 = arith.constant 0 : i32
      %dma_start3A_515 = tpu.memref_slice %arg4[%dma_start3A_514, %mul3A_2] : memref<32x16384xf32, #tpu.memory_space<hbm>> -> memref<32x512xf32, #tpu.memory_space<hbm>>
      %dma_start3A_516 = arith.constant 0 : i32
      %dma_start3A_517 = tpu.memref_slice %arg4[%dma_start3A_516, %mul3A_2] : memref<32x16384xf32, #tpu.memory_space<hbm>> -> memref<32x512xf32, #tpu.memory_space<hbm>>
      tpu.enqueue_dma source(%arg8 : memref<32x512xf32, #tpu.memory_space<vmem>>) target(%dma_start3A_517 : memref<32x512xf32, #tpu.memory_space<hbm>>) target_semaphore(%run_scoped3A : memref<!tpu.dma_semaphore, #tpu.memory_space<semaphore_mem>>)
      %dma_wait3A_518 = arith.constant 0 : i32
      %dma_wait3A_519 = tpu.memref_slice %arg4[%dma_wait3A_518, %mul3A_2] : memref<32x16384xf32, #tpu.memory_space<hbm>> -> memref<32x512xf32, #tpu.memory_space<hbm>>
      %dma_wait3A_520 = arith.constant 0 : i32
      %dma_wait3A_521 = tpu.memref_slice %arg4[%dma_wait3A_520, %mul3A_2] : memref<32x16384xf32, #tpu.memory_space<hbm>> -> memref<32x512xf32, #tpu.memory_space<hbm>>
      tpu.wait_dma2 semaphore(%run_scoped3A : memref<!tpu.dma_semaphore, #tpu.memory_space<semaphore_mem>>) src(%arg8 : memref<32x512xf32, #tpu.memory_space<vmem>>) dst(%dma_wait3A_521 : memref<32x512xf32, #tpu.memory_space<hbm>>)
      tpu.yield
    }) : () -> ()
    return
  }
}

#map = affine_map<(d0, d1) -> (0)>
#map1 = affine_map<(d0, d1) -> (0, 0)>
module attributes {stable_mosaic.version = 14 : i64} {
  func.func @body(%arg0: i32, %arg1: i32, %arg2: memref<16384xi32, #tpu.memory_space<hbm>>, %arg3: memref<253952x128xf32, #tpu.memory_space<hbm>>, %arg4: memref<32x16384xf32, #tpu.memory_space<hbm>>, %arg5: memref<512xi32, #tpu.memory_space<vmem>>, %arg6: memref<512xi32, #tpu.memory_space<vmem>>, %arg7: memref<512x128xf32, #tpu.memory_space<vmem>>, %arg8: memref<32x512xf32, #tpu.memory_space<vmem>>, %arg9: memref<!tpu.dma_semaphore, #tpu.memory_space<semaphore_mem>>) attributes {dimension_semantics = [#tpu.dimension_semantics<core_parallel>, #tpu.dimension_semantics<subcore_parallel>], iteration_bounds = array<i64: 2, 16>, scalar_prefetch = 0 : i64, scratch_operands = 5 : i64, tpu.core_type = #tpu.core_type<sc_vector_subcore>, window_params = [{transform_indices = #map}, {transform_indices = #map1}, {transform_indices = #map1}]} {
    %mul3A = arith.constant 2 : i32
    %mul3A_0 = arith.muli %arg1, %mul3A : i32
    %add3A = arith.addi %mul3A_0, %arg0 : i32
    %mul3A_1 = arith.constant 512 : i32
    %mul3A_2 = arith.muli %add3A, %mul3A_1 : i32
    "tpu.region"() ({
      %run_scoped3A = tpu.sem_alloc : memref<!tpu.dma_semaphore, #tpu.memory_space<semaphore_mem>>
      %dma_start3A_514 = tpu.memref_slice %arg2[%mul3A_2] : memref<16384xi32, #tpu.memory_space<hbm>> -> memref<512xi32, #tpu.memory_space<hbm>>
      %dma_start3A_515 = tpu.memref_slice %arg2[%mul3A_2] : memref<16384xi32, #tpu.memory_space<hbm>> -> memref<512xi32, #tpu.memory_space<hbm>>
      tpu.enqueue_dma source(%dma_start3A_515 : memref<512xi32, #tpu.memory_space<hbm>>) target(%arg5 : memref<512xi32, #tpu.memory_space<vmem>>) target_semaphore(%run_scoped3A : memref<!tpu.dma_semaphore, #tpu.memory_space<semaphore_mem>>)
      %dma_wait3A_516 = tpu.memref_slice %arg2[%mul3A_2] : memref<16384xi32, #tpu.memory_space<hbm>> -> memref<512xi32, #tpu.memory_space<hbm>>
      %dma_wait3A_517 = tpu.memref_slice %arg2[%mul3A_2] : memref<16384xi32, #tpu.memory_space<hbm>> -> memref<512xi32, #tpu.memory_space<hbm>>
      tpu.wait_dma2 semaphore(%run_scoped3A : memref<!tpu.dma_semaphore, #tpu.memory_space<semaphore_mem>>) src(%dma_wait3A_517 : memref<512xi32, #tpu.memory_space<hbm>>) dst(%arg5 : memref<512xi32, #tpu.memory_space<vmem>>)
      tpu.yield
    }) : () -> ()
    %iota3A = tpu.iota {dimensions = array<i32: 0>} : vector<16xi32>
    %get3A = arith.constant 0 : index
    %get3A_3 = tpu.vector_load %arg5[%get3A] {strides = array<i32>} : memref<512xi32, #tpu.memory_space<vmem>>, vector<16xi32>,
    %shift_right_arithmetic3A = arith.constant 15 : i32
    %shift_right_arithmetic3A_4 = vector.broadcast %shift_right_arithmetic3A : i32 to vector<16xi32>
    %shift_right_arithmetic3A_5 = arith.shrsi %get3A_3, %shift_right_arithmetic3A_4 : vector<16xi32>
    %shift_left3A = arith.constant 13 : i32
    %shift_left3A_6 = vector.broadcast %shift_left3A : i32 to vector<16xi32>
    %shift_left3A_7 = arith.shli %shift_right_arithmetic3A_5, %shift_left3A_6 : vector<16xi32>
    %and3A = arith.constant 8191 : i32
    %and3A_8 = vector.broadcast %and3A : i32 to vector<16xi32>
    %and3A_9 = arith.andi %get3A_3, %and3A_8 : vector<16xi32>
    %add3A_10 = arith.addi %shift_left3A_7, %and3A_9 : vector<16xi32>
    %swap3A = arith.constant 0 : index
    %swap3A_11 = tpu.vector_load %arg6[%swap3A] {strides = array<i32>} : memref<512xi32, #tpu.memory_space<vmem>>, vector<16xi32>,
    tpu.vector_store %arg6[%swap3A], %add3A_10 {strides = array<i32>} : memref<512xi32, #tpu.memory_space<vmem>>, vector<16xi32>,
    %get3A_12 = arith.constant 16 : index
    %get3A_13 = tpu.vector_load %arg5[%get3A_12] {strides = array<i32>} : memref<512xi32, #tpu.memory_space<vmem>>, vector<16xi32>,
    %shift_right_arithmetic3A_14 = arith.constant 15 : i32
    %shift_right_arithmetic3A_15 = vector.broadcast %shift_right_arithmetic3A_14 : i32 to vector<16xi32>
    %shift_right_arithmetic3A_16 = arith.shrsi %get3A_13, %shift_right_arithmetic3A_15 : vector<16xi32>
    %shift_left3A_17 = arith.constant 13 : i32
    %shift_left3A_18 = vector.broadcast %shift_left3A_17 : i32 to vector<16xi32>
    %shift_left3A_19 = arith.shli %shift_right_arithmetic3A_16, %shift_left3A_18 : vector<16xi32>
    %and3A_20 = arith.constant 8191 : i32
    %and3A_21 = vector.broadcast %and3A_20 : i32 to vector<16xi32>
    %and3A_22 = arith.andi %get3A_13, %and3A_21 : vector<16xi32>
    %add3A_23 = arith.addi %shift_left3A_19, %and3A_22 : vector<16xi32>
    %swap3A_24 = arith.constant 16 : index
    %swap3A_25 = tpu.vector_load %arg6[%swap3A_24] {strides = array<i32>} : memref<512xi32, #tpu.memory_space<vmem>>, vector<16xi32>,
    tpu.vector_store %arg6[%swap3A_24], %add3A_23 {strides = array<i32>} : memref<512xi32, #tpu.memory_space<vmem>>, vector<16xi32>,
    %get3A_26 = arith.constant 32 : index
    %get3A_27 = tpu.vector_load %arg5[%get3A_26] {strides = array<i32>} : memref<512xi32, #tpu.memory_space<vmem>>, vector<16xi32>,
    %shift_right_arithmetic3A_28 = arith.constant 15 : i32
    %shift_right_arithmetic3A_29 = vector.broadcast %shift_right_arithmetic3A_28 : i32 to vector<16xi32>
    %shift_right_arithmetic3A_30 = arith.shrsi %get3A_27, %shift_right_arithmetic3A_29 : vector<16xi32>
    %shift_left3A_31 = arith.constant 13 : i32
    %shift_left3A_32 = vector.broadcast %shift_left3A_31 : i32 to vector<16xi32>
    %shift_left3A_33 = arith.shli %shift_right_arithmetic3A_30, %shift_left3A_32 : vector<16xi32>
    %and3A_34 = arith.constant 8191 : i32
    %and3A_35 = vector.broadcast %and3A_34 : i32 to vector<16xi32>
    %and3A_36 = arith.andi %get3A_27, %and3A_35 : vector<16xi32>
    %add3A_37 = arith.addi %shift_left3A_33, %and3A_36 : vector<16xi32>
    %swap3A_38 = arith.constant 32 : index
    %swap3A_39 = tpu.vector_load %arg6[%swap3A_38] {strides = array<i32>} : memref<512xi32, #tpu.memory_space<vmem>>, vector<16xi32>,
    tpu.vector_store %arg6[%swap3A_38], %add3A_37 {strides = array<i32>} : memref<512xi32, #tpu.memory_space<vmem>>, vector<16xi32>,
    %get3A_40 = arith.constant 48 : index
    %get3A_41 = tpu.vector_load %arg5[%get3A_40] {strides = array<i32>} : memref<512xi32, #tpu.memory_space<vmem>>, vector<16xi32>,
    %shift_right_arithmetic3A_42 = arith.constant 15 : i32
    %shift_right_arithmetic3A_43 = vector.broadcast %shift_right_arithmetic3A_42 : i32 to vector<16xi32>
    %shift_right_arithmetic3A_44 = arith.shrsi %get3A_41, %shift_right_arithmetic3A_43 : vector<16xi32>
    %shift_left3A_45 = arith.constant 13 : i32
    %shift_left3A_46 = vector.broadcast %shift_left3A_45 : i32 to vector<16xi32>
    %shift_left3A_47 = arith.shli %shift_right_arithmetic3A_44, %shift_left3A_46 : vector<16xi32>
    %and3A_48 = arith.constant 8191 : i32
    %and3A_49 = vector.broadcast %and3A_48 : i32 to vector<16xi32>
    %and3A_50 = arith.andi %get3A_41, %and3A_49 : vector<16xi32>
    %add3A_51 = arith.addi %shift_left3A_47, %and3A_50 : vector<16xi32>
    %swap3A_52 = arith.constant 48 : index
    %swap3A_53 = tpu.vector_load %arg6[%swap3A_52] {strides = array<i32>} : memref<512xi32, #tpu.memory_space<vmem>>, vector<16xi32>,
    tpu.vector_store %arg6[%swap3A_52], %add3A_51 {strides = array<i32>} : memref<512xi32, #tpu.memory_space<vmem>>, vector<16xi32>,
    %get3A_54 = arith.constant 64 : index
    %get3A_55 = tpu.vector_load %arg5[%get3A_54] {strides = array<i32>} : memref<512xi32, #tpu.memory_space<vmem>>, vector<16xi32>,
    %shift_right_arithmetic3A_56 = arith.constant 15 : i32
    %shift_right_arithmetic3A_57 = vector.broadcast %shift_right_arithmetic3A_56 : i32 to vector<16xi32>
    %shift_right_arithmetic3A_58 = arith.shrsi %get3A_55, %shift_right_arithmetic3A_57 : vector<16xi32>
    %shift_left3A_59 = arith.constant 13 : i32
    %shift_left3A_60 = vector.broadcast %shift_left3A_59 : i32 to vector<16xi32>
    %shift_left3A_61 = arith.shli %shift_right_arithmetic3A_58, %shift_left3A_60 : vector<16xi32>
    %and3A_62 = arith.constant 8191 : i32
    %and3A_63 = vector.broadcast %and3A_62 : i32 to vector<16xi32>
    %and3A_64 = arith.andi %get3A_55, %and3A_63 : vector<16xi32>
    %add3A_65 = arith.addi %shift_left3A_61, %and3A_64 : vector<16xi32>
    %swap3A_66 = arith.constant 64 : index
    %swap3A_67 = tpu.vector_load %arg6[%swap3A_66] {strides = array<i32>} : memref<512xi32, #tpu.memory_space<vmem>>, vector<16xi32>,
    tpu.vector_store %arg6[%swap3A_66], %add3A_65 {strides = array<i32>} : memref<512xi32, #tpu.memory_space<vmem>>, vector<16xi32>,
    %get3A_68 = arith.constant 80 : index
    %get3A_69 = tpu.vector_load %arg5[%get3A_68] {strides = array<i32>} : memref<512xi32, #tpu.memory_space<vmem>>, vector<16xi32>,
    %shift_right_arithmetic3A_70 = arith.constant 15 : i32
    %shift_right_arithmetic3A_71 = vector.broadcast %shift_right_arithmetic3A_70 : i32 to vector<16xi32>
    %shift_right_arithmetic3A_72 = arith.shrsi %get3A_69, %shift_right_arithmetic3A_71 : vector<16xi32>
    %shift_left3A_73 = arith.constant 13 : i32
    %shift_left3A_74 = vector.broadcast %shift_left3A_73 : i32 to vector<16xi32>
    %shift_left3A_75 = arith.shli %shift_right_arithmetic3A_72, %shift_left3A_74 : vector<16xi32>
    %and3A_76 = arith.constant 8191 : i32
    %and3A_77 = vector.broadcast %and3A_76 : i32 to vector<16xi32>
    %and3A_78 = arith.andi %get3A_69, %and3A_77 : vector<16xi32>
    %add3A_79 = arith.addi %shift_left3A_75, %and3A_78 : vector<16xi32>
    %swap3A_80 = arith.constant 80 : index
    %swap3A_81 = tpu.vector_load %arg6[%swap3A_80] {strides = array<i32>} : memref<512xi32, #tpu.memory_space<vmem>>, vector<16xi32>,
    tpu.vector_store %arg6[%swap3A_80], %add3A_79 {strides = array<i32>} : memref<512xi32, #tpu.memory_space<vmem>>, vector<16xi32>,
    %get3A_82 = arith.constant 96 : index
    %get3A_83 = tpu.vector_load %arg5[%get3A_82] {strides = array<i32>} : memref<512xi32, #tpu.memory_space<vmem>>, vector<16xi32>,
    %shift_right_arithmetic3A_84 = arith.constant 15 : i32
    %shift_right_arithmetic3A_85 = vector.broadcast %shift_right_arithmetic3A_84 : i32 to vector<16xi32>
    %shift_right_arithmetic3A_86 = arith.shrsi %get3A_83, %shift_right_arithmetic3A_85 : vector<16xi32>
    %shift_left3A_87 = arith.constant 13 : i32
    %shift_left3A_88 = vector.broadcast %shift_left3A_87 : i32 to vector<16xi32>
    %shift_left3A_89 = arith.shli %shift_right_arithmetic3A_86, %shift_left3A_88 : vector<16xi32>
    %and3A_90 = arith.constant 8191 : i32
    %and3A_91 = vector.broadcast %and3A_90 : i32 to vector<16xi32>
    %and3A_92 = arith.andi %get3A_83, %and3A_91 : vector<16xi32>
    %add3A_93 = arith.addi %shift_left3A_89, %and3A_92 : vector<16xi32>
    %swap3A_94 = arith.constant 96 : index
    %swap3A_95 = tpu.vector_load %arg6[%swap3A_94] {strides = array<i32>} : memref<512xi32, #tpu.memory_space<vmem>>, vector<16xi32>,
    tpu.vector_store %arg6[%swap3A_94], %add3A_93 {strides = array<i32>} : memref<512xi32, #tpu.memory_space<vmem>>, vector<16xi32>,
    %get3A_96 = arith.constant 112 : index
    %get3A_97 = tpu.vector_load %arg5[%get3A_96] {strides = array<i32>} : memref<512xi32, #tpu.memory_space<vmem>>, vector<16xi32>,
    %shift_right_arithmetic3A_98 = arith.constant 15 : i32
    %shift_right_arithmetic3A_99 = vector.broadcast %shift_right_arithmetic3A_98 : i32 to vector<16xi32>
    %shift_right_arithmetic3A_100 = arith.shrsi %get3A_97, %shift_right_arithmetic3A_99 : vector<16xi32>
    %shift_left3A_101 = arith.constant 13 : i32
    %shift_left3A_102 = vector.broadcast %shift_left3A_101 : i32 to vector<16xi32>
    %shift_left3A_103 = arith.shli %shift_right_arithmetic3A_100, %shift_left3A_102 : vector<16xi32>
    %and3A_104 = arith.constant 8191 : i32
    %and3A_105 = vector.broadcast %and3A_104 : i32 to vector<16xi32>
    %and3A_106 = arith.andi %get3A_97, %and3A_105 : vector<16xi32>
    %add3A_107 = arith.addi %shift_left3A_103, %and3A_106 : vector<16xi32>
    %swap3A_108 = arith.constant 112 : index
    %swap3A_109 = tpu.vector_load %arg6[%swap3A_108] {strides = array<i32>} : memref<512xi32, #tpu.memory_space<vmem>>, vector<16xi32>,
    tpu.vector_store %arg6[%swap3A_108], %add3A_107 {strides = array<i32>} : memref<512xi32, #tpu.memory_space<vmem>>, vector<16xi32>,
    %get3A_110 = arith.constant 128 : index
    %get3A_111 = tpu.vector_load %arg5[%get3A_110] {strides = array<i32>} : memref<512xi32, #tpu.memory_space<vmem>>, vector<16xi32>,
    %shift_right_arithmetic3A_112 = arith.constant 15 : i32
    %shift_right_arithmetic3A_113 = vector.broadcast %shift_right_arithmetic3A_112 : i32 to vector<16xi32>
    %shift_right_arithmetic3A_114 = arith.shrsi %get3A_111, %shift_right_arithmetic3A_113 : vector<16xi32>
    %shift_left3A_115 = arith.constant 13 : i32
    %shift_left3A_116 = vector.broadcast %shift_left3A_115 : i32 to vector<16xi32>
    %shift_left3A_117 = arith.shli %shift_right_arithmetic3A_114, %shift_left3A_116 : vector<16xi32>
    %and3A_118 = arith.constant 8191 : i32
    %and3A_119 = vector.broadcast %and3A_118 : i32 to vector<16xi32>
    %and3A_120 = arith.andi %get3A_111, %and3A_119 : vector<16xi32>
    %add3A_121 = arith.addi %shift_left3A_117, %and3A_120 : vector<16xi32>
    %swap3A_122 = arith.constant 128 : index
    %swap3A_123 = tpu.vector_load %arg6[%swap3A_122] {strides = array<i32>} : memref<512xi32, #tpu.memory_space<vmem>>, vector<16xi32>,
    tpu.vector_store %arg6[%swap3A_122], %add3A_121 {strides = array<i32>} : memref<512xi32, #tpu.memory_space<vmem>>, vector<16xi32>,
    %get3A_124 = arith.constant 144 : index
    %get3A_125 = tpu.vector_load %arg5[%get3A_124] {strides = array<i32>} : memref<512xi32, #tpu.memory_space<vmem>>, vector<16xi32>,
    %shift_right_arithmetic3A_126 = arith.constant 15 : i32
    %shift_right_arithmetic3A_127 = vector.broadcast %shift_right_arithmetic3A_126 : i32 to vector<16xi32>
    %shift_right_arithmetic3A_128 = arith.shrsi %get3A_125, %shift_right_arithmetic3A_127 : vector<16xi32>
    %shift_left3A_129 = arith.constant 13 : i32
    %shift_left3A_130 = vector.broadcast %shift_left3A_129 : i32 to vector<16xi32>
    %shift_left3A_131 = arith.shli %shift_right_arithmetic3A_128, %shift_left3A_130 : vector<16xi32>
    %and3A_132 = arith.constant 8191 : i32
    %and3A_133 = vector.broadcast %and3A_132 : i32 to vector<16xi32>
    %and3A_134 = arith.andi %get3A_125, %and3A_133 : vector<16xi32>
    %add3A_135 = arith.addi %shift_left3A_131, %and3A_134 : vector<16xi32>
    %swap3A_136 = arith.constant 144 : index
    %swap3A_137 = tpu.vector_load %arg6[%swap3A_136] {strides = array<i32>} : memref<512xi32, #tpu.memory_space<vmem>>, vector<16xi32>,
    tpu.vector_store %arg6[%swap3A_136], %add3A_135 {strides = array<i32>} : memref<512xi32, #tpu.memory_space<vmem>>, vector<16xi32>,
    %get3A_138 = arith.constant 160 : index
    %get3A_139 = tpu.vector_load %arg5[%get3A_138] {strides = array<i32>} : memref<512xi32, #tpu.memory_space<vmem>>, vector<16xi32>,
    %shift_right_arithmetic3A_140 = arith.constant 15 : i32
    %shift_right_arithmetic3A_141 = vector.broadcast %shift_right_arithmetic3A_140 : i32 to vector<16xi32>
    %shift_right_arithmetic3A_142 = arith.shrsi %get3A_139, %shift_right_arithmetic3A_141 : vector<16xi32>
    %shift_left3A_143 = arith.constant 13 : i32
    %shift_left3A_144 = vector.broadcast %shift_left3A_143 : i32 to vector<16xi32>
    %shift_left3A_145 = arith.shli %shift_right_arithmetic3A_142, %shift_left3A_144 : vector<16xi32>
    %and3A_146 = arith.constant 8191 : i32
    %and3A_147 = vector.broadcast %and3A_146 : i32 to vector<16xi32>
    %and3A_148 = arith.andi %get3A_139, %and3A_147 : vector<16xi32>
    %add3A_149 = arith.addi %shift_left3A_145, %and3A_148 : vector<16xi32>
    %swap3A_150 = arith.constant 160 : index
    %swap3A_151 = tpu.vector_load %arg6[%swap3A_150] {strides = array<i32>} : memref<512xi32, #tpu.memory_space<vmem>>, vector<16xi32>,
    tpu.vector_store %arg6[%swap3A_150], %add3A_149 {strides = array<i32>} : memref<512xi32, #tpu.memory_space<vmem>>, vector<16xi32>,
    %get3A_152 = arith.constant 176 : index
    %get3A_153 = tpu.vector_load %arg5[%get3A_152] {strides = array<i32>} : memref<512xi32, #tpu.memory_space<vmem>>, vector<16xi32>,
    %shift_right_arithmetic3A_154 = arith.constant 15 : i32
    %shift_right_arithmetic3A_155 = vector.broadcast %shift_right_arithmetic3A_154 : i32 to vector<16xi32>
    %shift_right_arithmetic3A_156 = arith.shrsi %get3A_153, %shift_right_arithmetic3A_155 : vector<16xi32>
    %shift_left3A_157 = arith.constant 13 : i32
    %shift_left3A_158 = vector.broadcast %shift_left3A_157 : i32 to vector<16xi32>
    %shift_left3A_159 = arith.shli %shift_right_arithmetic3A_156, %shift_left3A_158 : vector<16xi32>
    %and3A_160 = arith.constant 8191 : i32
    %and3A_161 = vector.broadcast %and3A_160 : i32 to vector<16xi32>
    %and3A_162 = arith.andi %get3A_153, %and3A_161 : vector<16xi32>
    %add3A_163 = arith.addi %shift_left3A_159, %and3A_162 : vector<16xi32>
    %swap3A_164 = arith.constant 176 : index
    %swap3A_165 = tpu.vector_load %arg6[%swap3A_164] {strides = array<i32>} : memref<512xi32, #tpu.memory_space<vmem>>, vector<16xi32>,
    tpu.vector_store %arg6[%swap3A_164], %add3A_163 {strides = array<i32>} : memref<512xi32, #tpu.memory_space<vmem>>, vector<16xi32>,
    %get3A_166 = arith.constant 192 : index
    %get3A_167 = tpu.vector_load %arg5[%get3A_166] {strides = array<i32>} : memref<512xi32, #tpu.memory_space<vmem>>, vector<16xi32>,
    %shift_right_arithmetic3A_168 = arith.constant 15 : i32
    %shift_right_arithmetic3A_169 = vector.broadcast %shift_right_arithmetic3A_168 : i32 to vector<16xi32>
    %shift_right_arithmetic3A_170 = arith.shrsi %get3A_167, %shift_right_arithmetic3A_169 : vector<16xi32>
    %shift_left3A_171 = arith.constant 13 : i32
    %shift_left3A_172 = vector.broadcast %shift_left3A_171 : i32 to vector<16xi32>
    %shift_left3A_173 = arith.shli %shift_right_arithmetic3A_170, %shift_left3A_172 : vector<16xi32>
    %and3A_174 = arith.constant 8191 : i32
    %and3A_175 = vector.broadcast %and3A_174 : i32 to vector<16xi32>
    %and3A_176 = arith.andi %get3A_167, %and3A_175 : vector<16xi32>
    %add3A_177 = arith.addi %shift_left3A_173, %and3A_176 : vector<16xi32>
    %swap3A_178 = arith.constant 192 : index
    %swap3A_179 = tpu.vector_load %arg6[%swap3A_178] {strides = array<i32>} : memref<512xi32, #tpu.memory_space<vmem>>, vector<16xi32>,
    tpu.vector_store %arg6[%swap3A_178], %add3A_177 {strides = array<i32>} : memref<512xi32, #tpu.memory_space<vmem>>, vector<16xi32>,
    %get3A_180 = arith.constant 208 : index
    %get3A_181 = tpu.vector_load %arg5[%get3A_180] {strides = array<i32>} : memref<512xi32, #tpu.memory_space<vmem>>, vector<16xi32>,
    %shift_right_arithmetic3A_182 = arith.constant 15 : i32
    %shift_right_arithmetic3A_183 = vector.broadcast %shift_right_arithmetic3A_182 : i32 to vector<16xi32>
    %shift_right_arithmetic3A_184 = arith.shrsi %get3A_181, %shift_right_arithmetic3A_183 : vector<16xi32>
    %shift_left3A_185 = arith.constant 13 : i32
    %shift_left3A_186 = vector.broadcast %shift_left3A_185 : i32 to vector<16xi32>
    %shift_left3A_187 = arith.shli %shift_right_arithmetic3A_184, %shift_left3A_186 : vector<16xi32>
    %and3A_188 = arith.constant 8191 : i32
    %and3A_189 = vector.broadcast %and3A_188 : i32 to vector<16xi32>
    %and3A_190 = arith.andi %get3A_181, %and3A_189 : vector<16xi32>
    %add3A_191 = arith.addi %shift_left3A_187, %and3A_190 : vector<16xi32>
    %swap3A_192 = arith.constant 208 : index
    %swap3A_193 = tpu.vector_load %arg6[%swap3A_192] {strides = array<i32>} : memref<512xi32, #tpu.memory_space<vmem>>, vector<16xi32>,
    tpu.vector_store %arg6[%swap3A_192], %add3A_191 {strides = array<i32>} : memref<512xi32, #tpu.memory_space<vmem>>, vector<16xi32>,
    %get3A_194 = arith.constant 224 : index
    %get3A_195 = tpu.vector_load %arg5[%get3A_194] {strides = array<i32>} : memref<512xi32, #tpu.memory_space<vmem>>, vector<16xi32>,
    %shift_right_arithmetic3A_196 = arith.constant 15 : i32
    %shift_right_arithmetic3A_197 = vector.broadcast %shift_right_arithmetic3A_196 : i32 to vector<16xi32>
    %shift_right_arithmetic3A_198 = arith.shrsi %get3A_195, %shift_right_arithmetic3A_197 : vector<16xi32>
    %shift_left3A_199 = arith.constant 13 : i32
    %shift_left3A_200 = vector.broadcast %shift_left3A_199 : i32 to vector<16xi32>
    %shift_left3A_201 = arith.shli %shift_right_arithmetic3A_198, %shift_left3A_200 : vector<16xi32>
    %and3A_202 = arith.constant 8191 : i32
    %and3A_203 = vector.broadcast %and3A_202 : i32 to vector<16xi32>
    %and3A_204 = arith.andi %get3A_195, %and3A_203 : vector<16xi32>
    %add3A_205 = arith.addi %shift_left3A_201, %and3A_204 : vector<16xi32>
    %swap3A_206 = arith.constant 224 : index
    %swap3A_207 = tpu.vector_load %arg6[%swap3A_206] {strides = array<i32>} : memref<512xi32, #tpu.memory_space<vmem>>, vector<16xi32>,
    tpu.vector_store %arg6[%swap3A_206], %add3A_205 {strides = array<i32>} : memref<512xi32, #tpu.memory_space<vmem>>, vector<16xi32>,
    %get3A_208 = arith.constant 240 : index
    %get3A_209 = tpu.vector_load %arg5[%get3A_208] {strides = array<i32>} : memref<512xi32, #tpu.memory_space<vmem>>, vector<16xi32>,
    %shift_right_arithmetic3A_210 = arith.constant 15 : i32
    %shift_right_arithmetic3A_211 = vector.broadcast %shift_right_arithmetic3A_210 : i32 to vector<16xi32>
    %shift_right_arithmetic3A_212 = arith.shrsi %get3A_209, %shift_right_arithmetic3A_211 : vector<16xi32>
    %shift_left3A_213 = arith.constant 13 : i32
    %shift_left3A_214 = vector.broadcast %shift_left3A_213 : i32 to vector<16xi32>
    %shift_left3A_215 = arith.shli %shift_right_arithmetic3A_212, %shift_left3A_214 : vector<16xi32>
    %and3A_216 = arith.constant 8191 : i32
    %and3A_217 = vector.broadcast %and3A_216 : i32 to vector<16xi32>
    %and3A_218 = arith.andi %get3A_209, %and3A_217 : vector<16xi32>
    %add3A_219 = arith.addi %shift_left3A_215, %and3A_218 : vector<16xi32>
    %swap3A_220 = arith.constant 240 : index
    %swap3A_221 = tpu.vector_load %arg6[%swap3A_220] {strides = array<i32>} : memref<512xi32, #tpu.memory_space<vmem>>, vector<16xi32>,
    tpu.vector_store %arg6[%swap3A_220], %add3A_219 {strides = array<i32>} : memref<512xi32, #tpu.memory_space<vmem>>, vector<16xi32>,
    %get3A_222 = arith.constant 256 : index
    %get3A_223 = tpu.vector_load %arg5[%get3A_222] {strides = array<i32>} : memref<512xi32, #tpu.memory_space<vmem>>, vector<16xi32>,
    %shift_right_arithmetic3A_224 = arith.constant 15 : i32
    %shift_right_arithmetic3A_225 = vector.broadcast %shift_right_arithmetic3A_224 : i32 to vector<16xi32>
    %shift_right_arithmetic3A_226 = arith.shrsi %get3A_223, %shift_right_arithmetic3A_225 : vector<16xi32>
    %shift_left3A_227 = arith.constant 13 : i32
    %shift_left3A_228 = vector.broadcast %shift_left3A_227 : i32 to vector<16xi32>
    %shift_left3A_229 = arith.shli %shift_right_arithmetic3A_226, %shift_left3A_228 : vector<16xi32>
    %and3A_230 = arith.constant 8191 : i32
    %and3A_231 = vector.broadcast %and3A_230 : i32 to vector<16xi32>
    %and3A_232 = arith.andi %get3A_223, %and3A_231 : vector<16xi32>
    %add3A_233 = arith.addi %shift_left3A_229, %and3A_232 : vector<16xi32>
    %swap3A_234 = arith.constant 256 : index
    %swap3A_235 = tpu.vector_load %arg6[%swap3A_234] {strides = array<i32>} : memref<512xi32, #tpu.memory_space<vmem>>, vector<16xi32>,
    tpu.vector_store %arg6[%swap3A_234], %add3A_233 {strides = array<i32>} : memref<512xi32, #tpu.memory_space<vmem>>, vector<16xi32>,
    %get3A_236 = arith.constant 272 : index
    %get3A_237 = tpu.vector_load %arg5[%get3A_236] {strides = array<i32>} : memref<512xi32, #tpu.memory_space<vmem>>, vector<16xi32>,
    %shift_right_arithmetic3A_238 = arith.constant 15 : i32
    %shift_right_arithmetic3A_239 = vector.broadcast %shift_right_arithmetic3A_238 : i32 to vector<16xi32>
    %shift_right_arithmetic3A_240 = arith.shrsi %get3A_237, %shift_right_arithmetic3A_239 : vector<16xi32>
    %shift_left3A_241 = arith.constant 13 : i32
    %shift_left3A_242 = vector.broadcast %shift_left3A_241 : i32 to vector<16xi32>
    %shift_left3A_243 = arith.shli %shift_right_arithmetic3A_240, %shift_left3A_242 : vector<16xi32>
    %and3A_244 = arith.constant 8191 : i32
    %and3A_245 = vector.broadcast %and3A_244 : i32 to vector<16xi32>
    %and3A_246 = arith.andi %get3A_237, %and3A_245 : vector<16xi32>
    %add3A_247 = arith.addi %shift_left3A_243, %and3A_246 : vector<16xi32>
    %swap3A_248 = arith.constant 272 : index
    %swap3A_249 = tpu.vector_load %arg6[%swap3A_248] {strides = array<i32>} : memref<512xi32, #tpu.memory_space<vmem>>, vector<16xi32>,
    tpu.vector_store %arg6[%swap3A_248], %add3A_247 {strides = array<i32>} : memref<512xi32, #tpu.memory_space<vmem>>, vector<16xi32>,
    %get3A_250 = arith.constant 288 : index
    %get3A_251 = tpu.vector_load %arg5[%get3A_250] {strides = array<i32>} : memref<512xi32, #tpu.memory_space<vmem>>, vector<16xi32>,
    %shift_right_arithmetic3A_252 = arith.constant 15 : i32
    %shift_right_arithmetic3A_253 = vector.broadcast %shift_right_arithmetic3A_252 : i32 to vector<16xi32>
    %shift_right_arithmetic3A_254 = arith.shrsi %get3A_251, %shift_right_arithmetic3A_253 : vector<16xi32>
    %shift_left3A_255 = arith.constant 13 : i32
    %shift_left3A_256 = vector.broadcast %shift_left3A_255 : i32 to vector<16xi32>
    %shift_left3A_257 = arith.shli %shift_right_arithmetic3A_254, %shift_left3A_256 : vector<16xi32>
    %and3A_258 = arith.constant 8191 : i32
    %and3A_259 = vector.broadcast %and3A_258 : i32 to vector<16xi32>
    %and3A_260 = arith.andi %get3A_251, %and3A_259 : vector<16xi32>
    %add3A_261 = arith.addi %shift_left3A_257, %and3A_260 : vector<16xi32>
    %swap3A_262 = arith.constant 288 : index
    %swap3A_263 = tpu.vector_load %arg6[%swap3A_262] {strides = array<i32>} : memref<512xi32, #tpu.memory_space<vmem>>, vector<16xi32>,
    tpu.vector_store %arg6[%swap3A_262], %add3A_261 {strides = array<i32>} : memref<512xi32, #tpu.memory_space<vmem>>, vector<16xi32>,
    %get3A_264 = arith.constant 304 : index
    %get3A_265 = tpu.vector_load %arg5[%get3A_264] {strides = array<i32>} : memref<512xi32, #tpu.memory_space<vmem>>, vector<16xi32>,
    %shift_right_arithmetic3A_266 = arith.constant 15 : i32
    %shift_right_arithmetic3A_267 = vector.broadcast %shift_right_arithmetic3A_266 : i32 to vector<16xi32>
    %shift_right_arithmetic3A_268 = arith.shrsi %get3A_265, %shift_right_arithmetic3A_267 : vector<16xi32>
    %shift_left3A_269 = arith.constant 13 : i32
    %shift_left3A_270 = vector.broadcast %shift_left3A_269 : i32 to vector<16xi32>
    %shift_left3A_271 = arith.shli %shift_right_arithmetic3A_268, %shift_left3A_270 : vector<16xi32>
    %and3A_272 = arith.constant 8191 : i32
    %and3A_273 = vector.broadcast %and3A_272 : i32 to vector<16xi32>
    %and3A_274 = arith.andi %get3A_265, %and3A_273 : vector<16xi32>
    %add3A_275 = arith.addi %shift_left3A_271, %and3A_274 : vector<16xi32>
    %swap3A_276 = arith.constant 304 : index
    %swap3A_277 = tpu.vector_load %arg6[%swap3A_276] {strides = array<i32>} : memref<512xi32, #tpu.memory_space<vmem>>, vector<16xi32>,
    tpu.vector_store %arg6[%swap3A_276], %add3A_275 {strides = array<i32>} : memref<512xi32, #tpu.memory_space<vmem>>, vector<16xi32>,
    %get3A_278 = arith.constant 320 : index
    %get3A_279 = tpu.vector_load %arg5[%get3A_278] {strides = array<i32>} : memref<512xi32, #tpu.memory_space<vmem>>, vector<16xi32>,
    %shift_right_arithmetic3A_280 = arith.constant 15 : i32
    %shift_right_arithmetic3A_281 = vector.broadcast %shift_right_arithmetic3A_280 : i32 to vector<16xi32>
    %shift_right_arithmetic3A_282 = arith.shrsi %get3A_279, %shift_right_arithmetic3A_281 : vector<16xi32>
    %shift_left3A_283 = arith.constant 13 : i32
    %shift_left3A_284 = vector.broadcast %shift_left3A_283 : i32 to vector<16xi32>
    %shift_left3A_285 = arith.shli %shift_right_arithmetic3A_282, %shift_left3A_284 : vector<16xi32>
    %and3A_286 = arith.constant 8191 : i32
    %and3A_287 = vector.broadcast %and3A_286 : i32 to vector<16xi32>
    %and3A_288 = arith.andi %get3A_279, %and3A_287 : vector<16xi32>
    %add3A_289 = arith.addi %shift_left3A_285, %and3A_288 : vector<16xi32>
    %swap3A_290 = arith.constant 320 : index
    %swap3A_291 = tpu.vector_load %arg6[%swap3A_290] {strides = array<i32>} : memref<512xi32, #tpu.memory_space<vmem>>, vector<16xi32>,
    tpu.vector_store %arg6[%swap3A_290], %add3A_289 {strides = array<i32>} : memref<512xi32, #tpu.memory_space<vmem>>, vector<16xi32>,
    %get3A_292 = arith.constant 336 : index
    %get3A_293 = tpu.vector_load %arg5[%get3A_292] {strides = array<i32>} : memref<512xi32, #tpu.memory_space<vmem>>, vector<16xi32>,
    %shift_right_arithmetic3A_294 = arith.constant 15 : i32
    %shift_right_arithmetic3A_295 = vector.broadcast %shift_right_arithmetic3A_294 : i32 to vector<16xi32>
    %shift_right_arithmetic3A_296 = arith.shrsi %get3A_293, %shift_right_arithmetic3A_295 : vector<16xi32>
    %shift_left3A_297 = arith.constant 13 : i32
    %shift_left3A_298 = vector.broadcast %shift_left3A_297 : i32 to vector<16xi32>
    %shift_left3A_299 = arith.shli %shift_right_arithmetic3A_296, %shift_left3A_298 : vector<16xi32>
    %and3A_300 = arith.constant 8191 : i32
    %and3A_301 = vector.broadcast %and3A_300 : i32 to vector<16xi32>
    %and3A_302 = arith.andi %get3A_293, %and3A_301 : vector<16xi32>
    %add3A_303 = arith.addi %shift_left3A_299, %and3A_302 : vector<16xi32>
    %swap3A_304 = arith.constant 336 : index
    %swap3A_305 = tpu.vector_load %arg6[%swap3A_304] {strides = array<i32>} : memref<512xi32, #tpu.memory_space<vmem>>, vector<16xi32>,
    tpu.vector_store %arg6[%swap3A_304], %add3A_303 {strides = array<i32>} : memref<512xi32, #tpu.memory_space<vmem>>, vector<16xi32>,
    %get3A_306 = arith.constant 352 : index
    %get3A_307 = tpu.vector_load %arg5[%get3A_306] {strides = array<i32>} : memref<512xi32, #tpu.memory_space<vmem>>, vector<16xi32>,
    %shift_right_arithmetic3A_308 = arith.constant 15 : i32
    %shift_right_arithmetic3A_309 = vector.broadcast %shift_right_arithmetic3A_308 : i32 to vector<16xi32>
    %shift_right_arithmetic3A_310 = arith.shrsi %get3A_307, %shift_right_arithmetic3A_309 : vector<16xi32>
    %shift_left3A_311 = arith.constant 13 : i32
    %shift_left3A_312 = vector.broadcast %shift_left3A_311 : i32 to vector<16xi32>
    %shift_left3A_313 = arith.shli %shift_right_arithmetic3A_310, %shift_left3A_312 : vector<16xi32>
    %and3A_314 = arith.constant 8191 : i32
    %and3A_315 = vector.broadcast %and3A_314 : i32 to vector<16xi32>
    %and3A_316 = arith.andi %get3A_307, %and3A_315 : vector<16xi32>
    %add3A_317 = arith.addi %shift_left3A_313, %and3A_316 : vector<16xi32>
    %swap3A_318 = arith.constant 352 : index
    %swap3A_319 = tpu.vector_load %arg6[%swap3A_318] {strides = array<i32>} : memref<512xi32, #tpu.memory_space<vmem>>, vector<16xi32>,
    tpu.vector_store %arg6[%swap3A_318], %add3A_317 {strides = array<i32>} : memref<512xi32, #tpu.memory_space<vmem>>, vector<16xi32>,
    %get3A_320 = arith.constant 368 : index
    %get3A_321 = tpu.vector_load %arg5[%get3A_320] {strides = array<i32>} : memref<512xi32, #tpu.memory_space<vmem>>, vector<16xi32>,
    %shift_right_arithmetic3A_322 = arith.constant 15 : i32
    %shift_right_arithmetic3A_323 = vector.broadcast %shift_right_arithmetic3A_322 : i32 to vector<16xi32>
    %shift_right_arithmetic3A_324 = arith.shrsi %get3A_321, %shift_right_arithmetic3A_323 : vector<16xi32>
    %shift_left3A_325 = arith.constant 13 : i32
    %shift_left3A_326 = vector.broadcast %shift_left3A_325 : i32 to vector<16xi32>
    %shift_left3A_327 = arith.shli %shift_right_arithmetic3A_324, %shift_left3A_326 : vector<16xi32>
    %and3A_328 = arith.constant 8191 : i32
    %and3A_329 = vector.broadcast %and3A_328 : i32 to vector<16xi32>
    %and3A_330 = arith.andi %get3A_321, %and3A_329 : vector<16xi32>
    %add3A_331 = arith.addi %shift_left3A_327, %and3A_330 : vector<16xi32>
    %swap3A_332 = arith.constant 368 : index
    %swap3A_333 = tpu.vector_load %arg6[%swap3A_332] {strides = array<i32>} : memref<512xi32, #tpu.memory_space<vmem>>, vector<16xi32>,
    tpu.vector_store %arg6[%swap3A_332], %add3A_331 {strides = array<i32>} : memref<512xi32, #tpu.memory_space<vmem>>, vector<16xi32>,
    %get3A_334 = arith.constant 384 : index
    %get3A_335 = tpu.vector_load %arg5[%get3A_334] {strides = array<i32>} : memref<512xi32, #tpu.memory_space<vmem>>, vector<16xi32>,
    %shift_right_arithmetic3A_336 = arith.constant 15 : i32
    %shift_right_arithmetic3A_337 = vector.broadcast %shift_right_arithmetic3A_336 : i32 to vector<16xi32>
    %shift_right_arithmetic3A_338 = arith.shrsi %get3A_335, %shift_right_arithmetic3A_337 : vector<16xi32>
    %shift_left3A_339 = arith.constant 13 : i32
    %shift_left3A_340 = vector.broadcast %shift_left3A_339 : i32 to vector<16xi32>
    %shift_left3A_341 = arith.shli %shift_right_arithmetic3A_338, %shift_left3A_340 : vector<16xi32>
    %and3A_342 = arith.constant 8191 : i32
    %and3A_343 = vector.broadcast %and3A_342 : i32 to vector<16xi32>
    %and3A_344 = arith.andi %get3A_335, %and3A_343 : vector<16xi32>
    %add3A_345 = arith.addi %shift_left3A_341, %and3A_344 : vector<16xi32>
    %swap3A_346 = arith.constant 384 : index
    %swap3A_347 = tpu.vector_load %arg6[%swap3A_346] {strides = array<i32>} : memref<512xi32, #tpu.memory_space<vmem>>, vector<16xi32>,
    tpu.vector_store %arg6[%swap3A_346], %add3A_345 {strides = array<i32>} : memref<512xi32, #tpu.memory_space<vmem>>, vector<16xi32>,
    %get3A_348 = arith.constant 400 : index
    %get3A_349 = tpu.vector_load %arg5[%get3A_348] {strides = array<i32>} : memref<512xi32, #tpu.memory_space<vmem>>, vector<16xi32>,
    %shift_right_arithmetic3A_350 = arith.constant 15 : i32
    %shift_right_arithmetic3A_351 = vector.broadcast %shift_right_arithmetic3A_350 : i32 to vector<16xi32>
    %shift_right_arithmetic3A_352 = arith.shrsi %get3A_349, %shift_right_arithmetic3A_351 : vector<16xi32>
    %shift_left3A_353 = arith.constant 13 : i32
    %shift_left3A_354 = vector.broadcast %shift_left3A_353 : i32 to vector<16xi32>
    %shift_left3A_355 = arith.shli %shift_right_arithmetic3A_352, %shift_left3A_354 : vector<16xi32>
    %and3A_356 = arith.constant 8191 : i32
    %and3A_357 = vector.broadcast %and3A_356 : i32 to vector<16xi32>
    %and3A_358 = arith.andi %get3A_349, %and3A_357 : vector<16xi32>
    %add3A_359 = arith.addi %shift_left3A_355, %and3A_358 : vector<16xi32>
    %swap3A_360 = arith.constant 400 : index
    %swap3A_361 = tpu.vector_load %arg6[%swap3A_360] {strides = array<i32>} : memref<512xi32, #tpu.memory_space<vmem>>, vector<16xi32>,
    tpu.vector_store %arg6[%swap3A_360], %add3A_359 {strides = array<i32>} : memref<512xi32, #tpu.memory_space<vmem>>, vector<16xi32>,
    %get3A_362 = arith.constant 416 : index
    %get3A_363 = tpu.vector_load %arg5[%get3A_362] {strides = array<i32>} : memref<512xi32, #tpu.memory_space<vmem>>, vector<16xi32>,
    %shift_right_arithmetic3A_364 = arith.constant 15 : i32
    %shift_right_arithmetic3A_365 = vector.broadcast %shift_right_arithmetic3A_364 : i32 to vector<16xi32>
    %shift_right_arithmetic3A_366 = arith.shrsi %get3A_363, %shift_right_arithmetic3A_365 : vector<16xi32>
    %shift_left3A_367 = arith.constant 13 : i32
    %shift_left3A_368 = vector.broadcast %shift_left3A_367 : i32 to vector<16xi32>
    %shift_left3A_369 = arith.shli %shift_right_arithmetic3A_366, %shift_left3A_368 : vector<16xi32>
    %and3A_370 = arith.constant 8191 : i32
    %and3A_371 = vector.broadcast %and3A_370 : i32 to vector<16xi32>
    %and3A_372 = arith.andi %get3A_363, %and3A_371 : vector<16xi32>
    %add3A_373 = arith.addi %shift_left3A_369, %and3A_372 : vector<16xi32>
    %swap3A_374 = arith.constant 416 : index
    %swap3A_375 = tpu.vector_load %arg6[%swap3A_374] {strides = array<i32>} : memref<512xi32, #tpu.memory_space<vmem>>, vector<16xi32>,
    tpu.vector_store %arg6[%swap3A_374], %add3A_373 {strides = array<i32>} : memref<512xi32, #tpu.memory_space<vmem>>, vector<16xi32>,
    %get3A_376 = arith.constant 432 : index
    %get3A_377 = tpu.vector_load %arg5[%get3A_376] {strides = array<i32>} : memref<512xi32, #tpu.memory_space<vmem>>, vector<16xi32>,
    %shift_right_arithmetic3A_378 = arith.constant 15 : i32
    %shift_right_arithmetic3A_379 = vector.broadcast %shift_right_arithmetic3A_378 : i32 to vector<16xi32>
    %shift_right_arithmetic3A_380 = arith.shrsi %get3A_377, %shift_right_arithmetic3A_379 : vector<16xi32>
    %shift_left3A_381 = arith.constant 13 : i32
    %shift_left3A_382 = vector.broadcast %shift_left3A_381 : i32 to vector<16xi32>
    %shift_left3A_383 = arith.shli %shift_right_arithmetic3A_380, %shift_left3A_382 : vector<16xi32>
    %and3A_384 = arith.constant 8191 : i32
    %and3A_385 = vector.broadcast %and3A_384 : i32 to vector<16xi32>
    %and3A_386 = arith.andi %get3A_377, %and3A_385 : vector<16xi32>
    %add3A_387 = arith.addi %shift_left3A_383, %and3A_386 : vector<16xi32>
    %swap3A_388 = arith.constant 432 : index
    %swap3A_389 = tpu.vector_load %arg6[%swap3A_388] {strides = array<i32>} : memref<512xi32, #tpu.memory_space<vmem>>, vector<16xi32>,
    tpu.vector_store %arg6[%swap3A_388], %add3A_387 {strides = array<i32>} : memref<512xi32, #tpu.memory_space<vmem>>, vector<16xi32>,
    %get3A_390 = arith.constant 448 : index
    %get3A_391 = tpu.vector_load %arg5[%get3A_390] {strides = array<i32>} : memref<512xi32, #tpu.memory_space<vmem>>, vector<16xi32>,
    %shift_right_arithmetic3A_392 = arith.constant 15 : i32
    %shift_right_arithmetic3A_393 = vector.broadcast %shift_right_arithmetic3A_392 : i32 to vector<16xi32>
    %shift_right_arithmetic3A_394 = arith.shrsi %get3A_391, %shift_right_arithmetic3A_393 : vector<16xi32>
    %shift_left3A_395 = arith.constant 13 : i32
    %shift_left3A_396 = vector.broadcast %shift_left3A_395 : i32 to vector<16xi32>
    %shift_left3A_397 = arith.shli %shift_right_arithmetic3A_394, %shift_left3A_396 : vector<16xi32>
    %and3A_398 = arith.constant 8191 : i32
    %and3A_399 = vector.broadcast %and3A_398 : i32 to vector<16xi32>
    %and3A_400 = arith.andi %get3A_391, %and3A_399 : vector<16xi32>
    %add3A_401 = arith.addi %shift_left3A_397, %and3A_400 : vector<16xi32>
    %swap3A_402 = arith.constant 448 : index
    %swap3A_403 = tpu.vector_load %arg6[%swap3A_402] {strides = array<i32>} : memref<512xi32, #tpu.memory_space<vmem>>, vector<16xi32>,
    tpu.vector_store %arg6[%swap3A_402], %add3A_401 {strides = array<i32>} : memref<512xi32, #tpu.memory_space<vmem>>, vector<16xi32>,
    %get3A_404 = arith.constant 464 : index
    %get3A_405 = tpu.vector_load %arg5[%get3A_404] {strides = array<i32>} : memref<512xi32, #tpu.memory_space<vmem>>, vector<16xi32>,
    %shift_right_arithmetic3A_406 = arith.constant 15 : i32
    %shift_right_arithmetic3A_407 = vector.broadcast %shift_right_arithmetic3A_406 : i32 to vector<16xi32>
    %shift_right_arithmetic3A_408 = arith.shrsi %get3A_405, %shift_right_arithmetic3A_407 : vector<16xi32>
    %shift_left3A_409 = arith.constant 13 : i32
    %shift_left3A_410 = vector.broadcast %shift_left3A_409 : i32 to vector<16xi32>
    %shift_left3A_411 = arith.shli %shift_right_arithmetic3A_408, %shift_left3A_410 : vector<16xi32>
    %and3A_412 = arith.constant 8191 : i32
    %and3A_413 = vector.broadcast %and3A_412 : i32 to vector<16xi32>
    %and3A_414 = arith.andi %get3A_405, %and3A_413 : vector<16xi32>
    %add3A_415 = arith.addi %shift_left3A_411, %and3A_414 : vector<16xi32>
    %swap3A_416 = arith.constant 464 : index
    %swap3A_417 = tpu.vector_load %arg6[%swap3A_416] {strides = array<i32>} : memref<512xi32, #tpu.memory_space<vmem>>, vector<16xi32>,
    tpu.vector_store %arg6[%swap3A_416], %add3A_415 {strides = array<i32>} : memref<512xi32, #tpu.memory_space<vmem>>, vector<16xi32>,
    %get3A_418 = arith.constant 480 : index
    %get3A_419 = tpu.vector_load %arg5[%get3A_418] {strides = array<i32>} : memref<512xi32, #tpu.memory_space<vmem>>, vector<16xi32>,
    %shift_right_arithmetic3A_420 = arith.constant 15 : i32
    %shift_right_arithmetic3A_421 = vector.broadcast %shift_right_arithmetic3A_420 : i32 to vector<16xi32>
    %shift_right_arithmetic3A_422 = arith.shrsi %get3A_419, %shift_right_arithmetic3A_421 : vector<16xi32>
    %shift_left3A_423 = arith.constant 13 : i32
    %shift_left3A_424 = vector.broadcast %shift_left3A_423 : i32 to vector<16xi32>
    %shift_left3A_425 = arith.shli %shift_right_arithmetic3A_422, %shift_left3A_424 : vector<16xi32>
    %and3A_426 = arith.constant 8191 : i32
    %and3A_427 = vector.broadcast %and3A_426 : i32 to vector<16xi32>
    %and3A_428 = arith.andi %get3A_419, %and3A_427 : vector<16xi32>
    %add3A_429 = arith.addi %shift_left3A_425, %and3A_428 : vector<16xi32>
    %swap3A_430 = arith.constant 480 : index
    %swap3A_431 = tpu.vector_load %arg6[%swap3A_430] {strides = array<i32>} : memref<512xi32, #tpu.memory_space<vmem>>, vector<16xi32>,
    tpu.vector_store %arg6[%swap3A_430], %add3A_429 {strides = array<i32>} : memref<512xi32, #tpu.memory_space<vmem>>, vector<16xi32>,
    %get3A_432 = arith.constant 496 : index
    %get3A_433 = tpu.vector_load %arg5[%get3A_432] {strides = array<i32>} : memref<512xi32, #tpu.memory_space<vmem>>, vector<16xi32>,
    %shift_right_arithmetic3A_434 = arith.constant 15 : i32
    %shift_right_arithmetic3A_435 = vector.broadcast %shift_right_arithmetic3A_434 : i32 to vector<16xi32>
    %shift_right_arithmetic3A_436 = arith.shrsi %get3A_433, %shift_right_arithmetic3A_435 : vector<16xi32>
    %shift_left3A_437 = arith.constant 13 : i32
    %shift_left3A_438 = vector.broadcast %shift_left3A_437 : i32 to vector<16xi32>
    %shift_left3A_439 = arith.shli %shift_right_arithmetic3A_436, %shift_left3A_438 : vector<16xi32>
    %and3A_440 = arith.constant 8191 : i32
    %and3A_441 = vector.broadcast %and3A_440 : i32 to vector<16xi32>
    %and3A_442 = arith.andi %get3A_433, %and3A_441 : vector<16xi32>
    %add3A_443 = arith.addi %shift_left3A_439, %and3A_442 : vector<16xi32>
    %swap3A_444 = arith.constant 496 : index
    %swap3A_445 = tpu.vector_load %arg6[%swap3A_444] {strides = array<i32>} : memref<512xi32, #tpu.memory_space<vmem>>, vector<16xi32>,
    tpu.vector_store %arg6[%swap3A_444], %add3A_443 {strides = array<i32>} : memref<512xi32, #tpu.memory_space<vmem>>, vector<16xi32>,
    %dma_start3A = arith.constant 0 : i32
    %dma_start3A_446 = arith.constant 0 : i32
    %dma_start3A_447 = tpu.memref_slice %arg7[%dma_start3A, %dma_start3A_446] : memref<512x128xf32, #tpu.memory_space<vmem>> -> memref<128x128xf32, #tpu.memory_space<vmem>>
    %dma_start3A_448 = arith.constant 0 : i32
    %dma_start3A_449 = tpu.memref_slice %arg6[%dma_start3A_448] : memref<512xi32, #tpu.memory_space<vmem>> -> memref<128xi32, #tpu.memory_space<vmem>>
    %dma_start3A_450 = arith.constant 0 : i32
    %dma_start3A_451 = arith.constant 0 : i32
    %dma_start3A_452 = tpu.memref_slice %arg3[%dma_start3A_450, %dma_start3A_451] : memref<253952x128xf32, #tpu.memory_space<hbm>> -> memref<253952x128xf32, #tpu.memory_space<hbm>>
    tpu.enqueue_indirect_dma source(%dma_start3A_452 : memref<253952x128xf32, #tpu.memory_space<hbm>>) target(%dma_start3A_447 : memref<128x128xf32, #tpu.memory_space<vmem>>) offsets(%dma_start3A_449 : memref<128xi32, #tpu.memory_space<vmem>>) semaphore(%arg9 : memref<!tpu.dma_semaphore, #tpu.memory_space<semaphore_mem>>)
    %dma_start3A_453 = arith.constant 128 : i32
    %dma_start3A_454 = arith.constant 0 : i32
    %dma_start3A_455 = tpu.memref_slice %arg7[%dma_start3A_453, %dma_start3A_454] : memref<512x128xf32, #tpu.memory_space<vmem>> -> memref<128x128xf32, #tpu.memory_space<vmem>>
    %dma_start3A_456 = arith.constant 128 : i32
    %dma_start3A_457 = tpu.memref_slice %arg6[%dma_start3A_456] : memref<512xi32, #tpu.memory_space<vmem>> -> memref<128xi32, #tpu.memory_space<vmem>>
    %dma_start3A_458 = arith.constant 0 : i32
    %dma_start3A_459 = arith.constant 0 : i32
    %dma_start3A_460 = tpu.memref_slice %arg3[%dma_start3A_458, %dma_start3A_459] : memref<253952x128xf32, #tpu.memory_space<hbm>> -> memref<253952x128xf32, #tpu.memory_space<hbm>>
    tpu.enqueue_indirect_dma source(%dma_start3A_460 : memref<253952x128xf32, #tpu.memory_space<hbm>>) target(%dma_start3A_455 : memref<128x128xf32, #tpu.memory_space<vmem>>) offsets(%dma_start3A_457 : memref<128xi32, #tpu.memory_space<vmem>>) semaphore(%arg9 : memref<!tpu.dma_semaphore, #tpu.memory_space<semaphore_mem>>)
    %dma_start3A_461 = arith.constant 256 : i32
    %dma_start3A_462 = arith.constant 0 : i32
    %dma_start3A_463 = tpu.memref_slice %arg7[%dma_start3A_461, %dma_start3A_462] : memref<512x128xf32, #tpu.memory_space<vmem>> -> memref<128x128xf32, #tpu.memory_space<vmem>>
    %dma_start3A_464 = arith.constant 256 : i32
    %dma_start3A_465 = tpu.memref_slice %arg6[%dma_start3A_464] : memref<512xi32, #tpu.memory_space<vmem>> -> memref<128xi32, #tpu.memory_space<vmem>>
    %dma_start3A_466 = arith.constant 0 : i32
    %dma_start3A_467 = arith.constant 0 : i32
    %dma_start3A_468 = tpu.memref_slice %arg3[%dma_start3A_466, %dma_start3A_467] : memref<253952x128xf32, #tpu.memory_space<hbm>> -> memref<253952x128xf32, #tpu.memory_space<hbm>>
    tpu.enqueue_indirect_dma source(%dma_start3A_468 : memref<253952x128xf32, #tpu.memory_space<hbm>>) target(%dma_start3A_463 : memref<128x128xf32, #tpu.memory_space<vmem>>) offsets(%dma_start3A_465 : memref<128xi32, #tpu.memory_space<vmem>>) semaphore(%arg9 : memref<!tpu.dma_semaphore, #tpu.memory_space<semaphore_mem>>)
    %dma_start3A_469 = arith.constant 384 : i32
    %dma_start3A_470 = arith.constant 0 : i32
    %dma_start3A_471 = tpu.memref_slice %arg7[%dma_start3A_469, %dma_start3A_470] : memref<512x128xf32, #tpu.memory_space<vmem>> -> memref<128x128xf32, #tpu.memory_space<vmem>>
    %dma_start3A_472 = arith.constant 384 : i32
    %dma_start3A_473 = tpu.memref_slice %arg6[%dma_start3A_472] : memref<512xi32, #tpu.memory_space<vmem>> -> memref<128xi32, #tpu.memory_space<vmem>>
    %dma_start3A_474 = arith.constant 0 : i32
    %dma_start3A_475 = arith.constant 0 : i32
    %dma_start3A_476 = tpu.memref_slice %arg3[%dma_start3A_474, %dma_start3A_475] : memref<253952x128xf32, #tpu.memory_space<hbm>> -> memref<253952x128xf32, #tpu.memory_space<hbm>>
    tpu.enqueue_indirect_dma source(%dma_start3A_476 : memref<253952x128xf32, #tpu.memory_space<hbm>>) target(%dma_start3A_471 : memref<128x128xf32, #tpu.memory_space<vmem>>) offsets(%dma_start3A_473 : memref<128xi32, #tpu.memory_space<vmem>>) semaphore(%arg9 : memref<!tpu.dma_semaphore, #tpu.memory_space<semaphore_mem>>)
    %dma_wait3A = arith.constant 0 : i32
    %dma_wait3A_477 = arith.constant 0 : i32
    %dma_wait3A_478 = tpu.memref_slice %arg7[%dma_wait3A, %dma_wait3A_477] : memref<512x128xf32, #tpu.memory_space<vmem>> -> memref<128x128xf32, #tpu.memory_space<vmem>>
    %dma_wait3A_479 = arith.constant 0 : i32
    %dma_wait3A_480 = tpu.memref_slice %arg6[%dma_wait3A_479] : memref<512xi32, #tpu.memory_space<vmem>> -> memref<128xi32, #tpu.memory_space<vmem>>
    %dma_wait3A_481 = arith.constant 0 : i32
    %dma_wait3A_482 = arith.constant 0 : i32
    %dma_wait3A_483 = tpu.memref_slice %arg3[%dma_wait3A_481, %dma_wait3A_482] : memref<253952x128xf32, #tpu.memory_space<hbm>> -> memref<253952x128xf32, #tpu.memory_space<hbm>>
    tpu.wait_indirect_dma semaphore(%arg9 : memref<!tpu.dma_semaphore, #tpu.memory_space<semaphore_mem>>) src(%dma_wait3A_483 : memref<253952x128xf32, #tpu.memory_space<hbm>>) dst(%dma_wait3A_478 : memref<128x128xf32, #tpu.memory_space<vmem>>)
    %dma_wait3A_484 = arith.constant 128 : i32
    %dma_wait3A_485 = arith.constant 0 : i32
    %dma_wait3A_486 = tpu.memref_slice %arg7[%dma_wait3A_484, %dma_wait3A_485] : memref<512x128xf32, #tpu.memory_space<vmem>> -> memref<128x128xf32, #tpu.memory_space<vmem>>
    %dma_wait3A_487 = arith.constant 128 : i32
    %dma_wait3A_488 = tpu.memref_slice %arg6[%dma_wait3A_487] : memref<512xi32, #tpu.memory_space<vmem>> -> memref<128xi32, #tpu.memory_space<vmem>>
    %dma_wait3A_489 = arith.constant 0 : i32
    %dma_wait3A_490 = arith.constant 0 : i32
    %dma_wait3A_491 = tpu.memref_slice %arg3[%dma_wait3A_489, %dma_wait3A_490] : memref<253952x128xf32, #tpu.memory_space<hbm>> -> memref<253952x128xf32, #tpu.memory_space<hbm>>
    tpu.wait_indirect_dma semaphore(%arg9 : memref<!tpu.dma_semaphore, #tpu.memory_space<semaphore_mem>>) src(%dma_wait3A_491 : memref<253952x128xf32, #tpu.memory_space<hbm>>) dst(%dma_wait3A_486 : memref<128x128xf32, #tpu.memory_space<vmem>>)
    %dma_wait3A_492 = arith.constant 256 : i32
    %dma_wait3A_493 = arith.constant 0 : i32
    %dma_wait3A_494 = tpu.memref_slice %arg7[%dma_wait3A_492, %dma_wait3A_493] : memref<512x128xf32, #tpu.memory_space<vmem>> -> memref<128x128xf32, #tpu.memory_space<vmem>>
    %dma_wait3A_495 = arith.constant 256 : i32
    %dma_wait3A_496 = tpu.memref_slice %arg6[%dma_wait3A_495] : memref<512xi32, #tpu.memory_space<vmem>> -> memref<128xi32, #tpu.memory_space<vmem>>
    %dma_wait3A_497 = arith.constant 0 : i32
    %dma_wait3A_498 = arith.constant 0 : i32
    %dma_wait3A_499 = tpu.memref_slice %arg3[%dma_wait3A_497, %dma_wait3A_498] : memref<253952x128xf32, #tpu.memory_space<hbm>> -> memref<253952x128xf32, #tpu.memory_space<hbm>>
    tpu.wait_indirect_dma semaphore(%arg9 : memref<!tpu.dma_semaphore, #tpu.memory_space<semaphore_mem>>) src(%dma_wait3A_499 : memref<253952x128xf32, #tpu.memory_space<hbm>>) dst(%dma_wait3A_494 : memref<128x128xf32, #tpu.memory_space<vmem>>)
    %dma_wait3A_500 = arith.constant 384 : i32
    %dma_wait3A_501 = arith.constant 0 : i32
    %dma_wait3A_502 = tpu.memref_slice %arg7[%dma_wait3A_500, %dma_wait3A_501] : memref<512x128xf32, #tpu.memory_space<vmem>> -> memref<128x128xf32, #tpu.memory_space<vmem>>
    %dma_wait3A_503 = arith.constant 384 : i32
    %dma_wait3A_504 = tpu.memref_slice %arg6[%dma_wait3A_503] : memref<512xi32, #tpu.memory_space<vmem>> -> memref<128xi32, #tpu.memory_space<vmem>>
    %dma_wait3A_505 = arith.constant 0 : i32
    %dma_wait3A_506 = arith.constant 0 : i32
    %dma_wait3A_507 = tpu.memref_slice %arg3[%dma_wait3A_505, %dma_wait3A_506] : memref<253952x128xf32, #tpu.memory_space<hbm>> -> memref<253952x128xf32, #tpu.memory_space<hbm>>
    tpu.wait_indirect_dma semaphore(%arg9 : memref<!tpu.dma_semaphore, #tpu.memory_space<semaphore_mem>>) src(%dma_wait3A_507 : memref<253952x128xf32, #tpu.memory_space<hbm>>) dst(%dma_wait3A_502 : memref<128x128xf32, #tpu.memory_space<vmem>>)
    %scan3A = arith.constant 0 : i32
    %scan3A_508 = arith.constant 0 : i32
    %scan3A_509 = arith.constant 32 : i32
    %scan3A_510 = arith.addi %scan3A_508, %scan3A_509 : i32
    %scan3A_511 = arith.constant 1 : i32
    %scan3A_512 = scf.for %scan3A_514 = %scan3A_508 to %scan3A_510 step %scan3A_511 iter_args(%scan3A_515 = %scan3A) -> (i32)  : i32 {
      %mul3A_516 = arith.constant 16 : i32
      %mul3A_517 = arith.muli %scan3A_514, %mul3A_516 : i32
      %add3A_518 = vector.broadcast %mul3A_517 : i32 to vector<16xi32>
      %add3A_519 = arith.addi %add3A_518, %iota3A : vector<16xi32>
      %mul3A_520 = arith.constant 16 : i32
      %mul3A_521 = arith.muli %scan3A_514, %mul3A_520 : i32
      %get3A_522 = arith.index_cast %mul3A_521 : i32 to index
      %get3A_523 = tpu.vector_load %arg5[%get3A_522] {strides = array<i32>} : memref<512xi32, #tpu.memory_space<vmem>>, vector<16xi32>,
      %shift_right_arithmetic3A_524 = arith.constant 13 : i32
      %shift_right_arithmetic3A_525 = vector.broadcast %shift_right_arithmetic3A_524 : i32 to vector<16xi32>
      %shift_right_arithmetic3A_526 = arith.shrsi %get3A_523, %shift_right_arithmetic3A_525 : vector<16xi32>
      %and3A_527 = arith.constant 3 : i32
      %and3A_528 = vector.broadcast %and3A_527 : i32 to vector<16xi32>
      %and3A_529 = arith.andi %shift_right_arithmetic3A_526, %and3A_528 : vector<16xi32>
      %mul3A_530 = arith.constant 32 : i32
      %mul3A_531 = vector.broadcast %mul3A_530 : i32 to vector<16xi32>
      %mul3A_532 = arith.muli %and3A_529, %mul3A_531 : vector<16xi32>
      %add3A_533 = arith.constant 0 : i32
      %add3A_534 = vector.broadcast %add3A_533 : i32 to vector<16xi32>
      %add3A_535 = arith.addi %mul3A_532, %add3A_534 : vector<16xi32>
      %gather3A = tpu.vector_load_idx %arg7[%add3A_519, %add3A_535] : memref<512x128xf32, #tpu.memory_space<vmem>>[vector<16xi32>, vector<16xi32>], vector<16xf32>,
      %mul3A_536 = arith.constant 16 : i32
      %mul3A_537 = arith.muli %scan3A_514, %mul3A_536 : i32
      %swap3A_538 = arith.constant 0 : i32
      %swap3A_539 = arith.index_cast %swap3A_538 : i32 to index
      %swap3A_540 = arith.index_cast %mul3A_537 : i32 to index
      %swap3A_541 = tpu.vector_load %arg8[%swap3A_539, %swap3A_540] {strides = array<i32>} : memref<32x512xf32, #tpu.memory_space<vmem>>, vector<16xf32>,
      tpu.vector_store %arg8[%swap3A_539, %swap3A_540], %gather3A {strides = array<i32>} : memref<32x512xf32, #tpu.memory_space<vmem>>, vector<16xf32>,
      %add3A_542 = arith.constant 1 : i32
      %add3A_543 = vector.broadcast %add3A_542 : i32 to vector<16xi32>
      %add3A_544 = arith.addi %mul3A_532, %add3A_543 : vector<16xi32>
      %gather3A_545 = tpu.vector_load_idx %arg7[%add3A_519, %add3A_544] : memref<512x128xf32, #tpu.memory_space<vmem>>[vector<16xi32>, vector<16xi32>], vector<16xf32>,
      %mul3A_546 = arith.constant 16 : i32
      %mul3A_547 = arith.muli %scan3A_514, %mul3A_546 : i32
      %swap3A_548 = arith.constant 1 : i32
      %swap3A_549 = arith.index_cast %swap3A_548 : i32 to index
      %swap3A_550 = arith.index_cast %mul3A_547 : i32 to index
      %swap3A_551 = tpu.vector_load %arg8[%swap3A_549, %swap3A_550] {strides = array<i32>} : memref<32x512xf32, #tpu.memory_space<vmem>>, vector<16xf32>,
      tpu.vector_store %arg8[%swap3A_549, %swap3A_550], %gather3A_545 {strides = array<i32>} : memref<32x512xf32, #tpu.memory_space<vmem>>, vector<16xf32>,
      %add3A_552 = arith.constant 2 : i32
      %add3A_553 = vector.broadcast %add3A_552 : i32 to vector<16xi32>
      %add3A_554 = arith.addi %mul3A_532, %add3A_553 : vector<16xi32>
      %gather3A_555 = tpu.vector_load_idx %arg7[%add3A_519, %add3A_554] : memref<512x128xf32, #tpu.memory_space<vmem>>[vector<16xi32>, vector<16xi32>], vector<16xf32>,
      %mul3A_556 = arith.constant 16 : i32
      %mul3A_557 = arith.muli %scan3A_514, %mul3A_556 : i32
      %swap3A_558 = arith.constant 2 : i32
      %swap3A_559 = arith.index_cast %swap3A_558 : i32 to index
      %swap3A_560 = arith.index_cast %mul3A_557 : i32 to index
      %swap3A_561 = tpu.vector_load %arg8[%swap3A_559, %swap3A_560] {strides = array<i32>} : memref<32x512xf32, #tpu.memory_space<vmem>>, vector<16xf32>,
      tpu.vector_store %arg8[%swap3A_559, %swap3A_560], %gather3A_555 {strides = array<i32>} : memref<32x512xf32, #tpu.memory_space<vmem>>, vector<16xf32>,
      %add3A_562 = arith.constant 3 : i32
      %add3A_563 = vector.broadcast %add3A_562 : i32 to vector<16xi32>
      %add3A_564 = arith.addi %mul3A_532, %add3A_563 : vector<16xi32>
      %gather3A_565 = tpu.vector_load_idx %arg7[%add3A_519, %add3A_564] : memref<512x128xf32, #tpu.memory_space<vmem>>[vector<16xi32>, vector<16xi32>], vector<16xf32>,
      %mul3A_566 = arith.constant 16 : i32
      %mul3A_567 = arith.muli %scan3A_514, %mul3A_566 : i32
      %swap3A_568 = arith.constant 3 : i32
      %swap3A_569 = arith.index_cast %swap3A_568 : i32 to index
      %swap3A_570 = arith.index_cast %mul3A_567 : i32 to index
      %swap3A_571 = tpu.vector_load %arg8[%swap3A_569, %swap3A_570] {strides = array<i32>} : memref<32x512xf32, #tpu.memory_space<vmem>>, vector<16xf32>,
      tpu.vector_store %arg8[%swap3A_569, %swap3A_570], %gather3A_565 {strides = array<i32>} : memref<32x512xf32, #tpu.memory_space<vmem>>, vector<16xf32>,
      %add3A_572 = arith.constant 4 : i32
      %add3A_573 = vector.broadcast %add3A_572 : i32 to vector<16xi32>
      %add3A_574 = arith.addi %mul3A_532, %add3A_573 : vector<16xi32>
      %gather3A_575 = tpu.vector_load_idx %arg7[%add3A_519, %add3A_574] : memref<512x128xf32, #tpu.memory_space<vmem>>[vector<16xi32>, vector<16xi32>], vector<16xf32>,
      %mul3A_576 = arith.constant 16 : i32
      %mul3A_577 = arith.muli %scan3A_514, %mul3A_576 : i32
      %swap3A_578 = arith.constant 4 : i32
      %swap3A_579 = arith.index_cast %swap3A_578 : i32 to index
      %swap3A_580 = arith.index_cast %mul3A_577 : i32 to index
      %swap3A_581 = tpu.vector_load %arg8[%swap3A_579, %swap3A_580] {strides = array<i32>} : memref<32x512xf32, #tpu.memory_space<vmem>>, vector<16xf32>,
      tpu.vector_store %arg8[%swap3A_579, %swap3A_580], %gather3A_575 {strides = array<i32>} : memref<32x512xf32, #tpu.memory_space<vmem>>, vector<16xf32>,
      %add3A_582 = arith.constant 5 : i32
      %add3A_583 = vector.broadcast %add3A_582 : i32 to vector<16xi32>
      %add3A_584 = arith.addi %mul3A_532, %add3A_583 : vector<16xi32>
      %gather3A_585 = tpu.vector_load_idx %arg7[%add3A_519, %add3A_584] : memref<512x128xf32, #tpu.memory_space<vmem>>[vector<16xi32>, vector<16xi32>], vector<16xf32>,
      %mul3A_586 = arith.constant 16 : i32
      %mul3A_587 = arith.muli %scan3A_514, %mul3A_586 : i32
      %swap3A_588 = arith.constant 5 : i32
      %swap3A_589 = arith.index_cast %swap3A_588 : i32 to index
      %swap3A_590 = arith.index_cast %mul3A_587 : i32 to index
      %swap3A_591 = tpu.vector_load %arg8[%swap3A_589, %swap3A_590] {strides = array<i32>} : memref<32x512xf32, #tpu.memory_space<vmem>>, vector<16xf32>,
      tpu.vector_store %arg8[%swap3A_589, %swap3A_590], %gather3A_585 {strides = array<i32>} : memref<32x512xf32, #tpu.memory_space<vmem>>, vector<16xf32>,
      %add3A_592 = arith.constant 6 : i32
      %add3A_593 = vector.broadcast %add3A_592 : i32 to vector<16xi32>
      %add3A_594 = arith.addi %mul3A_532, %add3A_593 : vector<16xi32>
      %gather3A_595 = tpu.vector_load_idx %arg7[%add3A_519, %add3A_594] : memref<512x128xf32, #tpu.memory_space<vmem>>[vector<16xi32>, vector<16xi32>], vector<16xf32>,
      %mul3A_596 = arith.constant 16 : i32
      %mul3A_597 = arith.muli %scan3A_514, %mul3A_596 : i32
      %swap3A_598 = arith.constant 6 : i32
      %swap3A_599 = arith.index_cast %swap3A_598 : i32 to index
      %swap3A_600 = arith.index_cast %mul3A_597 : i32 to index
      %swap3A_601 = tpu.vector_load %arg8[%swap3A_599, %swap3A_600] {strides = array<i32>} : memref<32x512xf32, #tpu.memory_space<vmem>>, vector<16xf32>,
      tpu.vector_store %arg8[%swap3A_599, %swap3A_600], %gather3A_595 {strides = array<i32>} : memref<32x512xf32, #tpu.memory_space<vmem>>, vector<16xf32>,
      %add3A_602 = arith.constant 7 : i32
      %add3A_603 = vector.broadcast %add3A_602 : i32 to vector<16xi32>
      %add3A_604 = arith.addi %mul3A_532, %add3A_603 : vector<16xi32>
      %gather3A_605 = tpu.vector_load_idx %arg7[%add3A_519, %add3A_604] : memref<512x128xf32, #tpu.memory_space<vmem>>[vector<16xi32>, vector<16xi32>], vector<16xf32>,
      %mul3A_606 = arith.constant 16 : i32
      %mul3A_607 = arith.muli %scan3A_514, %mul3A_606 : i32
      %swap3A_608 = arith.constant 7 : i32
      %swap3A_609 = arith.index_cast %swap3A_608 : i32 to index
      %swap3A_610 = arith.index_cast %mul3A_607 : i32 to index
      %swap3A_611 = tpu.vector_load %arg8[%swap3A_609, %swap3A_610] {strides = array<i32>} : memref<32x512xf32, #tpu.memory_space<vmem>>, vector<16xf32>,
      tpu.vector_store %arg8[%swap3A_609, %swap3A_610], %gather3A_605 {strides = array<i32>} : memref<32x512xf32, #tpu.memory_space<vmem>>, vector<16xf32>,
      %add3A_612 = arith.constant 8 : i32
      %add3A_613 = vector.broadcast %add3A_612 : i32 to vector<16xi32>
      %add3A_614 = arith.addi %mul3A_532, %add3A_613 : vector<16xi32>
      %gather3A_615 = tpu.vector_load_idx %arg7[%add3A_519, %add3A_614] : memref<512x128xf32, #tpu.memory_space<vmem>>[vector<16xi32>, vector<16xi32>], vector<16xf32>,
      %mul3A_616 = arith.constant 16 : i32
      %mul3A_617 = arith.muli %scan3A_514, %mul3A_616 : i32
      %swap3A_618 = arith.constant 8 : i32
      %swap3A_619 = arith.index_cast %swap3A_618 : i32 to index
      %swap3A_620 = arith.index_cast %mul3A_617 : i32 to index
      %swap3A_621 = tpu.vector_load %arg8[%swap3A_619, %swap3A_620] {strides = array<i32>} : memref<32x512xf32, #tpu.memory_space<vmem>>, vector<16xf32>,
      tpu.vector_store %arg8[%swap3A_619, %swap3A_620], %gather3A_615 {strides = array<i32>} : memref<32x512xf32, #tpu.memory_space<vmem>>, vector<16xf32>,
      %add3A_622 = arith.constant 9 : i32
      %add3A_623 = vector.broadcast %add3A_622 : i32 to vector<16xi32>
      %add3A_624 = arith.addi %mul3A_532, %add3A_623 : vector<16xi32>
      %gather3A_625 = tpu.vector_load_idx %arg7[%add3A_519, %add3A_624] : memref<512x128xf32, #tpu.memory_space<vmem>>[vector<16xi32>, vector<16xi32>], vector<16xf32>,
      %mul3A_626 = arith.constant 16 : i32
      %mul3A_627 = arith.muli %scan3A_514, %mul3A_626 : i32
      %swap3A_628 = arith.constant 9 : i32
      %swap3A_629 = arith.index_cast %swap3A_628 : i32 to index
      %swap3A_630 = arith.index_cast %mul3A_627 : i32 to index
      %swap3A_631 = tpu.vector_load %arg8[%swap3A_629, %swap3A_630] {strides = array<i32>} : memref<32x512xf32, #tpu.memory_space<vmem>>, vector<16xf32>,
      tpu.vector_store %arg8[%swap3A_629, %swap3A_630], %gather3A_625 {strides = array<i32>} : memref<32x512xf32, #tpu.memory_space<vmem>>, vector<16xf32>,
      %add3A_632 = arith.constant 10 : i32
      %add3A_633 = vector.broadcast %add3A_632 : i32 to vector<16xi32>
      %add3A_634 = arith.addi %mul3A_532, %add3A_633 : vector<16xi32>
      %gather3A_635 = tpu.vector_load_idx %arg7[%add3A_519, %add3A_634] : memref<512x128xf32, #tpu.memory_space<vmem>>[vector<16xi32>, vector<16xi32>], vector<16xf32>,
      %mul3A_636 = arith.constant 16 : i32
      %mul3A_637 = arith.muli %scan3A_514, %mul3A_636 : i32
      %swap3A_638 = arith.constant 10 : i32
      %swap3A_639 = arith.index_cast %swap3A_638 : i32 to index
      %swap3A_640 = arith.index_cast %mul3A_637 : i32 to index
      %swap3A_641 = tpu.vector_load %arg8[%swap3A_639, %swap3A_640] {strides = array<i32>} : memref<32x512xf32, #tpu.memory_space<vmem>>, vector<16xf32>,
      tpu.vector_store %arg8[%swap3A_639, %swap3A_640], %gather3A_635 {strides = array<i32>} : memref<32x512xf32, #tpu.memory_space<vmem>>, vector<16xf32>,
      %add3A_642 = arith.constant 11 : i32
      %add3A_643 = vector.broadcast %add3A_642 : i32 to vector<16xi32>
      %add3A_644 = arith.addi %mul3A_532, %add3A_643 : vector<16xi32>
      %gather3A_645 = tpu.vector_load_idx %arg7[%add3A_519, %add3A_644] : memref<512x128xf32, #tpu.memory_space<vmem>>[vector<16xi32>, vector<16xi32>], vector<16xf32>,
      %mul3A_646 = arith.constant 16 : i32
      %mul3A_647 = arith.muli %scan3A_514, %mul3A_646 : i32
      %swap3A_648 = arith.constant 11 : i32
      %swap3A_649 = arith.index_cast %swap3A_648 : i32 to index
      %swap3A_650 = arith.index_cast %mul3A_647 : i32 to index
      %swap3A_651 = tpu.vector_load %arg8[%swap3A_649, %swap3A_650] {strides = array<i32>} : memref<32x512xf32, #tpu.memory_space<vmem>>, vector<16xf32>,
      tpu.vector_store %arg8[%swap3A_649, %swap3A_650], %gather3A_645 {strides = array<i32>} : memref<32x512xf32, #tpu.memory_space<vmem>>, vector<16xf32>,
      %add3A_652 = arith.constant 12 : i32
      %add3A_653 = vector.broadcast %add3A_652 : i32 to vector<16xi32>
      %add3A_654 = arith.addi %mul3A_532, %add3A_653 : vector<16xi32>
      %gather3A_655 = tpu.vector_load_idx %arg7[%add3A_519, %add3A_654] : memref<512x128xf32, #tpu.memory_space<vmem>>[vector<16xi32>, vector<16xi32>], vector<16xf32>,
      %mul3A_656 = arith.constant 16 : i32
      %mul3A_657 = arith.muli %scan3A_514, %mul3A_656 : i32
      %swap3A_658 = arith.constant 12 : i32
      %swap3A_659 = arith.index_cast %swap3A_658 : i32 to index
      %swap3A_660 = arith.index_cast %mul3A_657 : i32 to index
      %swap3A_661 = tpu.vector_load %arg8[%swap3A_659, %swap3A_660] {strides = array<i32>} : memref<32x512xf32, #tpu.memory_space<vmem>>, vector<16xf32>,
      tpu.vector_store %arg8[%swap3A_659, %swap3A_660], %gather3A_655 {strides = array<i32>} : memref<32x512xf32, #tpu.memory_space<vmem>>, vector<16xf32>,
      %add3A_662 = arith.constant 13 : i32
      %add3A_663 = vector.broadcast %add3A_662 : i32 to vector<16xi32>
      %add3A_664 = arith.addi %mul3A_532, %add3A_663 : vector<16xi32>
      %gather3A_665 = tpu.vector_load_idx %arg7[%add3A_519, %add3A_664] : memref<512x128xf32, #tpu.memory_space<vmem>>[vector<16xi32>, vector<16xi32>], vector<16xf32>,
      %mul3A_666 = arith.constant 16 : i32
      %mul3A_667 = arith.muli %scan3A_514, %mul3A_666 : i32
      %swap3A_668 = arith.constant 13 : i32
      %swap3A_669 = arith.index_cast %swap3A_668 : i32 to index
      %swap3A_670 = arith.index_cast %mul3A_667 : i32 to index
      %swap3A_671 = tpu.vector_load %arg8[%swap3A_669, %swap3A_670] {strides = array<i32>} : memref<32x512xf32, #tpu.memory_space<vmem>>, vector<16xf32>,
      tpu.vector_store %arg8[%swap3A_669, %swap3A_670], %gather3A_665 {strides = array<i32>} : memref<32x512xf32, #tpu.memory_space<vmem>>, vector<16xf32>,
      %add3A_672 = arith.constant 14 : i32
      %add3A_673 = vector.broadcast %add3A_672 : i32 to vector<16xi32>
      %add3A_674 = arith.addi %mul3A_532, %add3A_673 : vector<16xi32>
      %gather3A_675 = tpu.vector_load_idx %arg7[%add3A_519, %add3A_674] : memref<512x128xf32, #tpu.memory_space<vmem>>[vector<16xi32>, vector<16xi32>], vector<16xf32>,
      %mul3A_676 = arith.constant 16 : i32
      %mul3A_677 = arith.muli %scan3A_514, %mul3A_676 : i32
      %swap3A_678 = arith.constant 14 : i32
      %swap3A_679 = arith.index_cast %swap3A_678 : i32 to index
      %swap3A_680 = arith.index_cast %mul3A_677 : i32 to index
      %swap3A_681 = tpu.vector_load %arg8[%swap3A_679, %swap3A_680] {strides = array<i32>} : memref<32x512xf32, #tpu.memory_space<vmem>>, vector<16xf32>,
      tpu.vector_store %arg8[%swap3A_679, %swap3A_680], %gather3A_675 {strides = array<i32>} : memref<32x512xf32, #tpu.memory_space<vmem>>, vector<16xf32>,
      %add3A_682 = arith.constant 15 : i32
      %add3A_683 = vector.broadcast %add3A_682 : i32 to vector<16xi32>
      %add3A_684 = arith.addi %mul3A_532, %add3A_683 : vector<16xi32>
      %gather3A_685 = tpu.vector_load_idx %arg7[%add3A_519, %add3A_684] : memref<512x128xf32, #tpu.memory_space<vmem>>[vector<16xi32>, vector<16xi32>], vector<16xf32>,
      %mul3A_686 = arith.constant 16 : i32
      %mul3A_687 = arith.muli %scan3A_514, %mul3A_686 : i32
      %swap3A_688 = arith.constant 15 : i32
      %swap3A_689 = arith.index_cast %swap3A_688 : i32 to index
      %swap3A_690 = arith.index_cast %mul3A_687 : i32 to index
      %swap3A_691 = tpu.vector_load %arg8[%swap3A_689, %swap3A_690] {strides = array<i32>} : memref<32x512xf32, #tpu.memory_space<vmem>>, vector<16xf32>,
      tpu.vector_store %arg8[%swap3A_689, %swap3A_690], %gather3A_685 {strides = array<i32>} : memref<32x512xf32, #tpu.memory_space<vmem>>, vector<16xf32>,
      %add3A_692 = arith.constant 16 : i32
      %add3A_693 = vector.broadcast %add3A_692 : i32 to vector<16xi32>
      %add3A_694 = arith.addi %mul3A_532, %add3A_693 : vector<16xi32>
      %gather3A_695 = tpu.vector_load_idx %arg7[%add3A_519, %add3A_694] : memref<512x128xf32, #tpu.memory_space<vmem>>[vector<16xi32>, vector<16xi32>], vector<16xf32>,
      %mul3A_696 = arith.constant 16 : i32
      %mul3A_697 = arith.muli %scan3A_514, %mul3A_696 : i32
      %swap3A_698 = arith.constant 16 : i32
      %swap3A_699 = arith.index_cast %swap3A_698 : i32 to index
      %swap3A_700 = arith.index_cast %mul3A_697 : i32 to index
      %swap3A_701 = tpu.vector_load %arg8[%swap3A_699, %swap3A_700] {strides = array<i32>} : memref<32x512xf32, #tpu.memory_space<vmem>>, vector<16xf32>,
      tpu.vector_store %arg8[%swap3A_699, %swap3A_700], %gather3A_695 {strides = array<i32>} : memref<32x512xf32, #tpu.memory_space<vmem>>, vector<16xf32>,
      %add3A_702 = arith.constant 17 : i32
      %add3A_703 = vector.broadcast %add3A_702 : i32 to vector<16xi32>
      %add3A_704 = arith.addi %mul3A_532, %add3A_703 : vector<16xi32>
      %gather3A_705 = tpu.vector_load_idx %arg7[%add3A_519, %add3A_704] : memref<512x128xf32, #tpu.memory_space<vmem>>[vector<16xi32>, vector<16xi32>], vector<16xf32>,
      %mul3A_706 = arith.constant 16 : i32
      %mul3A_707 = arith.muli %scan3A_514, %mul3A_706 : i32
      %swap3A_708 = arith.constant 17 : i32
      %swap3A_709 = arith.index_cast %swap3A_708 : i32 to index
      %swap3A_710 = arith.index_cast %mul3A_707 : i32 to index
      %swap3A_711 = tpu.vector_load %arg8[%swap3A_709, %swap3A_710] {strides = array<i32>} : memref<32x512xf32, #tpu.memory_space<vmem>>, vector<16xf32>,
      tpu.vector_store %arg8[%swap3A_709, %swap3A_710], %gather3A_705 {strides = array<i32>} : memref<32x512xf32, #tpu.memory_space<vmem>>, vector<16xf32>,
      %add3A_712 = arith.constant 18 : i32
      %add3A_713 = vector.broadcast %add3A_712 : i32 to vector<16xi32>
      %add3A_714 = arith.addi %mul3A_532, %add3A_713 : vector<16xi32>
      %gather3A_715 = tpu.vector_load_idx %arg7[%add3A_519, %add3A_714] : memref<512x128xf32, #tpu.memory_space<vmem>>[vector<16xi32>, vector<16xi32>], vector<16xf32>,
      %mul3A_716 = arith.constant 16 : i32
      %mul3A_717 = arith.muli %scan3A_514, %mul3A_716 : i32
      %swap3A_718 = arith.constant 18 : i32
      %swap3A_719 = arith.index_cast %swap3A_718 : i32 to index
      %swap3A_720 = arith.index_cast %mul3A_717 : i32 to index
      %swap3A_721 = tpu.vector_load %arg8[%swap3A_719, %swap3A_720] {strides = array<i32>} : memref<32x512xf32, #tpu.memory_space<vmem>>, vector<16xf32>,
      tpu.vector_store %arg8[%swap3A_719, %swap3A_720], %gather3A_715 {strides = array<i32>} : memref<32x512xf32, #tpu.memory_space<vmem>>, vector<16xf32>,
      %add3A_722 = arith.constant 19 : i32
      %add3A_723 = vector.broadcast %add3A_722 : i32 to vector<16xi32>
      %add3A_724 = arith.addi %mul3A_532, %add3A_723 : vector<16xi32>
      %gather3A_725 = tpu.vector_load_idx %arg7[%add3A_519, %add3A_724] : memref<512x128xf32, #tpu.memory_space<vmem>>[vector<16xi32>, vector<16xi32>], vector<16xf32>,
      %mul3A_726 = arith.constant 16 : i32
      %mul3A_727 = arith.muli %scan3A_514, %mul3A_726 : i32
      %swap3A_728 = arith.constant 19 : i32
      %swap3A_729 = arith.index_cast %swap3A_728 : i32 to index
      %swap3A_730 = arith.index_cast %mul3A_727 : i32 to index
      %swap3A_731 = tpu.vector_load %arg8[%swap3A_729, %swap3A_730] {strides = array<i32>} : memref<32x512xf32, #tpu.memory_space<vmem>>, vector<16xf32>,
      tpu.vector_store %arg8[%swap3A_729, %swap3A_730], %gather3A_725 {strides = array<i32>} : memref<32x512xf32, #tpu.memory_space<vmem>>, vector<16xf32>,
      %add3A_732 = arith.constant 20 : i32
      %add3A_733 = vector.broadcast %add3A_732 : i32 to vector<16xi32>
      %add3A_734 = arith.addi %mul3A_532, %add3A_733 : vector<16xi32>
      %gather3A_735 = tpu.vector_load_idx %arg7[%add3A_519, %add3A_734] : memref<512x128xf32, #tpu.memory_space<vmem>>[vector<16xi32>, vector<16xi32>], vector<16xf32>,
      %mul3A_736 = arith.constant 16 : i32
      %mul3A_737 = arith.muli %scan3A_514, %mul3A_736 : i32
      %swap3A_738 = arith.constant 20 : i32
      %swap3A_739 = arith.index_cast %swap3A_738 : i32 to index
      %swap3A_740 = arith.index_cast %mul3A_737 : i32 to index
      %swap3A_741 = tpu.vector_load %arg8[%swap3A_739, %swap3A_740] {strides = array<i32>} : memref<32x512xf32, #tpu.memory_space<vmem>>, vector<16xf32>,
      tpu.vector_store %arg8[%swap3A_739, %swap3A_740], %gather3A_735 {strides = array<i32>} : memref<32x512xf32, #tpu.memory_space<vmem>>, vector<16xf32>,
      %add3A_742 = arith.constant 21 : i32
      %add3A_743 = vector.broadcast %add3A_742 : i32 to vector<16xi32>
      %add3A_744 = arith.addi %mul3A_532, %add3A_743 : vector<16xi32>
      %gather3A_745 = tpu.vector_load_idx %arg7[%add3A_519, %add3A_744] : memref<512x128xf32, #tpu.memory_space<vmem>>[vector<16xi32>, vector<16xi32>], vector<16xf32>,
      %mul3A_746 = arith.constant 16 : i32
      %mul3A_747 = arith.muli %scan3A_514, %mul3A_746 : i32
      %swap3A_748 = arith.constant 21 : i32
      %swap3A_749 = arith.index_cast %swap3A_748 : i32 to index
      %swap3A_750 = arith.index_cast %mul3A_747 : i32 to index
      %swap3A_751 = tpu.vector_load %arg8[%swap3A_749, %swap3A_750] {strides = array<i32>} : memref<32x512xf32, #tpu.memory_space<vmem>>, vector<16xf32>,
      tpu.vector_store %arg8[%swap3A_749, %swap3A_750], %gather3A_745 {strides = array<i32>} : memref<32x512xf32, #tpu.memory_space<vmem>>, vector<16xf32>,
      %add3A_752 = arith.constant 22 : i32
      %add3A_753 = vector.broadcast %add3A_752 : i32 to vector<16xi32>
      %add3A_754 = arith.addi %mul3A_532, %add3A_753 : vector<16xi32>
      %gather3A_755 = tpu.vector_load_idx %arg7[%add3A_519, %add3A_754] : memref<512x128xf32, #tpu.memory_space<vmem>>[vector<16xi32>, vector<16xi32>], vector<16xf32>,
      %mul3A_756 = arith.constant 16 : i32
      %mul3A_757 = arith.muli %scan3A_514, %mul3A_756 : i32
      %swap3A_758 = arith.constant 22 : i32
      %swap3A_759 = arith.index_cast %swap3A_758 : i32 to index
      %swap3A_760 = arith.index_cast %mul3A_757 : i32 to index
      %swap3A_761 = tpu.vector_load %arg8[%swap3A_759, %swap3A_760] {strides = array<i32>} : memref<32x512xf32, #tpu.memory_space<vmem>>, vector<16xf32>,
      tpu.vector_store %arg8[%swap3A_759, %swap3A_760], %gather3A_755 {strides = array<i32>} : memref<32x512xf32, #tpu.memory_space<vmem>>, vector<16xf32>,
      %add3A_762 = arith.constant 23 : i32
      %add3A_763 = vector.broadcast %add3A_762 : i32 to vector<16xi32>
      %add3A_764 = arith.addi %mul3A_532, %add3A_763 : vector<16xi32>
      %gather3A_765 = tpu.vector_load_idx %arg7[%add3A_519, %add3A_764] : memref<512x128xf32, #tpu.memory_space<vmem>>[vector<16xi32>, vector<16xi32>], vector<16xf32>,
      %mul3A_766 = arith.constant 16 : i32
      %mul3A_767 = arith.muli %scan3A_514, %mul3A_766 : i32
      %swap3A_768 = arith.constant 23 : i32
      %swap3A_769 = arith.index_cast %swap3A_768 : i32 to index
      %swap3A_770 = arith.index_cast %mul3A_767 : i32 to index
      %swap3A_771 = tpu.vector_load %arg8[%swap3A_769, %swap3A_770] {strides = array<i32>} : memref<32x512xf32, #tpu.memory_space<vmem>>, vector<16xf32>,
      tpu.vector_store %arg8[%swap3A_769, %swap3A_770], %gather3A_765 {strides = array<i32>} : memref<32x512xf32, #tpu.memory_space<vmem>>, vector<16xf32>,
      %add3A_772 = arith.constant 24 : i32
      %add3A_773 = vector.broadcast %add3A_772 : i32 to vector<16xi32>
      %add3A_774 = arith.addi %mul3A_532, %add3A_773 : vector<16xi32>
      %gather3A_775 = tpu.vector_load_idx %arg7[%add3A_519, %add3A_774] : memref<512x128xf32, #tpu.memory_space<vmem>>[vector<16xi32>, vector<16xi32>], vector<16xf32>,
      %mul3A_776 = arith.constant 16 : i32
      %mul3A_777 = arith.muli %scan3A_514, %mul3A_776 : i32
      %swap3A_778 = arith.constant 24 : i32
      %swap3A_779 = arith.index_cast %swap3A_778 : i32 to index
      %swap3A_780 = arith.index_cast %mul3A_777 : i32 to index
      %swap3A_781 = tpu.vector_load %arg8[%swap3A_779, %swap3A_780] {strides = array<i32>} : memref<32x512xf32, #tpu.memory_space<vmem>>, vector<16xf32>,
      tpu.vector_store %arg8[%swap3A_779, %swap3A_780], %gather3A_775 {strides = array<i32>} : memref<32x512xf32, #tpu.memory_space<vmem>>, vector<16xf32>,
      %add3A_782 = arith.constant 25 : i32
      %add3A_783 = vector.broadcast %add3A_782 : i32 to vector<16xi32>
      %add3A_784 = arith.addi %mul3A_532, %add3A_783 : vector<16xi32>
      %gather3A_785 = tpu.vector_load_idx %arg7[%add3A_519, %add3A_784] : memref<512x128xf32, #tpu.memory_space<vmem>>[vector<16xi32>, vector<16xi32>], vector<16xf32>,
      %mul3A_786 = arith.constant 16 : i32
      %mul3A_787 = arith.muli %scan3A_514, %mul3A_786 : i32
      %swap3A_788 = arith.constant 25 : i32
      %swap3A_789 = arith.index_cast %swap3A_788 : i32 to index
      %swap3A_790 = arith.index_cast %mul3A_787 : i32 to index
      %swap3A_791 = tpu.vector_load %arg8[%swap3A_789, %swap3A_790] {strides = array<i32>} : memref<32x512xf32, #tpu.memory_space<vmem>>, vector<16xf32>,
      tpu.vector_store %arg8[%swap3A_789, %swap3A_790], %gather3A_785 {strides = array<i32>} : memref<32x512xf32, #tpu.memory_space<vmem>>, vector<16xf32>,
      %add3A_792 = arith.constant 26 : i32
      %add3A_793 = vector.broadcast %add3A_792 : i32 to vector<16xi32>
      %add3A_794 = arith.addi %mul3A_532, %add3A_793 : vector<16xi32>
      %gather3A_795 = tpu.vector_load_idx %arg7[%add3A_519, %add3A_794] : memref<512x128xf32, #tpu.memory_space<vmem>>[vector<16xi32>, vector<16xi32>], vector<16xf32>,
      %mul3A_796 = arith.constant 16 : i32
      %mul3A_797 = arith.muli %scan3A_514, %mul3A_796 : i32
      %swap3A_798 = arith.constant 26 : i32
      %swap3A_799 = arith.index_cast %swap3A_798 : i32 to index
      %swap3A_800 = arith.index_cast %mul3A_797 : i32 to index
      %swap3A_801 = tpu.vector_load %arg8[%swap3A_799, %swap3A_800] {strides = array<i32>} : memref<32x512xf32, #tpu.memory_space<vmem>>, vector<16xf32>,
      tpu.vector_store %arg8[%swap3A_799, %swap3A_800], %gather3A_795 {strides = array<i32>} : memref<32x512xf32, #tpu.memory_space<vmem>>, vector<16xf32>,
      %add3A_802 = arith.constant 27 : i32
      %add3A_803 = vector.broadcast %add3A_802 : i32 to vector<16xi32>
      %add3A_804 = arith.addi %mul3A_532, %add3A_803 : vector<16xi32>
      %gather3A_805 = tpu.vector_load_idx %arg7[%add3A_519, %add3A_804] : memref<512x128xf32, #tpu.memory_space<vmem>>[vector<16xi32>, vector<16xi32>], vector<16xf32>,
      %mul3A_806 = arith.constant 16 : i32
      %mul3A_807 = arith.muli %scan3A_514, %mul3A_806 : i32
      %swap3A_808 = arith.constant 27 : i32
      %swap3A_809 = arith.index_cast %swap3A_808 : i32 to index
      %swap3A_810 = arith.index_cast %mul3A_807 : i32 to index
      %swap3A_811 = tpu.vector_load %arg8[%swap3A_809, %swap3A_810] {strides = array<i32>} : memref<32x512xf32, #tpu.memory_space<vmem>>, vector<16xf32>,
      tpu.vector_store %arg8[%swap3A_809, %swap3A_810], %gather3A_805 {strides = array<i32>} : memref<32x512xf32, #tpu.memory_space<vmem>>, vector<16xf32>,
      %add3A_812 = arith.constant 28 : i32
      %add3A_813 = vector.broadcast %add3A_812 : i32 to vector<16xi32>
      %add3A_814 = arith.addi %mul3A_532, %add3A_813 : vector<16xi32>
      %gather3A_815 = tpu.vector_load_idx %arg7[%add3A_519, %add3A_814] : memref<512x128xf32, #tpu.memory_space<vmem>>[vector<16xi32>, vector<16xi32>], vector<16xf32>,
      %mul3A_816 = arith.constant 16 : i32
      %mul3A_817 = arith.muli %scan3A_514, %mul3A_816 : i32
      %swap3A_818 = arith.constant 28 : i32
      %swap3A_819 = arith.index_cast %swap3A_818 : i32 to index
      %swap3A_820 = arith.index_cast %mul3A_817 : i32 to index
      %swap3A_821 = tpu.vector_load %arg8[%swap3A_819, %swap3A_820] {strides = array<i32>} : memref<32x512xf32, #tpu.memory_space<vmem>>, vector<16xf32>,
      tpu.vector_store %arg8[%swap3A_819, %swap3A_820], %gather3A_815 {strides = array<i32>} : memref<32x512xf32, #tpu.memory_space<vmem>>, vector<16xf32>,
      %add3A_822 = arith.constant 29 : i32
      %add3A_823 = vector.broadcast %add3A_822 : i32 to vector<16xi32>
      %add3A_824 = arith.addi %mul3A_532, %add3A_823 : vector<16xi32>
      %gather3A_825 = tpu.vector_load_idx %arg7[%add3A_519, %add3A_824] : memref<512x128xf32, #tpu.memory_space<vmem>>[vector<16xi32>, vector<16xi32>], vector<16xf32>,
      %mul3A_826 = arith.constant 16 : i32
      %mul3A_827 = arith.muli %scan3A_514, %mul3A_826 : i32
      %swap3A_828 = arith.constant 29 : i32
      %swap3A_829 = arith.index_cast %swap3A_828 : i32 to index
      %swap3A_830 = arith.index_cast %mul3A_827 : i32 to index
      %swap3A_831 = tpu.vector_load %arg8[%swap3A_829, %swap3A_830] {strides = array<i32>} : memref<32x512xf32, #tpu.memory_space<vmem>>, vector<16xf32>,
      tpu.vector_store %arg8[%swap3A_829, %swap3A_830], %gather3A_825 {strides = array<i32>} : memref<32x512xf32, #tpu.memory_space<vmem>>, vector<16xf32>,
      %add3A_832 = arith.constant 30 : i32
      %add3A_833 = vector.broadcast %add3A_832 : i32 to vector<16xi32>
      %add3A_834 = arith.addi %mul3A_532, %add3A_833 : vector<16xi32>
      %gather3A_835 = tpu.vector_load_idx %arg7[%add3A_519, %add3A_834] : memref<512x128xf32, #tpu.memory_space<vmem>>[vector<16xi32>, vector<16xi32>], vector<16xf32>,
      %mul3A_836 = arith.constant 16 : i32
      %mul3A_837 = arith.muli %scan3A_514, %mul3A_836 : i32
      %swap3A_838 = arith.constant 30 : i32
      %swap3A_839 = arith.index_cast %swap3A_838 : i32 to index
      %swap3A_840 = arith.index_cast %mul3A_837 : i32 to index
      %swap3A_841 = tpu.vector_load %arg8[%swap3A_839, %swap3A_840] {strides = array<i32>} : memref<32x512xf32, #tpu.memory_space<vmem>>, vector<16xf32>,
      tpu.vector_store %arg8[%swap3A_839, %swap3A_840], %gather3A_835 {strides = array<i32>} : memref<32x512xf32, #tpu.memory_space<vmem>>, vector<16xf32>,
      %add3A_842 = arith.constant 31 : i32
      %add3A_843 = vector.broadcast %add3A_842 : i32 to vector<16xi32>
      %add3A_844 = arith.addi %mul3A_532, %add3A_843 : vector<16xi32>
      %gather3A_845 = tpu.vector_load_idx %arg7[%add3A_519, %add3A_844] : memref<512x128xf32, #tpu.memory_space<vmem>>[vector<16xi32>, vector<16xi32>], vector<16xf32>,
      %mul3A_846 = arith.constant 16 : i32
      %mul3A_847 = arith.muli %scan3A_514, %mul3A_846 : i32
      %swap3A_848 = arith.constant 31 : i32
      %swap3A_849 = arith.index_cast %swap3A_848 : i32 to index
      %swap3A_850 = arith.index_cast %mul3A_847 : i32 to index
      %swap3A_851 = tpu.vector_load %arg8[%swap3A_849, %swap3A_850] {strides = array<i32>} : memref<32x512xf32, #tpu.memory_space<vmem>>, vector<16xf32>,
      tpu.vector_store %arg8[%swap3A_849, %swap3A_850], %gather3A_845 {strides = array<i32>} : memref<32x512xf32, #tpu.memory_space<vmem>>, vector<16xf32>,
      %scan3A_852 = arith.constant 0 : i32
      scf.yield %scan3A_852 : i32
    }
    %scan3A_513 = arith.constant 32 : i32
    "tpu.region"() ({
      %run_scoped3A = tpu.sem_alloc : memref<!tpu.dma_semaphore, #tpu.memory_space<semaphore_mem>>
      %dma_start3A_514 = arith.constant 0 : i32
      %dma_start3A_515 = tpu.memref_slice %arg4[%dma_start3A_514, %mul3A_2] : memref<32x16384xf32, #tpu.memory_space<hbm>> -> memref<32x512xf32, #tpu.memory_space<hbm>>
      %dma_start3A_516 = arith.constant 0 : i32
      %dma_start3A_517 = tpu.memref_slice %arg4[%dma_start3A_516, %mul3A_2] : memref<32x16384xf32, #tpu.memory_space<hbm>> -> memref<32x512xf32, #tpu.memory_space<hbm>>
      tpu.enqueue_dma source(%arg8 : memref<32x512xf32, #tpu.memory_space<vmem>>) target(%dma_start3A_517 : memref<32x512xf32, #tpu.memory_space<hbm>>) target_semaphore(%run_scoped3A : memref<!tpu.dma_semaphore, #tpu.memory_space<semaphore_mem>>)
      %dma_wait3A_518 = arith.constant 0 : i32
      %dma_wait3A_519 = tpu.memref_slice %arg4[%dma_wait3A_518, %mul3A_2] : memref<32x16384xf32, #tpu.memory_space<hbm>> -> memref<32x512xf32, #tpu.memory_space<hbm>>
      %dma_wait3A_520 = arith.constant 0 : i32
      %dma_wait3A_521 = tpu.memref_slice %arg4[%dma_wait3A_520, %mul3A_2] : memref<32x16384xf32, #tpu.memory_space<hbm>> -> memref<32x512xf32, #tpu.memory_space<hbm>>
      tpu.wait_dma2 semaphore(%run_scoped3A : memref<!tpu.dma_semaphore, #tpu.memory_space<semaphore_mem>>) src(%arg8 : memref<32x512xf32, #tpu.memory_space<vmem>>) dst(%dma_wait3A_521 : memref<32x512xf32, #tpu.memory_space<hbm>>)
      tpu.yield
    }) : () -> ()
    return
  }
}

module attributes {stable_mosaic.version = 14 : i64} {
  func.func @_relayout_body(%arg0: i32, %arg1: memref<32x32768xf32, #tpu.memory_space<vmem>>, %arg2: memref<32x32xf32, #tpu.memory_space<vmem>>, %arg3: memref<8192x128xf32, #tpu.memory_space<vmem>>) attributes {dimension_semantics = [#tpu.dimension_semantics<arbitrary>], iteration_bounds = array<i64: 31>, scalar_prefetch = 0 : i64, scratch_operands = 0 : i64, tpu.core_type = #tpu.core_type<tc>, window_params = [{transform_indices = @transform_0, window_bounds = array<i64: 32, 32768>}, {pipeline_mode = #tpu.pipeline_mode<synchronous>, transform_indices = @transform_1, window_bounds = array<i64: 32, 32>}, {transform_indices = @transform_2, window_bounds = array<i64: 8192, 128>}]} {
    %get3A = arith.constant 0 : index
    %get3A_0 = arith.constant 0 : index
    %get3A_1 = vector.load %arg1[%get3A, %get3A_0] : memref<32x32768xf32, #tpu.memory_space<vmem>>, vector<32x32768xf32>
    %get3A_2 = arith.constant 0 : index
    %get3A_3 = arith.constant 0 : index
    %get3A_4 = vector.load %arg2[%get3A_2, %get3A_3] : memref<32x32xf32, #tpu.memory_space<vmem>>, vector<32x32xf32>
    %slice3A = vector.extract_strided_slice %get3A_1 {offsets = [0, 0], sizes = [32, 8192], strides = [1, 1]} : vector<32x32768xf32> to vector<32x8192xf32>
    %dot_general3A = arith.constant dense<0.000000e+00> : vector<8192x32xf32>
    %dot_general3A_5 = tpu.matmul %slice3A, %get3A_4, %dot_general3A {dimension_numbers = #tpu.dot_dimension_numbers<[0], [0], [1], [1], [0, 1, 1, 1], [], []>, transpose_lhs_hint = false} : vector<32x8192xf32>, vector<32x32xf32>, vector<8192x32xf32> -> vector<8192x32xf32>
    %swap3A = arith.constant 0 : index
    %swap3A_6 = arith.constant 0 : index
    %swap3A_7 = vector.load %arg3[%swap3A, %swap3A_6] : memref<8192x128xf32, #tpu.memory_space<vmem>>, vector<8192x32xf32>
    tpu.vector_store %arg3[%swap3A, %swap3A_6], %dot_general3A_5 {strides = array<i32>} : memref<8192x128xf32, #tpu.memory_space<vmem>>, vector<8192x32xf32>,
    %slice3A_8 = vector.extract_strided_slice %get3A_1 {offsets = [0, 8192], sizes = [32, 8192], strides = [1, 1]} : vector<32x32768xf32> to vector<32x8192xf32>
    %dot_general3A_9 = arith.constant dense<0.000000e+00> : vector<8192x32xf32>
    %dot_general3A_10 = tpu.matmul %slice3A_8, %get3A_4, %dot_general3A_9 {dimension_numbers = #tpu.dot_dimension_numbers<[0], [0], [1], [1], [0, 1, 1, 1], [], []>, transpose_lhs_hint = false} : vector<32x8192xf32>, vector<32x32xf32>, vector<8192x32xf32> -> vector<8192x32xf32>
    %swap3A_11 = arith.constant 0 : index
    %swap3A_12 = arith.constant 32 : index
    %swap3A_13 = vector.load %arg3[%swap3A_11, %swap3A_12] : memref<8192x128xf32, #tpu.memory_space<vmem>>, vector<8192x32xf32>
    tpu.vector_store %arg3[%swap3A_11, %swap3A_12], %dot_general3A_10 {strides = array<i32>} : memref<8192x128xf32, #tpu.memory_space<vmem>>, vector<8192x32xf32>,
    %slice3A_14 = vector.extract_strided_slice %get3A_1 {offsets = [0, 16384], sizes = [32, 8192], strides = [1, 1]} : vector<32x32768xf32> to vector<32x8192xf32>
    %dot_general3A_15 = arith.constant dense<0.000000e+00> : vector<8192x32xf32>
    %dot_general3A_16 = tpu.matmul %slice3A_14, %get3A_4, %dot_general3A_15 {dimension_numbers = #tpu.dot_dimension_numbers<[0], [0], [1], [1], [0, 1, 1, 1], [], []>, transpose_lhs_hint = false} : vector<32x8192xf32>, vector<32x32xf32>, vector<8192x32xf32> -> vector<8192x32xf32>
    %swap3A_17 = arith.constant 0 : index
    %swap3A_18 = arith.constant 64 : index
    %swap3A_19 = vector.load %arg3[%swap3A_17, %swap3A_18] : memref<8192x128xf32, #tpu.memory_space<vmem>>, vector<8192x32xf32>
    tpu.vector_store %arg3[%swap3A_17, %swap3A_18], %dot_general3A_16 {strides = array<i32>} : memref<8192x128xf32, #tpu.memory_space<vmem>>, vector<8192x32xf32>,
    %slice3A_20 = vector.extract_strided_slice %get3A_1 {offsets = [0, 24576], sizes = [32, 8192], strides = [1, 1]} : vector<32x32768xf32> to vector<32x8192xf32>
    %dot_general3A_21 = arith.constant dense<0.000000e+00> : vector<8192x32xf32>
    %dot_general3A_22 = tpu.matmul %slice3A_20, %get3A_4, %dot_general3A_21 {dimension_numbers = #tpu.dot_dimension_numbers<[0], [0], [1], [1], [0, 1, 1, 1], [], []>, transpose_lhs_hint = false} : vector<32x8192xf32>, vector<32x32xf32>, vector<8192x32xf32> -> vector<8192x32xf32>
    %swap3A_23 = arith.constant 0 : index
    %swap3A_24 = arith.constant 96 : index
    %swap3A_25 = vector.load %arg3[%swap3A_23, %swap3A_24] : memref<8192x128xf32, #tpu.memory_space<vmem>>, vector<8192x32xf32>
    tpu.vector_store %arg3[%swap3A_23, %swap3A_24], %dot_general3A_22 {strides = array<i32>} : memref<8192x128xf32, #tpu.memory_space<vmem>>, vector<8192x32xf32>,
    return
  }
  func.func @transform_0(%arg0: i32) -> (i32, i32) {
    %c0_i32 = arith.constant 0 : i32
    %c0_i32_0 = arith.constant 0 : i32
    return %c0_i32, %arg0 : i32, i32
  }
  func.func @transform_1(%arg0: i32) -> (i32, i32) {
    %c0_i32 = arith.constant 0 : i32
    %c0_i32_0 = arith.constant 0 : i32
    %c0_i32_1 = arith.constant 0 : i32
    return %c0_i32, %c0_i32_0 : i32, i32
  }
  func.func @transform_2(%arg0: i32) -> (i32, i32) {
    %c0_i32 = arith.constant 0 : i32
    %c0_i32_0 = arith.constant 0 : i32
    return %arg0, %c0_i32 : i32, i32
  }
}

module attributes {stable_mosaic.version = 14 : i64} {
  func.func @_mlp_body(%arg0: i32, %arg1: memref<32x2048xf32, #tpu.memory_space<vmem>>, %arg2: memref<32x2048xf32, #tpu.memory_space<vmem>>, %arg3: memref<64x64xf32, #tpu.memory_space<vmem>>, %arg4: memref<64x1xf32, #tpu.memory_space<vmem>>, %arg5: memref<32x64xf32, #tpu.memory_space<vmem>>, %arg6: memref<32x1xf32, #tpu.memory_space<vmem>>, %arg7: memref<1x32xf32, #tpu.memory_space<vmem>>, %arg8: memref<1x1xf32, #tpu.memory_space<vmem>>, %arg9: memref<1x2048xf32, #tpu.memory_space<vmem>>) attributes {dimension_semantics = [#tpu.dimension_semantics<arbitrary>], iteration_bounds = array<i64: 8>, scalar_prefetch = 0 : i64, scratch_operands = 0 : i64, tpu.core_type = #tpu.core_type<tc>, window_params = [{transform_indices = @transform_0, window_bounds = array<i64: 32, 2048>}, {transform_indices = @transform_1, window_bounds = array<i64: 32, 2048>}, {pipeline_mode = #tpu.pipeline_mode<synchronous>, transform_indices = @transform_2, window_bounds = array<i64: 64, 64>}, {pipeline_mode = #tpu.pipeline_mode<synchronous>, transform_indices = @transform_3, window_bounds = array<i64: 64, 1>}, {pipeline_mode = #tpu.pipeline_mode<synchronous>, transform_indices = @transform_4, window_bounds = array<i64: 32, 64>}, {pipeline_mode = #tpu.pipeline_mode<synchronous>, transform_indices = @transform_5, window_bounds = array<i64: 32, 1>}, {pipeline_mode = #tpu.pipeline_mode<synchronous>, transform_indices = @transform_6, window_bounds = array<i64: 1, 32>}, {pipeline_mode = #tpu.pipeline_mode<synchronous>, transform_indices = @transform_7, window_bounds = array<i64: 1, 1>}, {transform_indices = @transform_8, window_bounds = array<i64: 1, 2048>}]} {
    %get3A = arith.constant 0 : index
    %get3A_0 = arith.constant 0 : index
    %get3A_1 = vector.load %arg1[%get3A, %get3A_0] : memref<32x2048xf32, #tpu.memory_space<vmem>>, vector<32x2048xf32>
    %get3A_2 = arith.constant 0 : index
    %get3A_3 = arith.constant 0 : index
    %get3A_4 = vector.load %arg2[%get3A_2, %get3A_3] : memref<32x2048xf32, #tpu.memory_space<vmem>>, vector<32x2048xf32>
    %concatenate3A = tpu.concatenate %get3A_1, %get3A_4 in 0 : vector<32x2048xf32>, vector<32x2048xf32> -> vector<64x2048xf32>
    %get3A_5 = arith.constant 0 : index
    %get3A_6 = arith.constant 0 : index
    %get3A_7 = vector.load %arg3[%get3A_5, %get3A_6] : memref<64x64xf32, #tpu.memory_space<vmem>>, vector<64x64xf32>
    %dot_general3A = arith.constant dense<0.000000e+00> : vector<64x2048xf32>
    %dot_general3A_8 = tpu.matmul %get3A_7, %concatenate3A, %dot_general3A {dimension_numbers = #tpu.dot_dimension_numbers<[1], [0], [0], [1], [0, 0, 1, 1], [], []>, transpose_lhs_hint = false} : vector<64x64xf32>, vector<64x2048xf32>, vector<64x2048xf32> -> vector<64x2048xf32>
    %get3A_9 = arith.constant 0 : index
    %get3A_10 = arith.constant 0 : index
    %get3A_11 = vector.load %arg4[%get3A_9, %get3A_10] : memref<64x1xf32, #tpu.memory_space<vmem>>, vector<64x1xf32>
    %add3A = vector.broadcast %get3A_11 : vector<64x1xf32> to vector<64x2048xf32>
    %add3A_12 = arith.addf %dot_general3A_8, %add3A : vector<64x2048xf32>
    %max3A = arith.constant 0.000000e+00 : f32
    %max3A_13 = vector.broadcast %max3A : f32 to vector<64x2048xf32>
    %max3A_14 = arith.maximumf %add3A_12, %max3A_13 : vector<64x2048xf32>
    %get3A_15 = arith.constant 0 : index
    %get3A_16 = arith.constant 0 : index
    %get3A_17 = vector.load %arg5[%get3A_15, %get3A_16] : memref<32x64xf32, #tpu.memory_space<vmem>>, vector<32x64xf32>
    %dot_general3A_18 = arith.constant dense<0.000000e+00> : vector<32x2048xf32>
    %dot_general3A_19 = tpu.matmul %get3A_17, %max3A_14, %dot_general3A_18 {dimension_numbers = #tpu.dot_dimension_numbers<[1], [0], [0], [1], [0, 0, 1, 1], [], []>, transpose_lhs_hint = false} : vector<32x64xf32>, vector<64x2048xf32>, vector<32x2048xf32> -> vector<32x2048xf32>
    %get3A_20 = arith.constant 0 : index
    %get3A_21 = arith.constant 0 : index
    %get3A_22 = vector.load %arg6[%get3A_20, %get3A_21] : memref<32x1xf32, #tpu.memory_space<vmem>>, vector<32x1xf32>
    %add3A_23 = vector.broadcast %get3A_22 : vector<32x1xf32> to vector<32x2048xf32>
    %add3A_24 = arith.addf %dot_general3A_19, %add3A_23 : vector<32x2048xf32>
    %max3A_25 = arith.constant 0.000000e+00 : f32
    %max3A_26 = vector.broadcast %max3A_25 : f32 to vector<32x2048xf32>
    %max3A_27 = arith.maximumf %add3A_24, %max3A_26 : vector<32x2048xf32>
    %get3A_28 = arith.constant 0 : index
    %get3A_29 = arith.constant 0 : index
    %get3A_30 = vector.load %arg7[%get3A_28, %get3A_29] : memref<1x32xf32, #tpu.memory_space<vmem>>, vector<1x32xf32>
    %dot_general3A_31 = arith.constant dense<0.000000e+00> : vector<1x2048xf32>
    %dot_general3A_32 = tpu.matmul %get3A_30, %max3A_27, %dot_general3A_31 {dimension_numbers = #tpu.dot_dimension_numbers<[1], [0], [0], [1], [0, 0, 1, 1], [], []>, transpose_lhs_hint = false} : vector<1x32xf32>, vector<32x2048xf32>, vector<1x2048xf32> -> vector<1x2048xf32>
    %get3A_33 = arith.constant 0 : index
    %get3A_34 = arith.constant 0 : index
    %get3A_35 = vector.load %arg8[%get3A_33, %get3A_34] : memref<1x1xf32, #tpu.memory_space<vmem>>, vector<1x1xf32>
    %get3A_36 = vector.extract %get3A_35[0, 0] : f32 from vector<1x1xf32>
    %add3A_37 = vector.broadcast %get3A_36 : f32 to vector<1x2048xf32>
    %add3A_38 = arith.addf %dot_general3A_32, %add3A_37 : vector<1x2048xf32>
    %neg3A = arith.constant 0.000000e+00 : f32
    %neg3A_39 = vector.broadcast %neg3A : f32 to vector<1x2048xf32>
    %neg3A_40 = arith.subf %neg3A_39, %add3A_38 : vector<1x2048xf32>
    %exp3A = math.exp %neg3A_40 : vector<1x2048xf32>
    %add3A_41 = arith.constant 1.000000e+00 : f32
    %add3A_42 = vector.broadcast %add3A_41 : f32 to vector<1x2048xf32>
    %add3A_43 = arith.addf %add3A_42, %exp3A : vector<1x2048xf32>
    %div3A = arith.constant 1.000000e+00 : f32
    %div3A_44 = vector.broadcast %div3A : f32 to vector<1x2048xf32>
    %div3A_45 = arith.divf %div3A_44, %add3A_43 : vector<1x2048xf32>
    %swap3A = arith.constant 0 : index
    %swap3A_46 = arith.constant 0 : index
    %swap3A_47 = vector.load %arg9[%swap3A, %swap3A_46] : memref<1x2048xf32, #tpu.memory_space<vmem>>, vector<1x2048xf32>
    tpu.vector_store %arg9[%swap3A, %swap3A_46], %div3A_45 {strides = array<i32>} : memref<1x2048xf32, #tpu.memory_space<vmem>>, vector<1x2048xf32>,
    return
  }
  func.func @transform_0(%arg0: i32) -> (i32, i32) {
    %c0_i32 = arith.constant 0 : i32
    %c0_i32_0 = arith.constant 0 : i32
    return %c0_i32, %arg0 : i32, i32
  }
  func.func @transform_1(%arg0: i32) -> (i32, i32) {
    %c0_i32 = arith.constant 0 : i32
    %c0_i32_0 = arith.constant 0 : i32
    return %c0_i32, %arg0 : i32, i32
  }
  func.func @transform_2(%arg0: i32) -> (i32, i32) {
    %c0_i32 = arith.constant 0 : i32
    %c0_i32_0 = arith.constant 0 : i32
    %c0_i32_1 = arith.constant 0 : i32
    return %c0_i32, %c0_i32_0 : i32, i32
  }
  func.func @transform_3(%arg0: i32) -> (i32, i32) {
    %c0_i32 = arith.constant 0 : i32
    %c0_i32_0 = arith.constant 0 : i32
    %c0_i32_1 = arith.constant 0 : i32
    return %c0_i32, %c0_i32_0 : i32, i32
  }
  func.func @transform_4(%arg0: i32) -> (i32, i32) {
    %c0_i32 = arith.constant 0 : i32
    %c0_i32_0 = arith.constant 0 : i32
    %c0_i32_1 = arith.constant 0 : i32
    return %c0_i32, %c0_i32_0 : i32, i32
  }
  func.func @transform_5(%arg0: i32) -> (i32, i32) {
    %c0_i32 = arith.constant 0 : i32
    %c0_i32_0 = arith.constant 0 : i32
    %c0_i32_1 = arith.constant 0 : i32
    return %c0_i32, %c0_i32_0 : i32, i32
  }
  func.func @transform_6(%arg0: i32) -> (i32, i32) {
    %c0_i32 = arith.constant 0 : i32
    %c0_i32_0 = arith.constant 0 : i32
    %c0_i32_1 = arith.constant 0 : i32
    return %c0_i32, %c0_i32_0 : i32, i32
  }
  func.func @transform_7(%arg0: i32) -> (i32, i32) {
    %c0_i32 = arith.constant 0 : i32
    %c0_i32_0 = arith.constant 0 : i32
    %c0_i32_1 = arith.constant 0 : i32
    return %c0_i32, %c0_i32_0 : i32, i32
  }
  func.func @transform_8(%arg0: i32) -> (i32, i32) {
    %c0_i32 = arith.constant 0 : i32
    %c0_i32_0 = arith.constant 0 : i32
    return %c0_i32, %arg0 : i32, i32
  }
}

</mosaic_0001>

<sc_bundles>
// kernel: kernel.10.cloned.1.call-start
scs
__scs_entry_jumppad:
0x0: {  	(pc) =	sbr.rel $0x88, $3  }
0x1: {  	(tag) =	ssettag $0x0;
	lr =	simm.s32 $0x1  }
0x2: {  	[smem:$0x3F97] =	sst lr;
	_ =	strace $0xD0000000  }
0x3: {  	_ = 	snop  }
0x4: {  	_ = 	snop  }
0x5: {  	_ = 	snop  }
0x6: {  	_ = 	snop  }
0x7: {  	_ = 	snop  }
__scs_overlays_trampoline_lowered:
0x8: {  	[smem:$0x3FA6] =	sst s0  }
0x9: {  	[smem:$0x3FA7] =	sst s1  }
0xa: {  	[smem:$0x3FA8] =	sst s2  }
0xb: {  	[smem:$0x3FA9] =	sst s3  }
0xc: {  	[smem:$0x3FAA] =	sst s4  }
0xd: {  	[smem:$0x3FAB] =	sst s5  }
0xe: {  	[smem:$0x3FAC] =	sst s6  }
0xf: {  	[smem:$0x3FAD] =	sst s7  }
0x10: {  	[smem:$0x3FAE] =	sst s8  }
0x11: {  	[smem:$0x3FAF] =	sst s9;
	s0 =	simm.s32 @!p0 $0x0  }
0x12: {  	s1 =	sld [smem:$0x3F95];
	s0 =	simm.s32 @p0 $0x1  }
0x13: {  	[smem:$0x3FB0] =	sst s0;
	s0 =	simm.s32 @!p1 $0x0  }
0x14: {  	s2 =	sld [smem:$0x3F94];
	s0 =	simm.s32 @p1 $0x1  }
0x15: {  	[smem:$0x3FB1] =	sst s0;
	s0 =	simm.s32 @!p2 $0x0  }
0x16: {  	s3 =	sld [smem:$0x3FDB];
	s0 =	simm.s32 @p2 $0x1  }
0x17: {  	s4 =	simm.s32 $0x1BF5;
	[smem:$0x3FB3] =	sst s0  }
0x18: {  	s0 =	sld [smem:$0x3F96];
	_ =	swait.ge [sflag:s4], $0x0  }
0x19: {  	s7 =	sld [smem:$0x3F97]  }
0x1a: {  	s8 =	sadd.s32 $0xFFFFE003, lr  }
0x1b: {  	s9 =	sadd.s32 $0xFFFFFEF7, lr;
	s5 =	simm.s32 $0xFFFFFFFF;
	p2 =	slt.u32 s8, $0xFFFFF086  }
0x1c: {  	p1 =	slt.u32 s9, $0xF7A;
	s5 =	simm.s32 @!p2 $0x0  }
0x1d: {  	s5 =	simm.s32 @p1 $0x1;
	p0 =	seq.s32 s7, s2  }
0x1e: {  	s7 =	smul.u32 @!p0 $0xF7A, s2;
	p2 =	seq.s32 @!p0 s5, $0x0  }
0x1f: {  	s9 =	smul.u32 $0xF7A, s1;
	s8 =	simm.s32 @!p0 $0x1BF5;
	p2 =	por !p2, p0  }
0x20: {  	[sflag:s8] =	ssyncset.s32 @!p0 $0xFFFFF086;
	s6 =	sadd.s32 @!p0 s3, s7;
	s7 =	simm.s32 @!p0 $0x108  }
0x21: {  	s3 =	sadd.s32 s3, s9;
	s6 =	sadd.s32 @!p0 $0x88, s6;
	s7 =	simm.s32 @p2 $0x1082  }
0x22: {  	[simem:s7], [sflag:s8] =	dma.local @!p0 [hbm:s6], $0xF7A  }
0x23: {  	s9 =	sor.u32 $0xD0000000, s2;
	s6 =	simm.s32 $0x108;
	_ =	swait.ge @!p0 [sflag:s8], $0x0  }
0x24: {  	s3 =	sadd.s32 $0x88, s3;
	s6 =	simm.s32 @!p1 $0x1082;
	[sflag:s4] =	ssyncset.s32 $0xFFFFF086  }
0x25: {  	[simem:s6], [sflag:s4] =	dma.local [hbm:s3], $0xF7A  }
0x26: {  	[smem:$0x3F97] =	sst s1;
	(tag) =	ssettag s2;
	_ =	strace s9  }
0x27: {  	s1 =	sld [smem:$0x3FA7]  }
0x28: {  	s2 =	sld [smem:$0x3FA8]  }
0x29: {  	s4 =	sld [smem:$0x3FAA]  }
0x2a: {  	p0 =	seq.s32 s5, $0x0;
	s5 =	sld [smem:$0x3FAB]  }
0x2b: {  	s6 =	sld [smem:$0x3FAC]  }
0x2c: {  	s7 =	sld [smem:$0x3FAD]  }
0x2d: {  	s3 =	simm.s32 $0x108;
	s8 =	sld [smem:$0x3FAE]  }
0x2e: {  	s3 =	simm.s32 @!p0 $0x1082;
	s9 =	sld [smem:$0x3FAF]  }
0x2f: {  	lr =	sadd.s32 s0, s3;
	s0 =	sld [smem:$0x3FA6]  }
0x30: {  	s3 =	sld [smem:$0x3FA9]  }
0x31: {  	[smem:$0x3FB2] =	sst s10  }
0x32: {  	s10 =	sld [smem:$0x3FB0];
	_ =	sdelay $0x3  }
0x33: {  	p0 =	seq.s32 s10, $0x1;
	s10 =	sld [smem:$0x3FB2];
	_ =	sdelay $0x3  }
0x34: {  	[smem:$0x3FB2] =	sst s10  }
0x35: {  	s10 =	sld [smem:$0x3FB1];
	_ =	sdelay $0x3  }
0x36: {  	p1 =	seq.s32 s10, $0x1;
	s10 =	sld [smem:$0x3FB2];
	_ =	sdelay $0x3  }
0x37: {  	[smem:$0x3FB2] =	sst s10  }
0x38: {  	s10 =	sld [smem:$0x3FB3]  }
0x39: {  	_ = 	snop;
	(pc) =	sbr.ind lr, $3  }
0x3a: {  	_ = 	snop  }
0x3b: {  	_ = 	snop  }
0x3c: {  	p2 =	seq.s32 s10, $0x1;
	s10 =	sld [smem:$0x3FB2]  }
0x3d: {  	_ =	shalt  }
0x3e: {  	_ =	shalt  }
0x3f: {  	_ =	shalt  }
0x40: {  	_ =	shalt  }
0x41: {  	_ =	shalt  }
0x42: {  	_ =	shalt  }
0x43: {  	_ =	shalt  }
0x44: {  	_ =	shalt  }
0x45: {  	_ =	shalt  }
0x46: {  	_ =	shalt  }
0x47: {  	_ =	shalt  }
0x48: {  	_ =	shalt  }
0x49: {  	_ =	shalt  }
0x4a: {  	_ =	shalt  }
0x4b: {  	_ =	shalt  }
0x4c: {  	_ =	shalt  }
0x4d: {  	_ =	shalt  }
0x4e: {  	_ =	shalt  }
0x4f: {  	_ =	shalt  }
0x50: {  	_ =	shalt  }
0x51: {  	_ =	shalt  }
0x52: {  	_ =	shalt  }
0x53: {  	_ =	shalt  }
0x54: {  	_ =	shalt  }
0x55: {  	_ =	shalt  }
0x56: {  	_ =	shalt  }
0x57: {  	_ =	shalt  }
0x58: {  	_ =	shalt  }
0x59: {  	_ =	shalt  }
0x5a: {  	_ =	shalt  }
0x5b: {  	_ =	shalt  }
0x5c: {  	_ =	shalt  }
0x5d: {  	_ =	shalt  }
0x5e: {  	_ =	shalt  }
0x5f: {  	_ =	shalt  }
0x60: {  	_ =	shalt  }
0x61: {  	_ =	shalt  }
0x62: {  	_ =	shalt  }
0x63: {  	_ =	shalt  }
0x64: {  	_ =	shalt  }
0x65: {  	_ =	shalt  }
0x66: {  	_ =	shalt  }
0x67: {  	_ =	shalt  }
0x68: {  	_ =	shalt  }
0x69: {  	_ =	shalt  }
0x6a: {  	_ =	shalt  }
0x6b: {  	_ =	shalt  }
0x6c: {  	_ =	shalt  }
0x6d: {  	_ =	shalt  }
0x6e: {  	_ =	shalt  }
0x6f: {  	_ =	shalt  }
0x70: {  	_ =	shalt  }
0x71: {  	_ =	shalt  }
0x72: {  	_ =	shalt  }
0x73: {  	_ =	shalt  }
0x74: {  	_ =	shalt  }
0x75: {  	_ =	shalt  }
0x76: {  	_ =	shalt  }
0x77: {  	_ =	shalt  }
0x78: {  	_ =	shalt  }
0x79: {  	_ =	shalt  }
0x7a: {  	_ =	shalt  }
0x7b: {  	_ =	shalt  }
0x7c: {  	_ =	shalt  }
0x7d: {  	_ =	shalt  }
0x7e: {  	_ =	shalt  }
0x7f: {  	_ =	shalt  }
0x80: {  	_ =	shalt  }
0x81: {  	_ =	shalt  }
0x82: {  	_ =	shalt  }
0x83: {  	_ =	shalt  }
0x84: {  	_ =	shalt  }
0x85: {  	_ =	shalt  }
0x86: {  	_ =	shalt  }
0x87: {  	_ =	shalt  }
.Lfunc_end0:
.L_simem_size_0:
called_computation.1_lowered:
.L_overlay_start_0:
0x88: {  	s2 =	sld [smem:$0x3FD9]  }
0x89: {  	s3 =	sld [smem:$0x3FFE];
	_ =	sdelay $0x1  }
0x8a: {  	s1 =	srdreg.scid  }
0x8b: {  	s0 =	sand.u32 $0x1, s1  }
0x8c: {  	s17 =	sshll.u32 s0, $0xA;
	s2 =	sadd.s32 s3, s2  }
0x8d: {  	s2 =	sadd.s32 s2, s17  }
0x8e: {  	[smem:$0x3FBE] =	sst s2  }
0x8f: {  	_ = 	snop  }
0x90: {  	s2 =	sld [smem:$0x3FC8];
	(tm) =	ssettm $0x1  }
0x91: {  	s18 =	sld [smem:$0x3FFB];
	_ =	sdelay $0x3  }
0x92: {  	_ =	strace s18  }
0x93: {  	s3 =	sld [smem:$0x3FFC];
	_ =	sdelay $0x3  }
0x94: {  	_ =	strace s3  }
0x95: {  	s3 =	sld [smem:$0x3FFD];
	_ =	sdelay $0x3  }
0x96: {  	_ =	strace s3  }
0x97: {  	_ =	strace $0x8FFFFFFF  }
0x98: {  	s19 =	sld [smem:$0x3FDB];
	_ =	sdelay $0x1  }
0x99: {  	s4 =	simm.s32 $_scs_section_size  }
0x9a: {  	s5 =	simm.s32 $_size__tile_overlayer_lowered;
	s6 =	simm.s32 $_tile_overlayer_lowered  }
0x9b: {  	s22 =	simm.s32 $0x1BFF;
	s21 =	sshll.u32 s6, $0x1;
	s3 =	sadd.s32 s4, s19  }
0x9c: {  	s7 =	simm.s32 $0x0;
	s20 =	sshll.u32 s5, $0x1;
	s5 =	sadd.s32 s21, s3  }
0x9d: {  	[timem:s7], [sflag:s22] =	dma.local [hbm:s5], s20  }
0x9e: {  	_ =	swait.ge [sflag:s22], s20  }
0x9f: {  	s4 =	ssub.s32 $0x0, s20;
	[sflag:s22] =	ssyncset.done $0x0  }
0xa0: {  	[sflag:s22] =	ssyncadd.s32 s4;
	_ =	sdelay $0x1  }
0xa1: {  	s23 =	simm.s32 $0x1B8B  }
0xa2: {  	_ =	swait.ge [sflag:s23], $0x1  }
0xa3: {  	[sflag:s23] =	ssyncset.done $0x0  }
0xa4: {  	s25 =	simm.s32 $0x1B8E;
	s24 =	sld [smem:$0x3FFE];
	[sflag:s23] =	ssyncadd.s32 $0xFFFFFFFF  }
0xa5: {  	s26 =	simm.s32 $execute0_lowered;
	[smem:$0x3FD2] =	sst s25  }
0xa6: {  	s5 =	sshll.u32 s26, $0x1;
	_ =	strace $0x80000046;
	[dreg:$0x1] =	wrdreg $0xFFFFFFFF  }
0xa7: {  	s28 =	simm.s32 $_size_execute0_lowered;
	s3 =	sadd.s32 s3, s5;
	[dreg:$0x0] =	wrdreg $0x0  }
0xa8: {  	s5 =	sshll.u32 s28, $0x1;
	[dreg:$0x2] =	wrdreg s3  }
0xa9: {  	[dreg:$0x3] =	wrdreg s5  }
0xaa: {  	[dreg:$0x4] =	wrdreg $0xC0  }
0xab: {  	_ =	task [dreg:s7], $0x5FFFF  }
0xac: {  	[dreg:$0x1] =	wrdreg $0xFFFFFFFF  }
0xad: {  	[dreg:$0x0] =	wrdreg $0x60  }
0xae: {  	[dreg:$0x2] =	wrdreg s2  }
0xaf: {  	[dreg:$0x3] =	wrdreg s24  }
0xb0: {  	[dreg:$0x4] =	wrdreg $0xA  }
0xb1: {  	_ =	task.clear_ibuf [dreg:s7], $0x5FFFF;
	_ =	strace $0x90000046  }
0xb2: {  	s29 =	simm.s32 $0xA;
	_ =	strace $0x80000048  }
0xb3: {  	_ =	swait.ge [sflag:s29], $0x1  }
0xb4: {  	[sflag:s29] =	ssyncadd.s32 $0xFFFFFFFF  }
0xb5: {  	_ =	strace $0x90000048  }
0xb6: {  	_ =	sfence  }
0xb7: {  	s30 =	sld [smem:$0x0];
	_ =	sdelay $0x2  }
0xb8: {  	s31 =	sshll.u32 s1, $0xD;
	s1 =	sshrl.u32 s1, $0x2  }
0xb9: {  	s3 =	sand.u32 $0x4000, s31;
	s1 =	sadd.s32 s1, s30  }
0xba: {  	s0 =	sor.u32 s3, s0;
	s1 =	sshll.u32 s1, $0x11  }
0xbb: {  	s0 =	sor.u32 s1, s0  }
0xbc: {  	s0 =	sadd.s32 $0x8F2B, s0  }
0xbd: {  	[sflag:s0] =	ssyncadd.remote.s32 $0x1  }
0xbe: {  	_ =	sfence.sel $0xFFFF  }
0xbf: {  	[dreg:$0x0] =	wrdreg $0xFFFFFFFF;
	(pc) =	sbr.abs _section_cstart, $3  }
0xc0: {  	[dreg:$0x1] =	wrdreg $0xFFFFFFFF  }
0xc1: {  	_ =	task.clear_ibuf [dreg:s7], $0x2FFFF;
	_ =	strace $0x9FFFFFFF  }
0xc2: {  	(tm) =	ssettm $0x7FFFFFFF  }
0xc3: {  	_ =	shalt  }
tec
execute0_lowered:
.L_overlay_start_1:
0x0: {  	(tag) =	ssettag $0x1  }
0x1: {  	s4 =	rddreg [dreg:$0x0]  }
0x2: {  	s5 =	rddreg [dreg:$0x1]  }
0x3: {  	s0 =	rddreg [dreg:$0x2]  }
0x4: {  	s2 =	simm.s32 $0x0;
	s3 =	srdreg.scid;
	s1 =	stileid.u32  }
0x5: {  	s9 =	simm.s32 $0x200;
	s10 =	simm.s32 $0x400;
	s11 =	simm.s32 $0x280  }
0x6: {  	s12 =	simm.s32 $0x4400;
	s13 =	simm.s32 $0x300;
	s14 =	simm.s32 $0x8400  }
0x7: {  	s15 =	simm.s32 $0x380;
	s16 =	simm.s32 $0xC400;
	s17 =	simm.s32 $0x1  }
0x8: {  	s18 =	simm.s32 $0x1000;
	s19 =	simm.s32 $0x20000;
	s20 =	simm.s32 $0x10400  }
0x9: {  	s21 =	simm.s32 $0x0;
	[smem:$0x7FF] =	sst s2;
	s3 =	sand.u32 $0x1, s3  }
0xa: {  	s6 =	sshll.u32 s1, $0xA;
	_ =	strace $0x80000047;
	s7 =	sshll.u32 s3, $0x9  }
0xb: {  	s8 =	ssub.s32 $0x2, s3;
	s3 =	sadd.s32 $0x1600, s5;
	s6 =	sor.u32 s7, s6  }
0xc: {  	s31 =	sshrl.u32 s8, $0x1;
	s5 =	sadd.s32 s6, s5;
	s6 =	sshrl.u32 s6, $0x3  }
0xd: {  	v0 =	vlaneseq.u32;
	s7 =	ssub.s32 s8, s31;
	s8 =	simm.s32 $0x80;
	s4 =	sadd.s32 s4, s6  }
0xe: {  	v0 =	vmul.u32 $0x80, v0;
	s5 =	sadd.s32 $0x3E1600, s5;
	s6 =	smax.u32 s7, $0x1;
	s7 =	simm.s32 $0x2  }
.LBB2_1:
0xf: {  	[tilespmem:s2], [sflag:$0x2] =	stream.linear.gather [hbm4b:s4+s2], $0x200, $0x38;
	[tilespmem:$0x14400] =	vst v63  }
0x10: {  	_ =	swait.ge [sflag:s7], $0x200  }
0x11: {  	[sflag:s7] =	ssyncset.done $0x0  }
0x12: {  	[sflag:s7] =	ssyncadd.s32 $0xFFFFFE00  }
0x13: {  	v1 =	vld [tilespmem:$0x0]  }
0x14: {  	v2 =	vld [tilespmem:$0x10]  }
0x15: {  	v3 =	vld [tilespmem:$0x20]  }
0x16: {  	v4 =	vld [tilespmem:$0x30]  }
0x17: {  	v6 =	vld [tilespmem:$0x40]  }
0x18: {  	v8 =	vld [tilespmem:$0x50]  }
0x19: {  	v9 =	vld [tilespmem:$0x60]  }
0x1a: {  	v39 =	vld [tilespmem:$0x70]  }
0x1b: {  	v11 =	vld [tilespmem:$0x80]  }
0x1c: {  	v12 =	vld [tilespmem:$0x90]  }
0x1d: {  	v44 =	vld [tilespmem:$0xA0]  }
0x1e: {  	v14 =	vld [tilespmem:$0xB0];
	v5 =	vshra.s32 v1, $0x2  }
0x1f: {  	v15 =	vld [tilespmem:$0xC0];
	v1 =	vand.u32 $0x1FFF, v1;
	v7 =	vshra.s32 v2, $0x2;
	v37 =	vshra.s32 v3, $0x2  }
0x20: {  	v49 =	vld [tilespmem:$0xD0];
	v2 =	vand.u32 $0x1FFF, v2;
	v3 =	vand.u32 $0x1FFF, v3;
	v38 =	vshra.s32 v4, $0x2  }
0x21: {  	v16 =	vld [tilespmem:$0xE0];
	v4 =	vand.u32 $0x1FFF, v4;
	v10 =	vshra.s32 v6, $0x2;
	v41 =	vshra.s32 v8, $0x2  }
0x22: {  	v55 =	vld [tilespmem:$0xF0];
	v6 =	vand.u32 $0x1FFF, v6;
	v8 =	vand.u32 $0x1FFF, v8;
	v43 =	vshra.s32 v9, $0x2  }
0x23: {  	v57 =	vld [tilespmem:$0x100];
	v9 =	vand.u32 $0x1FFF, v9;
	v13 =	vshra.s32 v39, $0x2;
	v46 =	vshra.s32 v11, $0x2  }
0x24: {  	v60 =	vld [tilespmem:$0x110];
	v11 =	vand.u32 $0x1FFF, v11;
	v48 =	vshra.s32 v12, $0x2;
	v50 =	vand.u32 $0x1FFF, v12  }
0x25: {  	v17 =	vld [tilespmem:$0x120];
	v51 =	vshra.s32 v44, $0x2;
	v52 =	vshra.s32 v14, $0x2;
	v54 =	vand.u32 $0x1FFF, v14  }
0x26: {  	v56 =	vshra.s32 v15, $0x2;
	v58 =	vand.u32 $0x1FFF, v15;
	v59 =	vshra.s32 v49, $0x2  }
0x27: {  	v62 =	vshra.s32 v16, $0x2;
	v63 =	vand.u32 $0x1FFF, v49;
	v16 =	vand.u32 $0x1FFF, v16  }
0x28: {  	v18 =	vshra.s32 v55, $0x2;
	v20 =	vand.u32 $0x1FFF, v55;
	v21 =	vshra.s32 v57, $0x2  }
0x29: {  	v19 =	vld [tilespmem:$0x130];
	v24 =	vshra.s32 v60, $0x2;
	v25 =	vand.u32 $0x1FFF, v60;
	v5 =	vand.u32 $0xFFFFE000, v5  }
0x2a: {  	v22 =	vld [tilespmem:$0x140];
	v27 =	vshra.s32 v17, $0x2;
	v36 =	vand.u32 $0xFFFFE000, v7;
	v1 =	vor.u32 v1, v5  }
0x2b: {  	v30 =	vand.u32 $0x1FFF, v17;
	v7 =	vand.u32 $0xFFFFE000, v37;
	v2 =	vor.u32 v2, v36;
	[tilespmem:$0x200] =	vst v1  }
0x2c: {  	v40 =	vand.u32 $0xFFFFE000, v10;
	v10 =	vand.u32 $0xFFFFE000, v41;
	v3 =	vor.u32 v3, v7;
	[tilespmem:$0x210] =	vst v2  }
0x2d: {  	v45 =	vand.u32 $0xFFFFE000, v13;
	v13 =	vand.u32 $0xFFFFE000, v46;
	v42 =	vor.u32 v8, v10;
	[tilespmem:$0x220] =	vst v3  }
0x2e: {  	v31 =	vshra.s32 v19, $0x2;
	v5 =	vand.u32 $0xFFFFE000, v38;
	v47 =	vor.u32 v11, v13;
	[tilespmem:$0x250] =	vst v42  }
0x2f: {  	v26 =	vld [tilespmem:$0x150];
	v34 =	vshra.s32 v22, $0x2;
	v35 =	vand.u32 $0x1FFF, v19;
	v4 =	vor.u32 v4, v5;
	[tilespmem:$0x280] =	vst v47  }
0x30: {  	v32 =	vld [tilespmem:$0x170];
	v53 =	vand.u32 $0xFFFFE000, v52;
	v8 =	vand.u32 $0xFFFFE000, v43;
	v5 =	vor.u32 v6, v40;
	[tilespmem:$0x230] =	vst v4  }
0x31: {  	v61 =	vand.u32 $0xFFFFE000, v59;
	v7 =	vand.u32 $0x1FFF, v39;
	v8 =	vor.u32 v9, v8;
	[tilespmem:$0x240] =	vst v5  }
0x32: {  	v23 =	vand.u32 $0xFFFFE000, v21;
	v7 =	vor.u32 v7, v45;
	v1 =	vand.u32 $0xFFFFE000, v48;
	[tilespmem:$0x260] =	vst v8  }
0x33: {  	v2 =	vand.u32 $0xFFFFE000, v51;
	v3 =	vand.u32 $0x1FFF, v44;
	v1 =	vor.u32 v50, v1;
	[tilespmem:$0x270] =	vst v7  }
0x34: {  	v28 =	vld [tilespmem:$0x160];
	v29 =	vand.u32 $0xFFFFE000, v27;
	v33 =	vand.u32 $0xFFFFE000, v31;
	v2 =	vor.u32 v3, v2;
	[tilespmem:$0x290] =	vst v1  }
0x35: {  	v41 =	vand.u32 $0x1FFF, v26;
	v46 =	vand.u32 $0x1FFF, v32;
	v3 =	vor.u32 v54, v53;
	[tilespmem:$0x2A0] =	vst v2  }
0x36: {  	v36 =	vand.u32 $0x1FFF, v22;
	v6 =	vand.u32 $0xFFFFE000, v62;
	v5 =	vor.u32 v63, v61;
	[tilespmem:$0x2B0] =	vst v3  }
0x37: {  	v49 =	vld [tilespmem:$0x1C0];
	v39 =	vshra.s32 v26, $0x2;
	v4 =	vand.u32 $0xFFFFE000, v56;
	v6 =	vor.u32 v16, v6;
	[tilespmem:$0x2D0] =	vst v5  }
0x38: {  	v37 =	vld [tilespmem:$0x180];
	v9 =	vand.u32 $0xFFFFE000, v24;
	v7 =	vand.u32 $0xFFFFE000, v18;
	v4 =	vor.u32 v58, v4;
	[tilespmem:$0x2E0] =	vst v6  }
0x39: {  	v52 =	vld [tilespmem:$0x1D0];
	v42 =	vshra.s32 v28, $0x2;
	v44 =	vshra.s32 v32, $0x2;
	v1 =	vor.u32 v20, v7;
	[tilespmem:$0x2C0] =	vst v4  }
0x3a: {  	v45 =	vand.u32 $0x1FFF, v28;
	v2 =	vand.u32 $0x1FFF, v57;
	v3 =	vor.u32 v25, v9;
	[tilespmem:$0x2F0] =	vst v1  }
0x3b: {  	v43 =	vld [tilespmem:$0x1A0];
	v7 =	vand.u32 $0xFFFFE000, v34;
	v6 =	vand.u32 $0xFFFFE000, v44;
	v2 =	vor.u32 v2, v23;
	[tilespmem:$0x310] =	vst v3  }
0x3c: {  	v40 =	vld [tilespmem:$0x190];
	v60 =	vshra.s32 v49, $0x2;
	v4 =	vor.u32 v30, v29;
	v1 =	vor.u32 v35, v33;
	[tilespmem:$0x300] =	vst v2  }
0x3d: {  	v47 =	vld [tilespmem:$0x1B0];
	v38 =	vor.u32 v36, v7;
	v3 =	vand.u32 $0xFFFFE000, v42;
	v48 =	vshra.s32 v37, $0x2;
	[tilespmem:$0x320] =	vst v4  }
0x3e: {  	v50 =	vand.u32 $0x1FFF, v37;
	v61 =	vshra.s32 v52, $0x2;
	v62 =	vand.u32 $0x1FFF, v52;
	[tilespmem:$0x330] =	vst v1  }
0x3f: {  	v2 =	vand.u32 $0xFFFFE000, v39;
	v1 =	vor.u32 v45, v3;
	v3 =	vor.u32 v46, v6;
	[tilespmem:$0x340] =	vst v38  }
0x40: {  	v56 =	vld [tilespmem:$0x1E0];
	v4 =	vand.u32 $0xFFFFE000, v48;
	v54 =	vshra.s32 v43, $0x2;
	v55 =	vand.u32 $0x1FFF, v43;
	[tilespmem:$0x360] =	vst v1  }
0x41: {  	v58 =	vld [tilespmem:$0x1F0];
	v2 =	vor.u32 v41, v2;
	v51 =	vshra.s32 v40, $0x2;
	v1 =	vand.u32 $0x1FFF, v40;
	[tilespmem:$0x370] =	vst v3  }
0x42: {  	v5 =	vand.u32 $0xFFFFE000, v54;
	v57 =	vshra.s32 v47, $0x2;
	[tilespmem:$0x350] =	vst v2;
	v2 =	vor.u32 v50, v4  }
0x43: {  	v59 =	vand.u32 $0x1FFF, v47;
	v53 =	vand.u32 $0xFFFFE000, v51;
	v3 =	vor.u32 v55, v5;
	[tilespmem:$0x380] =	vst v2  }
0x44: {  	v4 =	vand.u32 $0xFFFFE000, v61;
	v1 =	vor.u32 v1, v53;
	v2 =	vand.u32 $0xFFFFE000, v57;
	[tilespmem:$0x3A0] =	vst v3  }
0x45: {  	v3 =	vand.u32 $0x1FFF, v49;
	[tilespmem:$0x390] =	vst v1;
	v1 =	vor.u32 v59, v2;
	v2 =	vand.u32 $0xFFFFE000, v60  }
0x46: {  	v63 =	vshra.s32 v58, $0x2;
	[tilespmem:$0x3B0] =	vst v1;
	v1 =	vor.u32 v3, v2;
	v3 =	vshra.s32 v56, $0x2  }
0x47: {  	v2 =	vor.u32 v62, v4;
	[tilespmem:$0x3C0] =	vst v1;
	v1 =	vand.u32 $0xFFFFE000, v3;
	v3 =	vand.u32 $0x1FFF, v56  }
0x48: {  	[tilespmem:$0x3D0] =	vst v2;
	v2 =	vand.u32 $0xFFFFE000, v63;
	v1 =	vor.u32 v3, v1;
	v3 =	vand.u32 $0x1FFF, v58  }
0x49: {  	[tilespmem:$0x3E0] =	vst v1;
	v1 =	vor.u32 v3, v2  }
0x4a: {  	[tilespmem:$0x3F0] =	vst v1  }
0x4b: {  	[tilespmem:s10], [sflag:$0x1] =	stream.indirect.gather [hbm4b:s3+s8], $0x80, s9, s8, $0xb8;
	[tilespmem:$0x14400] =	vst v63  }
0x4c: {  	_ = 	snop  }
0x4d: {  	[tilespmem:s12], [sflag:$0x1] =	stream.indirect.gather [hbm4b:s3+s8], $0x80, s11, s8, $0xb8;
	[tilespmem:$0x14400] =	vst v63  }
0x4e: {  	_ = 	snop  }
0x4f: {  	[tilespmem:s14], [sflag:$0x1] =	stream.indirect.gather [hbm4b:s3+s8], $0x80, s13, s8, $0xb8;
	[tilespmem:$0x14400] =	vst v63  }
0x50: {  	_ = 	snop  }
0x51: {  	[tilespmem:s16], [sflag:$0x1] =	stream.indirect.gather [hbm4b:s3+s8], $0x80, s15, s8, $0xb8;
	[tilespmem:$0x14400] =	vst v63  }
0x52: {  	_ =	swait.ge [sflag:s17], $0x4000  }
0x53: {  	[sflag:s17] =	ssyncset.done $0x0  }
0x54: {  	[sflag:s17] =	ssyncadd.s32 $0xFFFFC000  }
0x55: {  	_ =	swait.ge [sflag:s17], $0x4000  }
0x56: {  	[sflag:s17] =	ssyncset.done $0x0  }
0x57: {  	[sflag:s17] =	ssyncadd.s32 $0xFFFFC000  }
0x58: {  	_ =	swait.ge [sflag:s17], $0x4000  }
0x59: {  	[sflag:s17] =	ssyncset.done $0x0  }
0x5a: {  	[sflag:s17] =	ssyncadd.s32 $0xFFFFC000  }
0x5b: {  	_ =	swait.ge [sflag:s17], $0x4000  }
0x5c: {  	[sflag:s17] =	ssyncset.done $0x0  }
0x5d: {  	[sflag:s17] =	ssyncadd.s32 $0xFFFFC000  }
0x5e: {  	v1 =	vld [tilespmem:s2+$0x0];
	_ =	sdelay $0x3  }
0x5f: {  	v2 =	vmov s2  }
0x60: {  	v2 =	vshll.u32 v2, $0x7;
	v1 =	vshrl.u32 v1, $0x8  }
0x61: {  	v2 =	vor.u32 v0, v2;
	v1 =	vand.u32 $0x60, v1  }
0x62: {  	v1 =	vor.u32 v2, v1;
	_ =	sdelay $0x4  }
0x63: {  	v2 =	vld.idx.msk [tilespmem:v1+s10+$0x0], $0xffff  }
0x64: {  	v3 =	vor.u32 $0x1, v1;
	_ =	sdelay $0x1  }
0x65: {  	s22 =	sand.u32 $0x70, s2;
	s23 =	sand.u32 $0xC00, s2  }
0x66: {  	s22 =	sor.u32 s22, s23  }
0x67: {  	[tilespmem:s22+$0x10400] =	vst v2  }
0x68: {  	v2 =	vld.idx.msk [tilespmem:v3+s10+$0x0], $0xffff  }
0x69: {  	v3 =	vor.u32 $0x2, v1;
	_ =	sdelay $0x2  }
0x6a: {  	s23 =	sadd.s32 $0x10400, s22  }
0x6b: {  	[tilespmem:s23+$0x80] =	vst v2  }
0x6c: {  	v2 =	vld.idx.msk [tilespmem:v3+s10+$0x0], $0xffff  }
0x6d: {  	v3 =	vor.u32 $0x3, v1;
	_ =	sdelay $0x3  }
0x6e: {  	[tilespmem:s23+$0x100] =	vst v2  }
0x6f: {  	v2 =	vld.idx.msk [tilespmem:v3+s10+$0x0], $0xffff  }
0x70: {  	v3 =	vor.u32 $0x4, v1;
	_ =	sdelay $0x3  }
0x71: {  	[tilespmem:s23+$0x180] =	vst v2  }
0x72: {  	v2 =	vld.idx.msk [tilespmem:v3+s10+$0x0], $0xffff  }
0x73: {  	v3 =	vor.u32 $0x5, v1;
	_ =	sdelay $0x3  }
0x74: {  	[tilespmem:s23+$0x200] =	vst v2  }
0x75: {  	v2 =	vld.idx.msk [tilespmem:v3+s10+$0x0], $0xffff  }
0x76: {  	v3 =	vor.u32 $0x6, v1;
	_ =	sdelay $0x3  }
0x77: {  	[tilespmem:s23+$0x280] =	vst v2  }
0x78: {  	v2 =	vld.idx.msk [tilespmem:v3+s10+$0x0], $0xffff  }
0x79: {  	v3 =	vor.u32 $0x7, v1;
	_ =	sdelay $0x3  }
0x7a: {  	[tilespmem:s23+$0x300] =	vst v2  }
0x7b: {  	v2 =	vld.idx.msk [tilespmem:v3+s10+$0x0], $0xffff  }
0x7c: {  	v3 =	vor.u32 $0x8, v1;
	_ =	sdelay $0x1  }
0x7d: {  	s31 =	sor.u32 s2, s2  }
0x7e: {  	s23 =	sor.u32 $0x380, s31  }
0x7f: {  	[tilespmem:s23+$0x10400] =	vst v2  }
0x80: {  	v2 =	vld.idx.msk [tilespmem:v3+s10+$0x0], $0xffff  }
0x81: {  	v3 =	vor.u32 $0x9, v1;
	_ =	sdelay $0x3  }
0x82: {  	[tilespmem:s22+$0x11400] =	vst v2  }
0x83: {  	v2 =	vld.idx.msk [tilespmem:v3+s10+$0x0], $0xffff  }
0x84: {  	v3 =	vor.u32 $0xA, v1;
	_ =	sdelay $0x3  }
0x85: {  	[tilespmem:s22+$0x11480] =	vst v2  }
0x86: {  	v2 =	vld.idx.msk [tilespmem:v3+s10+$0x0], $0xffff  }
0x87: {  	v3 =	vor.u32 $0xB, v1;
	_ =	sdelay $0x3  }
0x88: {  	[tilespmem:s22+$0x11500] =	vst v2  }
0x89: {  	v2 =	vld.idx.msk [tilespmem:v3+s10+$0x0], $0xffff  }
0x8a: {  	v3 =	vor.u32 $0xC, v1;
	_ =	sdelay $0x3  }
0x8b: {  	[tilespmem:s22+$0x11580] =	vst v2  }
0x8c: {  	v2 =	vld.idx.msk [tilespmem:v3+s10+$0x0], $0xffff  }
0x8d: {  	v3 =	vor.u32 $0xD, v1;
	_ =	sdelay $0x3  }
0x8e: {  	[tilespmem:s22+$0x11600] =	vst v2  }
0x8f: {  	v2 =	vld.idx.msk [tilespmem:v3+s10+$0x0], $0xffff  }
0x90: {  	v3 =	vor.u32 $0xE, v1;
	_ =	sdelay $0x3  }
0x91: {  	[tilespmem:s22+$0x11680] =	vst v2  }
0x92: {  	v2 =	vld.idx.msk [tilespmem:v3+s10+$0x0], $0xffff  }
0x93: {  	v3 =	vor.u32 $0xF, v1;
	_ =	sdelay $0x3  }
0x94: {  	[tilespmem:s22+$0x11700] =	vst v2  }
0x95: {  	v2 =	vld.idx.msk [tilespmem:v3+s10+$0x0], $0xffff  }
0x96: {  	v3 =	vor.u32 $0x10, v1;
	_ =	sdelay $0x3  }
0x97: {  	[tilespmem:s22+$0x11780] =	vst v2  }
0x98: {  	v2 =	vld.idx.msk [tilespmem:v3+s10+$0x0], $0xffff  }
0x99: {  	v3 =	vor.u32 $0x11, v1;
	_ =	sdelay $0x3  }
0x9a: {  	[tilespmem:s22+$0x12400] =	vst v2  }
0x9b: {  	v2 =	vld.idx.msk [tilespmem:v3+s10+$0x0], $0xffff  }
0x9c: {  	v3 =	vor.u32 $0x12, v1;
	_ =	sdelay $0x3  }
0x9d: {  	[tilespmem:s22+$0x12480] =	vst v2  }
0x9e: {  	v2 =	vld.idx.msk [tilespmem:v3+s10+$0x0], $0xffff  }
0x9f: {  	v3 =	vor.u32 $0x13, v1;
	_ =	sdelay $0x3  }
0xa0: {  	[tilespmem:s22+$0x12500] =	vst v2  }
0xa1: {  	v2 =	vld.idx.msk [tilespmem:v3+s10+$0x0], $0xffff  }
0xa2: {  	v3 =	vor.u32 $0x14, v1;
	_ =	sdelay $0x3  }
0xa3: {  	[tilespmem:s22+$0x12580] =	vst v2  }
0xa4: {  	v2 =	vld.idx.msk [tilespmem:v3+s10+$0x0], $0xffff  }
0xa5: {  	v3 =	vor.u32 $0x15, v1;
	_ =	sdelay $0x3  }
0xa6: {  	[tilespmem:s22+$0x12600] =	vst v2  }
0xa7: {  	v2 =	vld.idx.msk [tilespmem:v3+s10+$0x0], $0xffff  }
0xa8: {  	v3 =	vor.u32 $0x16, v1;
	_ =	sdelay $0x3  }
0xa9: {  	[tilespmem:s22+$0x12680] =	vst v2  }
0xaa: {  	v2 =	vld.idx.msk [tilespmem:v3+s10+$0x0], $0xffff  }
0xab: {  	v3 =	vor.u32 $0x17, v1;
	_ =	sdelay $0x3  }
0xac: {  	[tilespmem:s22+$0x12700] =	vst v2  }
0xad: {  	v2 =	vld.idx.msk [tilespmem:v3+s10+$0x0], $0xffff  }
0xae: {  	v3 =	vor.u32 $0x18, v1;
	_ =	sdelay $0x3  }
0xaf: {  	[tilespmem:s22+$0x12780] =	vst v2  }
0xb0: {  	v2 =	vld.idx.msk [tilespmem:v3+s10+$0x0], $0xffff  }
0xb1: {  	v3 =	vor.u32 $0x19, v1;
	_ =	sdelay $0x3  }
0xb2: {  	[tilespmem:s22+$0x13400] =	vst v2  }
0xb3: {  	v2 =	vld.idx.msk [tilespmem:v3+s10+$0x0], $0xffff  }
0xb4: {  	v3 =	vor.u32 $0x1A, v1;
	_ =	sdelay $0x3  }
0xb5: {  	[tilespmem:s22+$0x13480] =	vst v2  }
0xb6: {  	v2 =	vld.idx.msk [tilespmem:v3+s10+$0x0], $0xffff  }
0xb7: {  	v3 =	vor.u32 $0x1B, v1;
	_ =	sdelay $0x3  }
0xb8: {  	[tilespmem:s22+$0x13500] =	vst v2  }
0xb9: {  	v2 =	vld.idx.msk [tilespmem:v3+s10+$0x0], $0xffff  }
0xba: {  	v3 =	vor.u32 $0x1C, v1;
	_ =	sdelay $0x3  }
0xbb: {  	[tilespmem:s22+$0x13580] =	vst v2  }
0xbc: {  	v2 =	vld.idx.msk [tilespmem:v3+s10+$0x0], $0xffff  }
0xbd: {  	v3 =	vor.u32 $0x1D, v1;
	_ =	sdelay $0x3  }
0xbe: {  	[tilespmem:s22+$0x13600] =	vst v2  }
0xbf: {  	v2 =	vld.idx.msk [tilespmem:v3+s10+$0x0], $0xffff  }
0xc0: {  	v3 =	vor.u32 $0x1E, v1;
	_ =	sdelay $0x3  }
0xc1: {  	[tilespmem:s22+$0x13680] =	vst v2  }
0xc2: {  	v2 =	vld.idx.msk [tilespmem:v3+s10+$0x0], $0xffff  }
0xc3: {  	v1 =	vor.u32 $0x1F, v1;
	_ =	sdelay $0x3  }
0xc4: {  	[tilespmem:s22+$0x13700] =	vst v2  }
0xc5: {  	s24 =	simm.s32 $0x0;
	s25 =	simm.s32 $0x0;
	s23 =	simm.s32 $0x10;
	v1 =	vld.idx.msk [tilespmem:v1+s10+$0x0], $0xffff  }
.LBB2_2:
0xc6: {  	_ =	sdelay $0x3  }
0xc7: {  	p0 =	sne.s32 s23, $0x1F0;
	s24 =	sadd.s32 $0x80, s24;
	s25 =	sadd.s32 $0x10, s25;
	[tilespmem:s22+$0x13780] =	vst v1  }
0xc8: {  	s26 =	smov.u32 s23;
	s23 =	sadd.s32 $0x10, s23;
	v1 =	vld [tilespmem:s25+$0x0];
	_ =	sdelay $0x3  }
0xc9: {  	v2 =	vmov s26  }
0xca: {  	v2 =	vshll.u32 v2, $0x7;
	v1 =	vshrl.u32 v1, $0x8  }
0xcb: {  	v2 =	vor.u32 v0, v2;
	v1 =	vand.u32 $0x60, v1  }
0xcc: {  	v1 =	vor.u32 v2, v1;
	_ =	sdelay $0x4  }
0xcd: {  	v2 =	vld.idx.msk [tilespmem:v1+s10+$0x0], $0xffff;
	_ =	sdelay $0x1  }
0xce: {  	v3 =	vor.u32 $0x1, v1;
	_ =	sdelay $0x1  }
0xcf: {  	s28 =	sand.u32 $0xC00, s24;
	s22 =	sand.u32 $0x70, s26  }
0xd0: {  	s22 =	sor.u32 s22, s28  }
0xd1: {  	[tilespmem:s22+$0x10400] =	vst v2  }
0xd2: {  	v2 =	vld.idx.msk [tilespmem:v3+s10+$0x0], $0xffff;
	_ =	sdelay $0x1  }
0xd3: {  	v3 =	vor.u32 $0x2, v1;
	_ =	sdelay $0x2  }
0xd4: {  	s28 =	sadd.s32 $0x10400, s22  }
0xd5: {  	[tilespmem:s28+$0x80] =	vst v2  }
0xd6: {  	v2 =	vld.idx.msk [tilespmem:v3+s10+$0x0], $0xffff;
	_ =	sdelay $0x1  }
0xd7: {  	v3 =	vor.u32 $0x3, v1;
	_ =	sdelay $0x3  }
0xd8: {  	[tilespmem:s28+$0x100] =	vst v2  }
0xd9: {  	v2 =	vld.idx.msk [tilespmem:v3+s10+$0x0], $0xffff;
	_ =	sdelay $0x1  }
0xda: {  	v3 =	vor.u32 $0x4, v1;
	_ =	sdelay $0x3  }
0xdb: {  	[tilespmem:s28+$0x180] =	vst v2  }
0xdc: {  	v2 =	vld.idx.msk [tilespmem:v3+s10+$0x0], $0xffff;
	_ =	sdelay $0x1  }
0xdd: {  	v3 =	vor.u32 $0x5, v1;
	_ =	sdelay $0x3  }
0xde: {  	[tilespmem:s28+$0x200] =	vst v2  }
0xdf: {  	v2 =	vld.idx.msk [tilespmem:v3+s10+$0x0], $0xffff;
	_ =	sdelay $0x1  }
0xe0: {  	v3 =	vor.u32 $0x6, v1;
	_ =	sdelay $0x3  }
0xe1: {  	[tilespmem:s28+$0x280] =	vst v2  }
0xe2: {  	v2 =	vld.idx.msk [tilespmem:v3+s10+$0x0], $0xffff;
	_ =	sdelay $0x1  }
0xe3: {  	v3 =	vor.u32 $0x7, v1;
	_ =	sdelay $0x3  }
0xe4: {  	[tilespmem:s28+$0x300] =	vst v2  }
0xe5: {  	v2 =	vld.idx.msk [tilespmem:v3+s10+$0x0], $0xffff;
	_ =	sdelay $0x1  }
0xe6: {  	v3 =	vor.u32 $0x8, v1;
	_ =	sdelay $0x1  }
0xe7: {  	s26 =	sor.u32 s24, s26  }
0xe8: {  	s26 =	sor.u32 $0x380, s26  }
0xe9: {  	[tilespmem:s26+$0x10400] =	vst v2  }
0xea: {  	v2 =	vld.idx.msk [tilespmem:v3+s10+$0x0], $0xffff;
	_ =	sdelay $0x1  }
0xeb: {  	v3 =	vor.u32 $0x9, v1;
	_ =	sdelay $0x3  }
0xec: {  	[tilespmem:s22+$0x11400] =	vst v2  }
0xed: {  	v2 =	vld.idx.msk [tilespmem:v3+s10+$0x0], $0xffff;
	_ =	sdelay $0x1  }
0xee: {  	v3 =	vor.u32 $0xA, v1;
	_ =	sdelay $0x3  }
0xef: {  	[tilespmem:s22+$0x11480] =	vst v2  }
0xf0: {  	v2 =	vld.idx.msk [tilespmem:v3+s10+$0x0], $0xffff;
	_ =	sdelay $0x1  }
0xf1: {  	v3 =	vor.u32 $0xB, v1;
	_ =	sdelay $0x3  }
0xf2: {  	[tilespmem:s22+$0x11500] =	vst v2  }
0xf3: {  	v2 =	vld.idx.msk [tilespmem:v3+s10+$0x0], $0xffff;
	_ =	sdelay $0x1  }
0xf4: {  	v3 =	vor.u32 $0xC, v1;
	_ =	sdelay $0x3  }
0xf5: {  	[tilespmem:s22+$0x11580] =	vst v2  }
0xf6: {  	v2 =	vld.idx.msk [tilespmem:v3+s10+$0x0], $0xffff;
	_ =	sdelay $0x1  }
0xf7: {  	v3 =	vor.u32 $0xD, v1;
	_ =	sdelay $0x3  }
0xf8: {  	[tilespmem:s22+$0x11600] =	vst v2  }
0xf9: {  	v2 =	vld.idx.msk [tilespmem:v3+s10+$0x0], $0xffff;
	_ =	sdelay $0x1  }
0xfa: {  	v3 =	vor.u32 $0xE, v1;
	_ =	sdelay $0x3  }
0xfb: {  	[tilespmem:s22+$0x11680] =	vst v2  }
0xfc: {  	v2 =	vld.idx.msk [tilespmem:v3+s10+$0x0], $0xffff;
	_ =	sdelay $0x1  }
0xfd: {  	v3 =	vor.u32 $0xF, v1;
	_ =	sdelay $0x3  }
0xfe: {  	[tilespmem:s22+$0x11700] =	vst v2  }
0xff: {  	v2 =	vld.idx.msk [tilespmem:v3+s10+$0x0], $0xffff;
	_ =	sdelay $0x1  }
0x100: {  	v3 =	vor.u32 $0x10, v1;
	_ =	sdelay $0x3  }
0x101: {  	[tilespmem:s22+$0x11780] =	vst v2  }
0x102: {  	v2 =	vld.idx.msk [tilespmem:v3+s10+$0x0], $0xffff;
	_ =	sdelay $0x1  }
0x103: {  	v3 =	vor.u32 $0x11, v1;
	_ =	sdelay $0x3  }
0x104: {  	[tilespmem:s22+$0x12400] =	vst v2  }
0x105: {  	v2 =	vld.idx.msk [tilespmem:v3+s10+$0x0], $0xffff;
	_ =	sdelay $0x1  }
0x106: {  	v3 =	vor.u32 $0x12, v1;
	_ =	sdelay $0x3  }
0x107: {  	[tilespmem:s22+$0x12480] =	vst v2  }
0x108: {  	v2 =	vld.idx.msk [tilespmem:v3+s10+$0x0], $0xffff;
	_ =	sdelay $0x1  }
0x109: {  	v3 =	vor.u32 $0x13, v1;
	_ =	sdelay $0x3  }
0x10a: {  	[tilespmem:s22+$0x12500] =	vst v2  }
0x10b: {  	v2 =	vld.idx.msk [tilespmem:v3+s10+$0x0], $0xffff;
	_ =	sdelay $0x1  }
0x10c: {  	v3 =	vor.u32 $0x14, v1;
	_ =	sdelay $0x3  }
0x10d: {  	[tilespmem:s22+$0x12580] =	vst v2  }
0x10e: {  	v2 =	vld.idx.msk [tilespmem:v3+s10+$0x0], $0xffff;
	_ =	sdelay $0x1  }
0x10f: {  	v3 =	vor.u32 $0x15, v1;
	_ =	sdelay $0x3  }
0x110: {  	[tilespmem:s22+$0x12600] =	vst v2  }
0x111: {  	v2 =	vld.idx.msk [tilespmem:v3+s10+$0x0], $0xffff;
	_ =	sdelay $0x1  }
0x112: {  	v3 =	vor.u32 $0x16, v1;
	_ =	sdelay $0x3  }
0x113: {  	[tilespmem:s22+$0x12680] =	vst v2  }
0x114: {  	v2 =	vld.idx.msk [tilespmem:v3+s10+$0x0], $0xffff;
	_ =	sdelay $0x1  }
0x115: {  	v3 =	vor.u32 $0x17, v1;
	_ =	sdelay $0x3  }
0x116: {  	[tilespmem:s22+$0x12700] =	vst v2  }
0x117: {  	v2 =	vld.idx.msk [tilespmem:v3+s10+$0x0], $0xffff;
	_ =	sdelay $0x1  }
0x118: {  	v3 =	vor.u32 $0x18, v1;
	_ =	sdelay $0x3  }
0x119: {  	[tilespmem:s22+$0x12780] =	vst v2  }
0x11a: {  	v2 =	vld.idx.msk [tilespmem:v3+s10+$0x0], $0xffff;
	_ =	sdelay $0x1  }
0x11b: {  	v3 =	vor.u32 $0x19, v1;
	_ =	sdelay $0x3  }
0x11c: {  	[tilespmem:s22+$0x13400] =	vst v2  }
0x11d: {  	v2 =	vld.idx.msk [tilespmem:v3+s10+$0x0], $0xffff;
	_ =	sdelay $0x1  }
0x11e: {  	v3 =	vor.u32 $0x1A, v1;
	_ =	sdelay $0x3  }
0x11f: {  	[tilespmem:s22+$0x13480] =	vst v2  }
0x120: {  	v2 =	vld.idx.msk [tilespmem:v3+s10+$0x0], $0xffff;
	_ =	sdelay $0x1  }
0x121: {  	v3 =	vor.u32 $0x1B, v1;
	_ =	sdelay $0x3  }
0x122: {  	[tilespmem:s22+$0x13500] =	vst v2  }
0x123: {  	v2 =	vld.idx.msk [tilespmem:v3+s10+$0x0], $0xffff;
	_ =	sdelay $0x1  }
0x124: {  	v3 =	vor.u32 $0x1C, v1;
	_ =	sdelay $0x3  }
0x125: {  	[tilespmem:s22+$0x13580] =	vst v2  }
0x126: {  	v2 =	vld.idx.msk [tilespmem:v3+s10+$0x0], $0xffff;
	_ =	sdelay $0x1  }
0x127: {  	v3 =	vor.u32 $0x1D, v1;
	_ =	sdelay $0x3  }
0x128: {  	[tilespmem:s22+$0x13600] =	vst v2  }
0x129: {  	v2 =	vld.idx.msk [tilespmem:v3+s10+$0x0], $0xffff;
	_ =	sdelay $0x1  }
0x12a: {  	v3 =	vor.u32 $0x1E, v1;
	_ =	sdelay $0x3  }
0x12b: {  	[tilespmem:s22+$0x13680] =	vst v2  }
0x12c: {  	v2 =	vld.idx.msk [tilespmem:v3+s10+$0x0], $0xffff;
	_ =	sdelay $0x1  }
0x12d: {  	v1 =	vor.u32 $0x1F, v1  }
.Ltmp0:
0x12e: {  	(pc) =	sbr.rel @p0 .LBB2_2-.Ltmp0, $3  }
0x12f: {  	_ =	sdelay $0x1  }
0x130: {  	[tilespmem:s22+$0x13700] =	vst v2  }
0x131: {  	v1 =	vld.idx.msk [tilespmem:v1+s10+$0x0], $0xffff  }
0x132: {  	_ =	sdelay $0x1  }
0x133: {  	s21 =	sadd.s32 $0x1, s21  }
0x134: {  	p0 =	sne.s32 s21, s6  }
.Ltmp1:
0x135: {  	[tilespmem:s22+$0x13780] =	vst v1;
	(pc) =	sbr.rel @p0 .LBB2_1-.Ltmp1, $4  }
0x136: {  	[hbm4b:s5+s18] =	stream.strided.scatter [tilespmem:s20], [sflag:$0x2], $0x4000, s19, s18, $0x38;
	[tilespmem:$0x14400] =	vst v63  }
0x137: {  	_ =	swait.ge [sflag:s7], $0x4000  }
0x138: {  	[sflag:s7] =	ssyncset.done $0x0  }
0x139: {  	[sflag:s7] =	ssyncadd.s32 $0xFFFFC000  }
0x13a: {  	_ =	sfence.sel $0x180000  }
0x13b: {  	[bflag:$0x0] =	sbarrier.arrive $0xFFFF  }
0x13c: {  	p0 =	sne.s32 s1, $0x0;
	_ =	strace $0x90000047  }
0x13d: {  	s0 =	sadd.s32 @!p0 $0x100000, s0;
	[bflag:$0x2] =	sbarrier.arrive $0xFFFF  }
0x13e: {  	[sflag:s0] =	ssyncadd.tile.s32 @!p0 $0x1;
	_ =	shalt  }
.Lfunc_end2:
_tile_overlayer_lowered:
.L_overlay_start_2:
0x13f: {  	(tag) =	ssettag $0x2  }
0x140: {  	s0 =	rddreg [dreg:$0x0];
	s2 =	stileid.u32  }
0x141: {  	s1 =	rddreg [dreg:$0x1];
	p0 =	sne.s32 s2, $0x0  }
0x142: {  	s3 =	rddreg [dreg:$0x2];
	[bflag:$0x3] =	sbarrier.arrive $0xFFFF;
	s2 =	simm.s32 @!p0 $0x1C02  }
0x143: {  	[timem:s3], [sflag:s2] =	dma.local @!p0 [hbm:s0], s1  }
0x144: {  	s0 =	simm.s32 @!p0 $0x2  }
0x145: {  	_ =	swait.ge @!p0 [sflag:s0], s1  }
0x146: {  	s1 =	ssub.s32 @!p0 $0x0, s1;
	[sflag:s0] =	ssyncset.done @!p0 $0x0  }
0x147: {  	[sflag:s0] =	ssyncadd.s32 @!p0 s1  }
0x148: {  	[bflag:$0x3] =	sbarrier.arrive $0xFFFF  }
0x149: {  	_ =	shalt  }

// kernel: kernel.7.cloned.1.call-start
scs
__scs_entry_jumppad:
0x0: {  	(pc) =	sbr.rel $0x88, $3  }
0x1: {  	(tag) =	ssettag $0x0;
	lr =	simm.s32 $0x1  }
0x2: {  	[smem:$0x3F97] =	sst lr;
	_ =	strace $0xD0000000  }
0x3: {  	_ = 	snop  }
0x4: {  	_ = 	snop  }
0x5: {  	_ = 	snop  }
0x6: {  	_ = 	snop  }
0x7: {  	_ = 	snop  }
__scs_overlays_trampoline_lowered:
0x8: {  	[smem:$0x3FA6] =	sst s0  }
0x9: {  	[smem:$0x3FA7] =	sst s1  }
0xa: {  	[smem:$0x3FA8] =	sst s2  }
0xb: {  	[smem:$0x3FA9] =	sst s3  }
0xc: {  	[smem:$0x3FAA] =	sst s4  }
0xd: {  	[smem:$0x3FAB] =	sst s5  }
0xe: {  	[smem:$0x3FAC] =	sst s6  }
0xf: {  	[smem:$0x3FAD] =	sst s7  }
0x10: {  	[smem:$0x3FAE] =	sst s8  }
0x11: {  	[smem:$0x3FAF] =	sst s9;
	s0 =	simm.s32 @!p0 $0x0  }
0x12: {  	s1 =	sld [smem:$0x3F95];
	s0 =	simm.s32 @p0 $0x1  }
0x13: {  	[smem:$0x3FB0] =	sst s0;
	s0 =	simm.s32 @!p1 $0x0  }
0x14: {  	s2 =	sld [smem:$0x3F94];
	s0 =	simm.s32 @p1 $0x1  }
0x15: {  	[smem:$0x3FB1] =	sst s0;
	s0 =	simm.s32 @!p2 $0x0  }
0x16: {  	s3 =	sld [smem:$0x3FDB];
	s0 =	simm.s32 @p2 $0x1  }
0x17: {  	s4 =	simm.s32 $0x1BF5;
	[smem:$0x3FB3] =	sst s0  }
0x18: {  	s0 =	sld [smem:$0x3F96];
	_ =	swait.ge [sflag:s4], $0x0  }
0x19: {  	s7 =	sld [smem:$0x3F97]  }
0x1a: {  	s8 =	sadd.s32 $0xFFFFE003, lr  }
0x1b: {  	s9 =	sadd.s32 $0xFFFFFEF7, lr;
	s5 =	simm.s32 $0xFFFFFFFF;
	p2 =	slt.u32 s8, $0xFFFFF086  }
0x1c: {  	p1 =	slt.u32 s9, $0xF7A;
	s5 =	simm.s32 @!p2 $0x0  }
0x1d: {  	s5 =	simm.s32 @p1 $0x1;
	p0 =	seq.s32 s7, s2  }
0x1e: {  	s7 =	smul.u32 @!p0 $0xF7A, s2;
	p2 =	seq.s32 @!p0 s5, $0x0  }
0x1f: {  	s9 =	smul.u32 $0xF7A, s1;
	s8 =	simm.s32 @!p0 $0x1BF5;
	p2 =	por !p2, p0  }
0x20: {  	[sflag:s8] =	ssyncset.s32 @!p0 $0xFFFFF086;
	s6 =	sadd.s32 @!p0 s3, s7;
	s7 =	simm.s32 @!p0 $0x108  }
0x21: {  	s3 =	sadd.s32 s3, s9;
	s6 =	sadd.s32 @!p0 $0x88, s6;
	s7 =	simm.s32 @p2 $0x1082  }
0x22: {  	[simem:s7], [sflag:s8] =	dma.local @!p0 [hbm:s6], $0xF7A  }
0x23: {  	s9 =	sor.u32 $0xD0000000, s2;
	s6 =	simm.s32 $0x108;
	_ =	swait.ge @!p0 [sflag:s8], $0x0  }
0x24: {  	s3 =	sadd.s32 $0x88, s3;
	s6 =	simm.s32 @!p1 $0x1082;
	[sflag:s4] =	ssyncset.s32 $0xFFFFF086  }
0x25: {  	[simem:s6], [sflag:s4] =	dma.local [hbm:s3], $0xF7A  }
0x26: {  	[smem:$0x3F97] =	sst s1;
	(tag) =	ssettag s2;
	_ =	strace s9  }
0x27: {  	s1 =	sld [smem:$0x3FA7]  }
0x28: {  	s2 =	sld [smem:$0x3FA8]  }
0x29: {  	s4 =	sld [smem:$0x3FAA]  }
0x2a: {  	p0 =	seq.s32 s5, $0x0;
	s5 =	sld [smem:$0x3FAB]  }
0x2b: {  	s6 =	sld [smem:$0x3FAC]  }
0x2c: {  	s7 =	sld [smem:$0x3FAD]  }
0x2d: {  	s3 =	simm.s32 $0x108;
	s8 =	sld [smem:$0x3FAE]  }
0x2e: {  	s3 =	simm.s32 @!p0 $0x1082;
	s9 =	sld [smem:$0x3FAF]  }
0x2f: {  	lr =	sadd.s32 s0, s3;
	s0 =	sld [smem:$0x3FA6]  }
0x30: {  	s3 =	sld [smem:$0x3FA9]  }
0x31: {  	[smem:$0x3FB2] =	sst s10  }
0x32: {  	s10 =	sld [smem:$0x3FB0];
	_ =	sdelay $0x3  }
0x33: {  	p0 =	seq.s32 s10, $0x1;
	s10 =	sld [smem:$0x3FB2];
	_ =	sdelay $0x3  }
0x34: {  	[smem:$0x3FB2] =	sst s10  }
0x35: {  	s10 =	sld [smem:$0x3FB1];
	_ =	sdelay $0x3  }
0x36: {  	p1 =	seq.s32 s10, $0x1;
	s10 =	sld [smem:$0x3FB2];
	_ =	sdelay $0x3  }
0x37: {  	[smem:$0x3FB2] =	sst s10  }
0x38: {  	s10 =	sld [smem:$0x3FB3]  }
0x39: {  	_ = 	snop;
	(pc) =	sbr.ind lr, $3  }
0x3a: {  	_ = 	snop  }
0x3b: {  	_ = 	snop  }
0x3c: {  	p2 =	seq.s32 s10, $0x1;
	s10 =	sld [smem:$0x3FB2]  }
0x3d: {  	_ =	shalt  }
0x3e: {  	_ =	shalt  }
0x3f: {  	_ =	shalt  }
0x40: {  	_ =	shalt  }
0x41: {  	_ =	shalt  }
0x42: {  	_ =	shalt  }
0x43: {  	_ =	shalt  }
0x44: {  	_ =	shalt  }
0x45: {  	_ =	shalt  }
0x46: {  	_ =	shalt  }
0x47: {  	_ =	shalt  }
0x48: {  	_ =	shalt  }
0x49: {  	_ =	shalt  }
0x4a: {  	_ =	shalt  }
0x4b: {  	_ =	shalt  }
0x4c: {  	_ =	shalt  }
0x4d: {  	_ =	shalt  }
0x4e: {  	_ =	shalt  }
0x4f: {  	_ =	shalt  }
0x50: {  	_ =	shalt  }
0x51: {  	_ =	shalt  }
0x52: {  	_ =	shalt  }
0x53: {  	_ =	shalt  }
0x54: {  	_ =	shalt  }
0x55: {  	_ =	shalt  }
0x56: {  	_ =	shalt  }
0x57: {  	_ =	shalt  }
0x58: {  	_ =	shalt  }
0x59: {  	_ =	shalt  }
0x5a: {  	_ =	shalt  }
0x5b: {  	_ =	shalt  }
0x5c: {  	_ =	shalt  }
0x5d: {  	_ =	shalt  }
0x5e: {  	_ =	shalt  }
0x5f: {  	_ =	shalt  }
0x60: {  	_ =	shalt  }
0x61: {  	_ =	shalt  }
0x62: {  	_ =	shalt  }
0x63: {  	_ =	shalt  }
0x64: {  	_ =	shalt  }
0x65: {  	_ =	shalt  }
0x66: {  	_ =	shalt  }
0x67: {  	_ =	shalt  }
0x68: {  	_ =	shalt  }
0x69: {  	_ =	shalt  }
0x6a: {  	_ =	shalt  }
0x6b: {  	_ =	shalt  }
0x6c: {  	_ =	shalt  }
0x6d: {  	_ =	shalt  }
0x6e: {  	_ =	shalt  }
0x6f: {  	_ =	shalt  }
0x70: {  	_ =	shalt  }
0x71: {  	_ =	shalt  }
0x72: {  	_ =	shalt  }
0x73: {  	_ =	shalt  }
0x74: {  	_ =	shalt  }
0x75: {  	_ =	shalt  }
0x76: {  	_ =	shalt  }
0x77: {  	_ =	shalt  }
0x78: {  	_ =	shalt  }
0x79: {  	_ =	shalt  }
0x7a: {  	_ =	shalt  }
0x7b: {  	_ =	shalt  }
0x7c: {  	_ =	shalt  }
0x7d: {  	_ =	shalt  }
0x7e: {  	_ =	shalt  }
0x7f: {  	_ =	shalt  }
0x80: {  	_ =	shalt  }
0x81: {  	_ =	shalt  }
0x82: {  	_ =	shalt  }
0x83: {  	_ =	shalt  }
0x84: {  	_ =	shalt  }
0x85: {  	_ =	shalt  }
0x86: {  	_ =	shalt  }
0x87: {  	_ =	shalt  }
.Lfunc_end0:
.L_simem_size_0:
called_computation_lowered:
.L_overlay_start_0:
0x88: {  	s2 =	sld [smem:$0x3FD9]  }
0x89: {  	s3 =	sld [smem:$0x3FFE];
	_ =	sdelay $0x1  }
0x8a: {  	s1 =	srdreg.scid  }
0x8b: {  	s0 =	sand.u32 $0x1, s1  }
0x8c: {  	s17 =	sshll.u32 s0, $0xA;
	s2 =	sadd.s32 s3, s2  }
0x8d: {  	s2 =	sadd.s32 s2, s17  }
0x8e: {  	[smem:$0x3FBE] =	sst s2  }
0x8f: {  	_ = 	snop  }
0x90: {  	s18 =	sld [smem:$0x3FC9];
	(tm) =	ssettm $0x1  }
0x91: {  	s19 =	sld [smem:$0x3FFB];
	_ =	sdelay $0x3  }
0x92: {  	_ =	strace s19  }
0x93: {  	s2 =	sld [smem:$0x3FFC];
	_ =	sdelay $0x3  }
0x94: {  	_ =	strace s2  }
0x95: {  	s2 =	sld [smem:$0x3FFD];
	_ =	sdelay $0x3  }
0x96: {  	_ =	strace s2  }
0x97: {  	_ =	strace $0x8FFFFFFF  }
0x98: {  	s20 =	sld [smem:$0x3FDB];
	_ =	sdelay $0x1  }
0x99: {  	s4 =	simm.s32 $_scs_section_size  }
0x9a: {  	s5 =	simm.s32 $_size__tile_overlayer_lowered;
	s6 =	simm.s32 $_tile_overlayer_lowered  }
0x9b: {  	s7 =	simm.s32 $0x1BFF;
	s21 =	sshll.u32 s6, $0x1;
	s4 =	sadd.s32 s4, s20  }
0x9c: {  	s22 =	simm.s32 $0x0;
	s5 =	sshll.u32 s5, $0x1;
	s6 =	sadd.s32 s21, s4  }
0x9d: {  	[timem:s22], [sflag:s7] =	dma.local [hbm:s6], s5  }
0x9e: {  	_ =	swait.ge [sflag:s7], s5  }
0x9f: {  	s5 =	ssub.s32 $0x0, s5;
	[sflag:s7] =	ssyncset.done $0x0  }
0xa0: {  	[sflag:s7] =	ssyncadd.s32 s5;
	_ =	sdelay $0x1  }
0xa1: {  	s23 =	simm.s32 $0x1B8B  }
0xa2: {  	_ =	swait.ge [sflag:s23], $0x1  }
0xa3: {  	[sflag:s23] =	ssyncset.done $0x0  }
0xa4: {  	[sflag:s23] =	ssyncadd.s32 $0xFFFFFFFF  }
0xa5: {  	s5 =	sld [smem:$0x0]  }
0xa6: {  	s6 =	sand.u32 $0xFFFFFFFE, s1  }
0xa7: {  	p0 =	sne.s32 s1, s6  }
0xa8: {  	s6 =	sshll.u32 @p0 s6, $0xE  }
0xa9: {  	s6 =	sadd.s32 @p0 $0x11B8D, s6;
	s7 =	sshll.u32 @p0 s5, $0x11  }
0xaa: {  	s6 =	sor.u32 @p0 s7, s6  }
0xab: {  	[sflag:s6] =	ssyncadd.remote.s32 @p0 $0x1;
	_ =	sdelay $0x1  }
0xac: {  	s6 =	simm.s32 @p0 $0x1B8D  }
0xad: {  	_ =	swait.eq @p0 [sflag:s6], $0x1  }
0xae: {  	[sflag:s6] =	ssyncadd.s32 @p0 $0xFFFFFFFF  }
0xaf: {  	s7 =	sshll.u32 @!p0 s1, $0xE  }
0xb0: {  	s7 =	sor.u32 @!p0 $0x4000, s7;
	s6 =	simm.s32 @!p0 $0x1B8D  }
0xb1: {  	s5 =	sshll.u32 @!p0 s5, $0x11;
	s7 =	sadd.s32 @!p0 $0x11B8D, s7;
	_ =	swait.eq @!p0 [sflag:s6], $0x1  }
0xb2: {  	s5 =	sor.u32 @!p0 s5, s7;
	[sflag:s6] =	ssyncadd.s32 @!p0 $0xFFFFFFFF  }
0xb3: {  	s25 =	simm.s32 $0x1B8E;
	s24 =	sld [smem:$0x3FFE];
	[sflag:s5] =	ssyncadd.remote.s32 @!p0 $0x1  }
0xb4: {  	s26 =	simm.s32 $execute0_lowered;
	[smem:$0x3FD2] =	sst s25  }
0xb5: {  	s6 =	sshll.u32 s26, $0x1;
	_ =	strace $0x80000049;
	[dreg:$0x1] =	wrdreg $0xFFFFFFFF  }
0xb6: {  	s28 =	simm.s32 $_size_execute0_lowered;
	s4 =	sadd.s32 s4, s6;
	[dreg:$0x0] =	wrdreg $0x0  }
0xb7: {  	s6 =	sshll.u32 s28, $0x1;
	[dreg:$0x2] =	wrdreg s4  }
0xb8: {  	[dreg:$0x3] =	wrdreg s6  }
0xb9: {  	[dreg:$0x4] =	wrdreg $0xC0  }
0xba: {  	_ =	task [dreg:s22], $0x5FFFF  }
0xbb: {  	[dreg:$0x1] =	wrdreg $0xFFFFFFFF  }
0xbc: {  	[dreg:$0x0] =	wrdreg $0x60  }
0xbd: {  	[dreg:$0x2] =	wrdreg s18  }
0xbe: {  	[dreg:$0x3] =	wrdreg s24  }
0xbf: {  	[dreg:$0x4] =	wrdreg $0x9  }
0xc0: {  	_ =	task.clear_ibuf [dreg:s22], $0x5FFFF;
	_ =	strace $0x90000049  }
0xc1: {  	s29 =	simm.s32 $0x9;
	_ =	strace $0x8000004B  }
0xc2: {  	_ =	swait.ge [sflag:s29], $0x1  }
0xc3: {  	[sflag:s29] =	ssyncadd.s32 $0xFFFFFFFF  }
0xc4: {  	_ =	strace $0x9000004B  }
0xc5: {  	_ =	sfence  }
0xc6: {  	s30 =	sld [smem:$0x0];
	_ =	sdelay $0x2  }
0xc7: {  	s31 =	sshll.u32 s1, $0xD;
	s1 =	sshrl.u32 s1, $0x2  }
0xc8: {  	s4 =	sand.u32 $0x4000, s31;
	s1 =	sadd.s32 s1, s30  }
0xc9: {  	s0 =	sor.u32 s4, s0;
	s1 =	sshll.u32 s1, $0x11  }
0xca: {  	s0 =	sor.u32 s1, s0  }
0xcb: {  	s0 =	sadd.s32 $0x8F2B, s0  }
0xcc: {  	[sflag:s0] =	ssyncadd.remote.s32 $0x1  }
0xcd: {  	_ =	sfence.sel $0xFFFF  }
0xce: {  	[dreg:$0x0] =	wrdreg $0xFFFFFFFF;
	(pc) =	sbr.abs _section_cstart, $3  }
0xcf: {  	[dreg:$0x1] =	wrdreg $0xFFFFFFFF  }
0xd0: {  	_ =	task.clear_ibuf [dreg:s22], $0x2FFFF;
	_ =	strace $0x9FFFFFFF  }
0xd1: {  	(tm) =	ssettm $0x7FFFFFFF  }
tec
execute0_lowered:
.L_overlay_start_1:
0x0: {  	(tag) =	ssettag $0x1  }
0x1: {  	s4 =	rddreg [dreg:$0x0]  }
0x2: {  	s5 =	rddreg [dreg:$0x1]  }
0x3: {  	s0 =	rddreg [dreg:$0x2]  }
0x4: {  	s2 =	simm.s32 $0x0;
	s3 =	srdreg.scid;
	s1 =	stileid.u32  }
0x5: {  	s9 =	simm.s32 $0x200;
	s10 =	simm.s32 $0x400;
	s11 =	simm.s32 $0x280  }
0x6: {  	s12 =	simm.s32 $0x4400;
	s13 =	simm.s32 $0x300;
	s14 =	simm.s32 $0x8400  }
0x7: {  	s15 =	simm.s32 $0x380;
	s16 =	simm.s32 $0xC400;
	s17 =	simm.s32 $0x1  }
0x8: {  	s18 =	simm.s32 $0x1000;
	s19 =	simm.s32 $0x20000;
	s20 =	simm.s32 $0x10400  }
0x9: {  	s21 =	simm.s32 $0x0;
	[smem:$0x7FF] =	sst s2;
	s3 =	sand.u32 $0x1, s3  }
0xa: {  	s6 =	sshll.u32 s1, $0xA;
	_ =	strace $0x8000004A;
	s7 =	sshll.u32 s3, $0x9  }
0xb: {  	s8 =	ssub.s32 $0x2, s3;
	s3 =	sadd.s32 $0x3F1600, s5;
	s6 =	sor.u32 s7, s6  }
0xc: {  	s31 =	sshrl.u32 s8, $0x1;
	s5 =	sadd.s32 s6, s5;
	s6 =	sshrl.u32 s6, $0x3  }
0xd: {  	v0 =	vlaneseq.u32;
	s7 =	ssub.s32 s8, s31;
	s8 =	simm.s32 $0x80;
	s4 =	sadd.s32 s4, s6  }
0xe: {  	v0 =	vmul.u32 $0x80, v0;
	s5 =	sadd.s32 $0x7D1600, s5;
	s6 =	smax.u32 s7, $0x1;
	s7 =	simm.s32 $0x2  }
.LBB2_1:
0xf: {  	[tilespmem:s2], [sflag:$0x2] =	stream.linear.gather [hbm4b:s4+s2], $0x200, $0x38;
	[tilespmem:$0x14400] =	vst v63  }
0x10: {  	_ =	swait.ge [sflag:s7], $0x200  }
0x11: {  	[sflag:s7] =	ssyncset.done $0x0  }
0x12: {  	[sflag:s7] =	ssyncadd.s32 $0xFFFFFE00  }
0x13: {  	v1 =	vld [tilespmem:$0x0]  }
0x14: {  	v2 =	vld [tilespmem:$0x10]  }
0x15: {  	v3 =	vld [tilespmem:$0x20]  }
0x16: {  	v4 =	vld [tilespmem:$0x30]  }
0x17: {  	v6 =	vld [tilespmem:$0x40]  }
0x18: {  	v8 =	vld [tilespmem:$0x50]  }
0x19: {  	v9 =	vld [tilespmem:$0x60]  }
0x1a: {  	v39 =	vld [tilespmem:$0x70]  }
0x1b: {  	v11 =	vld [tilespmem:$0x80]  }
0x1c: {  	v12 =	vld [tilespmem:$0x90]  }
0x1d: {  	v44 =	vld [tilespmem:$0xA0]  }
0x1e: {  	v14 =	vld [tilespmem:$0xB0];
	v5 =	vshra.s32 v1, $0x2  }
0x1f: {  	v15 =	vld [tilespmem:$0xC0];
	v1 =	vand.u32 $0x1FFF, v1;
	v7 =	vshra.s32 v2, $0x2;
	v37 =	vshra.s32 v3, $0x2  }
0x20: {  	v49 =	vld [tilespmem:$0xD0];
	v2 =	vand.u32 $0x1FFF, v2;
	v3 =	vand.u32 $0x1FFF, v3;
	v38 =	vshra.s32 v4, $0x2  }
0x21: {  	v16 =	vld [tilespmem:$0xE0];
	v4 =	vand.u32 $0x1FFF, v4;
	v10 =	vshra.s32 v6, $0x2;
	v41 =	vshra.s32 v8, $0x2  }
0x22: {  	v55 =	vld [tilespmem:$0xF0];
	v6 =	vand.u32 $0x1FFF, v6;
	v8 =	vand.u32 $0x1FFF, v8;
	v43 =	vshra.s32 v9, $0x2  }
0x23: {  	v57 =	vld [tilespmem:$0x100];
	v9 =	vand.u32 $0x1FFF, v9;
	v13 =	vshra.s32 v39, $0x2;
	v46 =	vshra.s32 v11, $0x2  }
0x24: {  	v60 =	vld [tilespmem:$0x110];
	v11 =	vand.u32 $0x1FFF, v11;
	v48 =	vshra.s32 v12, $0x2;
	v50 =	vand.u32 $0x1FFF, v12  }
0x25: {  	v17 =	vld [tilespmem:$0x120];
	v51 =	vshra.s32 v44, $0x2;
	v52 =	vshra.s32 v14, $0x2;
	v54 =	vand.u32 $0x1FFF, v14  }
0x26: {  	v56 =	vshra.s32 v15, $0x2;
	v58 =	vand.u32 $0x1FFF, v15;
	v59 =	vshra.s32 v49, $0x2  }
0x27: {  	v62 =	vshra.s32 v16, $0x2;
	v63 =	vand.u32 $0x1FFF, v49;
	v16 =	vand.u32 $0x1FFF, v16  }
0x28: {  	v18 =	vshra.s32 v55, $0x2;
	v20 =	vand.u32 $0x1FFF, v55;
	v21 =	vshra.s32 v57, $0x2  }
0x29: {  	v19 =	vld [tilespmem:$0x130];
	v24 =	vshra.s32 v60, $0x2;
	v25 =	vand.u32 $0x1FFF, v60;
	v5 =	vand.u32 $0xFFFFE000, v5  }
0x2a: {  	v22 =	vld [tilespmem:$0x140];
	v27 =	vshra.s32 v17, $0x2;
	v36 =	vand.u32 $0xFFFFE000, v7;
	v1 =	vor.u32 v1, v5  }
0x2b: {  	v30 =	vand.u32 $0x1FFF, v17;
	v7 =	vand.u32 $0xFFFFE000, v37;
	v2 =	vor.u32 v2, v36;
	[tilespmem:$0x200] =	vst v1  }
0x2c: {  	v40 =	vand.u32 $0xFFFFE000, v10;
	v10 =	vand.u32 $0xFFFFE000, v41;
	v3 =	vor.u32 v3, v7;
	[tilespmem:$0x210] =	vst v2  }
0x2d: {  	v45 =	vand.u32 $0xFFFFE000, v13;
	v13 =	vand.u32 $0xFFFFE000, v46;
	v42 =	vor.u32 v8, v10;
	[tilespmem:$0x220] =	vst v3  }
0x2e: {  	v31 =	vshra.s32 v19, $0x2;
	v5 =	vand.u32 $0xFFFFE000, v38;
	v47 =	vor.u32 v11, v13;
	[tilespmem:$0x250] =	vst v42  }
0x2f: {  	v26 =	vld [tilespmem:$0x150];
	v34 =	vshra.s32 v22, $0x2;
	v35 =	vand.u32 $0x1FFF, v19;
	v4 =	vor.u32 v4, v5;
	[tilespmem:$0x280] =	vst v47  }
0x30: {  	v32 =	vld [tilespmem:$0x170];
	v53 =	vand.u32 $0xFFFFE000, v52;
	v8 =	vand.u32 $0xFFFFE000, v43;
	v5 =	vor.u32 v6, v40;
	[tilespmem:$0x230] =	vst v4  }
0x31: {  	v61 =	vand.u32 $0xFFFFE000, v59;
	v7 =	vand.u32 $0x1FFF, v39;
	v8 =	vor.u32 v9, v8;
	[tilespmem:$0x240] =	vst v5  }
0x32: {  	v23 =	vand.u32 $0xFFFFE000, v21;
	v7 =	vor.u32 v7, v45;
	v1 =	vand.u32 $0xFFFFE000, v48;
	[tilespmem:$0x260] =	vst v8  }
0x33: {  	v2 =	vand.u32 $0xFFFFE000, v51;
	v3 =	vand.u32 $0x1FFF, v44;
	v1 =	vor.u32 v50, v1;
	[tilespmem:$0x270] =	vst v7  }
0x34: {  	v28 =	vld [tilespmem:$0x160];
	v29 =	vand.u32 $0xFFFFE000, v27;
	v33 =	vand.u32 $0xFFFFE000, v31;
	v2 =	vor.u32 v3, v2;
	[tilespmem:$0x290] =	vst v1  }
0x35: {  	v41 =	vand.u32 $0x1FFF, v26;
	v46 =	vand.u32 $0x1FFF, v32;
	v3 =	vor.u32 v54, v53;
	[tilespmem:$0x2A0] =	vst v2  }
0x36: {  	v36 =	vand.u32 $0x1FFF, v22;
	v6 =	vand.u32 $0xFFFFE000, v62;
	v5 =	vor.u32 v63, v61;
	[tilespmem:$0x2B0] =	vst v3  }
0x37: {  	v49 =	vld [tilespmem:$0x1C0];
	v39 =	vshra.s32 v26, $0x2;
	v4 =	vand.u32 $0xFFFFE000, v56;
	v6 =	vor.u32 v16, v6;
	[tilespmem:$0x2D0] =	vst v5  }
0x38: {  	v37 =	vld [tilespmem:$0x180];
	v9 =	vand.u32 $0xFFFFE000, v24;
	v7 =	vand.u32 $0xFFFFE000, v18;
	v4 =	vor.u32 v58, v4;
	[tilespmem:$0x2E0] =	vst v6  }
0x39: {  	v52 =	vld [tilespmem:$0x1D0];
	v42 =	vshra.s32 v28, $0x2;
	v44 =	vshra.s32 v32, $0x2;
	v1 =	vor.u32 v20, v7;
	[tilespmem:$0x2C0] =	vst v4  }
0x3a: {  	v45 =	vand.u32 $0x1FFF, v28;
	v2 =	vand.u32 $0x1FFF, v57;
	v3 =	vor.u32 v25, v9;
	[tilespmem:$0x2F0] =	vst v1  }
0x3b: {  	v43 =	vld [tilespmem:$0x1A0];
	v7 =	vand.u32 $0xFFFFE000, v34;
	v6 =	vand.u32 $0xFFFFE000, v44;
	v2 =	vor.u32 v2, v23;
	[tilespmem:$0x310] =	vst v3  }
0x3c: {  	v40 =	vld [tilespmem:$0x190];
	v60 =	vshra.s32 v49, $0x2;
	v4 =	vor.u32 v30, v29;
	v1 =	vor.u32 v35, v33;
	[tilespmem:$0x300] =	vst v2  }
0x3d: {  	v47 =	vld [tilespmem:$0x1B0];
	v38 =	vor.u32 v36, v7;
	v3 =	vand.u32 $0xFFFFE000, v42;
	v48 =	vshra.s32 v37, $0x2;
	[tilespmem:$0x320] =	vst v4  }
0x3e: {  	v50 =	vand.u32 $0x1FFF, v37;
	v61 =	vshra.s32 v52, $0x2;
	v62 =	vand.u32 $0x1FFF, v52;
	[tilespmem:$0x330] =	vst v1  }
0x3f: {  	v2 =	vand.u32 $0xFFFFE000, v39;
	v1 =	vor.u32 v45, v3;
	v3 =	vor.u32 v46, v6;
	[tilespmem:$0x340] =	vst v38  }
0x40: {  	v56 =	vld [tilespmem:$0x1E0];
	v4 =	vand.u32 $0xFFFFE000, v48;
	v54 =	vshra.s32 v43, $0x2;
	v55 =	vand.u32 $0x1FFF, v43;
	[tilespmem:$0x360] =	vst v1  }
0x41: {  	v58 =	vld [tilespmem:$0x1F0];
	v2 =	vor.u32 v41, v2;
	v51 =	vshra.s32 v40, $0x2;
	v1 =	vand.u32 $0x1FFF, v40;
	[tilespmem:$0x370] =	vst v3  }
0x42: {  	v5 =	vand.u32 $0xFFFFE000, v54;
	v57 =	vshra.s32 v47, $0x2;
	[tilespmem:$0x350] =	vst v2;
	v2 =	vor.u32 v50, v4  }
0x43: {  	v59 =	vand.u32 $0x1FFF, v47;
	v53 =	vand.u32 $0xFFFFE000, v51;
	v3 =	vor.u32 v55, v5;
	[tilespmem:$0x380] =	vst v2  }
0x44: {  	v4 =	vand.u32 $0xFFFFE000, v61;
	v1 =	vor.u32 v1, v53;
	v2 =	vand.u32 $0xFFFFE000, v57;
	[tilespmem:$0x3A0] =	vst v3  }
0x45: {  	v3 =	vand.u32 $0x1FFF, v49;
	[tilespmem:$0x390] =	vst v1;
	v1 =	vor.u32 v59, v2;
	v2 =	vand.u32 $0xFFFFE000, v60  }
0x46: {  	v63 =	vshra.s32 v58, $0x2;
	[tilespmem:$0x3B0] =	vst v1;
	v1 =	vor.u32 v3, v2;
	v3 =	vshra.s32 v56, $0x2  }
0x47: {  	v2 =	vor.u32 v62, v4;
	[tilespmem:$0x3C0] =	vst v1;
	v1 =	vand.u32 $0xFFFFE000, v3;
	v3 =	vand.u32 $0x1FFF, v56  }
0x48: {  	[tilespmem:$0x3D0] =	vst v2;
	v2 =	vand.u32 $0xFFFFE000, v63;
	v1 =	vor.u32 v3, v1;
	v3 =	vand.u32 $0x1FFF, v58  }
0x49: {  	[tilespmem:$0x3E0] =	vst v1;
	v1 =	vor.u32 v3, v2  }
0x4a: {  	[tilespmem:$0x3F0] =	vst v1  }
0x4b: {  	[tilespmem:s10], [sflag:$0x1] =	stream.indirect.gather [hbm4b:s3+s8], $0x80, s9, s8, $0xb8;
	[tilespmem:$0x14400] =	vst v63  }
0x4c: {  	_ = 	snop  }
0x4d: {  	[tilespmem:s12], [sflag:$0x1] =	stream.indirect.gather [hbm4b:s3+s8], $0x80, s11, s8, $0xb8;
	[tilespmem:$0x14400] =	vst v63  }
0x4e: {  	_ = 	snop  }
0x4f: {  	[tilespmem:s14], [sflag:$0x1] =	stream.indirect.gather [hbm4b:s3+s8], $0x80, s13, s8, $0xb8;
	[tilespmem:$0x14400] =	vst v63  }
0x50: {  	_ = 	snop  }
0x51: {  	[tilespmem:s16], [sflag:$0x1] =	stream.indirect.gather [hbm4b:s3+s8], $0x80, s15, s8, $0xb8;
	[tilespmem:$0x14400] =	vst v63  }
0x52: {  	_ =	swait.ge [sflag:s17], $0x4000  }
0x53: {  	[sflag:s17] =	ssyncset.done $0x0  }
0x54: {  	[sflag:s17] =	ssyncadd.s32 $0xFFFFC000  }
0x55: {  	_ =	swait.ge [sflag:s17], $0x4000  }
0x56: {  	[sflag:s17] =	ssyncset.done $0x0  }
0x57: {  	[sflag:s17] =	ssyncadd.s32 $0xFFFFC000  }
0x58: {  	_ =	swait.ge [sflag:s17], $0x4000  }
0x59: {  	[sflag:s17] =	ssyncset.done $0x0  }
0x5a: {  	[sflag:s17] =	ssyncadd.s32 $0xFFFFC000  }
0x5b: {  	_ =	swait.ge [sflag:s17], $0x4000  }
0x5c: {  	[sflag:s17] =	ssyncset.done $0x0  }
0x5d: {  	[sflag:s17] =	ssyncadd.s32 $0xFFFFC000  }
0x5e: {  	v1 =	vld [tilespmem:s2+$0x0];
	_ =	sdelay $0x3  }
0x5f: {  	v2 =	vmov s2  }
0x60: {  	v2 =	vshll.u32 v2, $0x7;
	v1 =	vshrl.u32 v1, $0x8  }
0x61: {  	v2 =	vor.u32 v0, v2;
	v1 =	vand.u32 $0x60, v1  }
0x62: {  	v1 =	vor.u32 v2, v1;
	_ =	sdelay $0x4  }
0x63: {  	v2 =	vld.idx.msk [tilespmem:v1+s10+$0x0], $0xffff  }
0x64: {  	v3 =	vor.u32 $0x1, v1;
	_ =	sdelay $0x1  }
0x65: {  	s22 =	sand.u32 $0x70, s2;
	s23 =	sand.u32 $0xC00, s2  }
0x66: {  	s22 =	sor.u32 s22, s23  }
0x67: {  	[tilespmem:s22+$0x10400] =	vst v2  }
0x68: {  	v2 =	vld.idx.msk [tilespmem:v3+s10+$0x0], $0xffff  }
0x69: {  	v3 =	vor.u32 $0x2, v1;
	_ =	sdelay $0x2  }
0x6a: {  	s23 =	sadd.s32 $0x10400, s22  }
0x6b: {  	[tilespmem:s23+$0x80] =	vst v2  }
0x6c: {  	v2 =	vld.idx.msk [tilespmem:v3+s10+$0x0], $0xffff  }
0x6d: {  	v3 =	vor.u32 $0x3, v1;
	_ =	sdelay $0x3  }
0x6e: {  	[tilespmem:s23+$0x100] =	vst v2  }
0x6f: {  	v2 =	vld.idx.msk [tilespmem:v3+s10+$0x0], $0xffff  }
0x70: {  	v3 =	vor.u32 $0x4, v1;
	_ =	sdelay $0x3  }
0x71: {  	[tilespmem:s23+$0x180] =	vst v2  }
0x72: {  	v2 =	vld.idx.msk [tilespmem:v3+s10+$0x0], $0xffff  }
0x73: {  	v3 =	vor.u32 $0x5, v1;
	_ =	sdelay $0x3  }
0x74: {  	[tilespmem:s23+$0x200] =	vst v2  }
0x75: {  	v2 =	vld.idx.msk [tilespmem:v3+s10+$0x0], $0xffff  }
0x76: {  	v3 =	vor.u32 $0x6, v1;
	_ =	sdelay $0x3  }
0x77: {  	[tilespmem:s23+$0x280] =	vst v2  }
0x78: {  	v2 =	vld.idx.msk [tilespmem:v3+s10+$0x0], $0xffff  }
0x79: {  	v3 =	vor.u32 $0x7, v1;
	_ =	sdelay $0x3  }
0x7a: {  	[tilespmem:s23+$0x300] =	vst v2  }
0x7b: {  	v2 =	vld.idx.msk [tilespmem:v3+s10+$0x0], $0xffff  }
0x7c: {  	v3 =	vor.u32 $0x8, v1;
	_ =	sdelay $0x1  }
0x7d: {  	s31 =	sor.u32 s2, s2  }
0x7e: {  	s23 =	sor.u32 $0x380, s31  }
0x7f: {  	[tilespmem:s23+$0x10400] =	vst v2  }
0x80: {  	v2 =	vld.idx.msk [tilespmem:v3+s10+$0x0], $0xffff  }
0x81: {  	v3 =	vor.u32 $0x9, v1;
	_ =	sdelay $0x3  }
0x82: {  	[tilespmem:s22+$0x11400] =	vst v2  }
0x83: {  	v2 =	vld.idx.msk [tilespmem:v3+s10+$0x0], $0xffff  }
0x84: {  	v3 =	vor.u32 $0xA, v1;
	_ =	sdelay $0x3  }
0x85: {  	[tilespmem:s22+$0x11480] =	vst v2  }
0x86: {  	v2 =	vld.idx.msk [tilespmem:v3+s10+$0x0], $0xffff  }
0x87: {  	v3 =	vor.u32 $0xB, v1;
	_ =	sdelay $0x3  }
0x88: {  	[tilespmem:s22+$0x11500] =	vst v2  }
0x89: {  	v2 =	vld.idx.msk [tilespmem:v3+s10+$0x0], $0xffff  }
0x8a: {  	v3 =	vor.u32 $0xC, v1;
	_ =	sdelay $0x3  }
0x8b: {  	[tilespmem:s22+$0x11580] =	vst v2  }
0x8c: {  	v2 =	vld.idx.msk [tilespmem:v3+s10+$0x0], $0xffff  }
0x8d: {  	v3 =	vor.u32 $0xD, v1;
	_ =	sdelay $0x3  }
0x8e: {  	[tilespmem:s22+$0x11600] =	vst v2  }
0x8f: {  	v2 =	vld.idx.msk [tilespmem:v3+s10+$0x0], $0xffff  }
0x90: {  	v3 =	vor.u32 $0xE, v1;
	_ =	sdelay $0x3  }
0x91: {  	[tilespmem:s22+$0x11680] =	vst v2  }
0x92: {  	v2 =	vld.idx.msk [tilespmem:v3+s10+$0x0], $0xffff  }
0x93: {  	v3 =	vor.u32 $0xF, v1;
	_ =	sdelay $0x3  }
0x94: {  	[tilespmem:s22+$0x11700] =	vst v2  }
0x95: {  	v2 =	vld.idx.msk [tilespmem:v3+s10+$0x0], $0xffff  }
0x96: {  	v3 =	vor.u32 $0x10, v1;
	_ =	sdelay $0x3  }
0x97: {  	[tilespmem:s22+$0x11780] =	vst v2  }
0x98: {  	v2 =	vld.idx.msk [tilespmem:v3+s10+$0x0], $0xffff  }
0x99: {  	v3 =	vor.u32 $0x11, v1;
	_ =	sdelay $0x3  }
0x9a: {  	[tilespmem:s22+$0x12400] =	vst v2  }
0x9b: {  	v2 =	vld.idx.msk [tilespmem:v3+s10+$0x0], $0xffff  }
0x9c: {  	v3 =	vor.u32 $0x12, v1;
	_ =	sdelay $0x3  }
0x9d: {  	[tilespmem:s22+$0x12480] =	vst v2  }
0x9e: {  	v2 =	vld.idx.msk [tilespmem:v3+s10+$0x0], $0xffff  }
0x9f: {  	v3 =	vor.u32 $0x13, v1;
	_ =	sdelay $0x3  }
0xa0: {  	[tilespmem:s22+$0x12500] =	vst v2  }
0xa1: {  	v2 =	vld.idx.msk [tilespmem:v3+s10+$0x0], $0xffff  }
0xa2: {  	v3 =	vor.u32 $0x14, v1;
	_ =	sdelay $0x3  }
0xa3: {  	[tilespmem:s22+$0x12580] =	vst v2  }
0xa4: {  	v2 =	vld.idx.msk [tilespmem:v3+s10+$0x0], $0xffff  }
0xa5: {  	v3 =	vor.u32 $0x15, v1;
	_ =	sdelay $0x3  }
0xa6: {  	[tilespmem:s22+$0x12600] =	vst v2  }
0xa7: {  	v2 =	vld.idx.msk [tilespmem:v3+s10+$0x0], $0xffff  }
0xa8: {  	v3 =	vor.u32 $0x16, v1;
	_ =	sdelay $0x3  }
0xa9: {  	[tilespmem:s22+$0x12680] =	vst v2  }
0xaa: {  	v2 =	vld.idx.msk [tilespmem:v3+s10+$0x0], $0xffff  }
0xab: {  	v3 =	vor.u32 $0x17, v1;
	_ =	sdelay $0x3  }
0xac: {  	[tilespmem:s22+$0x12700] =	vst v2  }
0xad: {  	v2 =	vld.idx.msk [tilespmem:v3+s10+$0x0], $0xffff  }
0xae: {  	v3 =	vor.u32 $0x18, v1;
	_ =	sdelay $0x3  }
0xaf: {  	[tilespmem:s22+$0x12780] =	vst v2  }
0xb0: {  	v2 =	vld.idx.msk [tilespmem:v3+s10+$0x0], $0xffff  }
0xb1: {  	v3 =	vor.u32 $0x19, v1;
	_ =	sdelay $0x3  }
0xb2: {  	[tilespmem:s22+$0x13400] =	vst v2  }
0xb3: {  	v2 =	vld.idx.msk [tilespmem:v3+s10+$0x0], $0xffff  }
0xb4: {  	v3 =	vor.u32 $0x1A, v1;
	_ =	sdelay $0x3  }
0xb5: {  	[tilespmem:s22+$0x13480] =	vst v2  }
0xb6: {  	v2 =	vld.idx.msk [tilespmem:v3+s10+$0x0], $0xffff  }
0xb7: {  	v3 =	vor.u32 $0x1B, v1;
	_ =	sdelay $0x3  }
0xb8: {  	[tilespmem:s22+$0x13500] =	vst v2  }
0xb9: {  	v2 =	vld.idx.msk [tilespmem:v3+s10+$0x0], $0xffff  }
0xba: {  	v3 =	vor.u32 $0x1C, v1;
	_ =	sdelay $0x3  }
0xbb: {  	[tilespmem:s22+$0x13580] =	vst v2  }
0xbc: {  	v2 =	vld.idx.msk [tilespmem:v3+s10+$0x0], $0xffff  }
0xbd: {  	v3 =	vor.u32 $0x1D, v1;
	_ =	sdelay $0x3  }
0xbe: {  	[tilespmem:s22+$0x13600] =	vst v2  }
0xbf: {  	v2 =	vld.idx.msk [tilespmem:v3+s10+$0x0], $0xffff  }
0xc0: {  	v3 =	vor.u32 $0x1E, v1;
	_ =	sdelay $0x3  }
0xc1: {  	[tilespmem:s22+$0x13680] =	vst v2  }
0xc2: {  	v2 =	vld.idx.msk [tilespmem:v3+s10+$0x0], $0xffff  }
0xc3: {  	v1 =	vor.u32 $0x1F, v1;
	_ =	sdelay $0x3  }
0xc4: {  	[tilespmem:s22+$0x13700] =	vst v2  }
0xc5: {  	s24 =	simm.s32 $0x0;
	s25 =	simm.s32 $0x0;
	s23 =	simm.s32 $0x10;
	v1 =	vld.idx.msk [tilespmem:v1+s10+$0x0], $0xffff  }
.LBB2_2:
0xc6: {  	_ =	sdelay $0x3  }
0xc7: {  	p0 =	sne.s32 s23, $0x1F0;
	s24 =	sadd.s32 $0x80, s24;
	s25 =	sadd.s32 $0x10, s25;
	[tilespmem:s22+$0x13780] =	vst v1  }
0xc8: {  	s26 =	smov.u32 s23;
	s23 =	sadd.s32 $0x10, s23;
	v1 =	vld [tilespmem:s25+$0x0];
	_ =	sdelay $0x3  }
0xc9: {  	v2 =	vmov s26  }
0xca: {  	v2 =	vshll.u32 v2, $0x7;
	v1 =	vshrl.u32 v1, $0x8  }
0xcb: {  	v2 =	vor.u32 v0, v2;
	v1 =	vand.u32 $0x60, v1  }
0xcc: {  	v1 =	vor.u32 v2, v1;
	_ =	sdelay $0x4  }
0xcd: {  	v2 =	vld.idx.msk [tilespmem:v1+s10+$0x0], $0xffff;
	_ =	sdelay $0x1  }
0xce: {  	v3 =	vor.u32 $0x1, v1;
	_ =	sdelay $0x1  }
0xcf: {  	s28 =	sand.u32 $0xC00, s24;
	s22 =	sand.u32 $0x70, s26  }
0xd0: {  	s22 =	sor.u32 s22, s28  }
0xd1: {  	[tilespmem:s22+$0x10400] =	vst v2  }
0xd2: {  	v2 =	vld.idx.msk [tilespmem:v3+s10+$0x0], $0xffff;
	_ =	sdelay $0x1  }
0xd3: {  	v3 =	vor.u32 $0x2, v1;
	_ =	sdelay $0x2  }
0xd4: {  	s28 =	sadd.s32 $0x10400, s22  }
0xd5: {  	[tilespmem:s28+$0x80] =	vst v2  }
0xd6: {  	v2 =	vld.idx.msk [tilespmem:v3+s10+$0x0], $0xffff;
	_ =	sdelay $0x1  }
0xd7: {  	v3 =	vor.u32 $0x3, v1;
	_ =	sdelay $0x3  }
0xd8: {  	[tilespmem:s28+$0x100] =	vst v2  }
0xd9: {  	v2 =	vld.idx.msk [tilespmem:v3+s10+$0x0], $0xffff;
	_ =	sdelay $0x1  }
0xda: {  	v3 =	vor.u32 $0x4, v1;
	_ =	sdelay $0x3  }
0xdb: {  	[tilespmem:s28+$0x180] =	vst v2  }
0xdc: {  	v2 =	vld.idx.msk [tilespmem:v3+s10+$0x0], $0xffff;
	_ =	sdelay $0x1  }
0xdd: {  	v3 =	vor.u32 $0x5, v1;
	_ =	sdelay $0x3  }
0xde: {  	[tilespmem:s28+$0x200] =	vst v2  }
0xdf: {  	v2 =	vld.idx.msk [tilespmem:v3+s10+$0x0], $0xffff;
	_ =	sdelay $0x1  }
0xe0: {  	v3 =	vor.u32 $0x6, v1;
	_ =	sdelay $0x3  }
0xe1: {  	[tilespmem:s28+$0x280] =	vst v2  }
0xe2: {  	v2 =	vld.idx.msk [tilespmem:v3+s10+$0x0], $0xffff;
	_ =	sdelay $0x1  }
0xe3: {  	v3 =	vor.u32 $0x7, v1;
	_ =	sdelay $0x3  }
0xe4: {  	[tilespmem:s28+$0x300] =	vst v2  }
0xe5: {  	v2 =	vld.idx.msk [tilespmem:v3+s10+$0x0], $0xffff;
	_ =	sdelay $0x1  }
0xe6: {  	v3 =	vor.u32 $0x8, v1;
	_ =	sdelay $0x1  }
0xe7: {  	s26 =	sor.u32 s24, s26  }
0xe8: {  	s26 =	sor.u32 $0x380, s26  }
0xe9: {  	[tilespmem:s26+$0x10400] =	vst v2  }
0xea: {  	v2 =	vld.idx.msk [tilespmem:v3+s10+$0x0], $0xffff;
	_ =	sdelay $0x1  }
0xeb: {  	v3 =	vor.u32 $0x9, v1;
	_ =	sdelay $0x3  }
0xec: {  	[tilespmem:s22+$0x11400] =	vst v2  }
0xed: {  	v2 =	vld.idx.msk [tilespmem:v3+s10+$0x0], $0xffff;
	_ =	sdelay $0x1  }
0xee: {  	v3 =	vor.u32 $0xA, v1;
	_ =	sdelay $0x3  }
0xef: {  	[tilespmem:s22+$0x11480] =	vst v2  }
0xf0: {  	v2 =	vld.idx.msk [tilespmem:v3+s10+$0x0], $0xffff;
	_ =	sdelay $0x1  }
0xf1: {  	v3 =	vor.u32 $0xB, v1;
	_ =	sdelay $0x3  }
0xf2: {  	[tilespmem:s22+$0x11500] =	vst v2  }
0xf3: {  	v2 =	vld.idx.msk [tilespmem:v3+s10+$0x0], $0xffff;
	_ =	sdelay $0x1  }
0xf4: {  	v3 =	vor.u32 $0xC, v1;
	_ =	sdelay $0x3  }
0xf5: {  	[tilespmem:s22+$0x11580] =	vst v2  }
0xf6: {  	v2 =	vld.idx.msk [tilespmem:v3+s10+$0x0], $0xffff;
	_ =	sdelay $0x1  }
0xf7: {  	v3 =	vor.u32 $0xD, v1;
	_ =	sdelay $0x3  }
0xf8: {  	[tilespmem:s22+$0x11600] =	vst v2  }
0xf9: {  	v2 =	vld.idx.msk [tilespmem:v3+s10+$0x0], $0xffff;
	_ =	sdelay $0x1  }
0xfa: {  	v3 =	vor.u32 $0xE, v1;
	_ =	sdelay $0x3  }
0xfb: {  	[tilespmem:s22+$0x11680] =	vst v2  }
0xfc: {  	v2 =	vld.idx.msk [tilespmem:v3+s10+$0x0], $0xffff;
	_ =	sdelay $0x1  }
0xfd: {  	v3 =	vor.u32 $0xF, v1;
	_ =	sdelay $0x3  }
0xfe: {  	[tilespmem:s22+$0x11700] =	vst v2  }
0xff: {  	v2 =	vld.idx.msk [tilespmem:v3+s10+$0x0], $0xffff;
	_ =	sdelay $0x1  }
0x100: {  	v3 =	vor.u32 $0x10, v1;
	_ =	sdelay $0x3  }
0x101: {  	[tilespmem:s22+$0x11780] =	vst v2  }
0x102: {  	v2 =	vld.idx.msk [tilespmem:v3+s10+$0x0], $0xffff;
	_ =	sdelay $0x1  }
0x103: {  	v3 =	vor.u32 $0x11, v1;
	_ =	sdelay $0x3  }
0x104: {  	[tilespmem:s22+$0x12400] =	vst v2  }
0x105: {  	v2 =	vld.idx.msk [tilespmem:v3+s10+$0x0], $0xffff;
	_ =	sdelay $0x1  }
0x106: {  	v3 =	vor.u32 $0x12, v1;
	_ =	sdelay $0x3  }
0x107: {  	[tilespmem:s22+$0x12480] =	vst v2  }
0x108: {  	v2 =	vld.idx.msk [tilespmem:v3+s10+$0x0], $0xffff;
	_ =	sdelay $0x1  }
0x109: {  	v3 =	vor.u32 $0x13, v1;
	_ =	sdelay $0x3  }
0x10a: {  	[tilespmem:s22+$0x12500] =	vst v2  }
0x10b: {  	v2 =	vld.idx.msk [tilespmem:v3+s10+$0x0], $0xffff;
	_ =	sdelay $0x1  }
0x10c: {  	v3 =	vor.u32 $0x14, v1;
	_ =	sdelay $0x3  }
0x10d: {  	[tilespmem:s22+$0x12580] =	vst v2  }
0x10e: {  	v2 =	vld.idx.msk [tilespmem:v3+s10+$0x0], $0xffff;
	_ =	sdelay $0x1  }
0x10f: {  	v3 =	vor.u32 $0x15, v1;
	_ =	sdelay $0x3  }
0x110: {  	[tilespmem:s22+$0x12600] =	vst v2  }
0x111: {  	v2 =	vld.idx.msk [tilespmem:v3+s10+$0x0], $0xffff;
	_ =	sdelay $0x1  }
0x112: {  	v3 =	vor.u32 $0x16, v1;
	_ =	sdelay $0x3  }
0x113: {  	[tilespmem:s22+$0x12680] =	vst v2  }
0x114: {  	v2 =	vld.idx.msk [tilespmem:v3+s10+$0x0], $0xffff;
	_ =	sdelay $0x1  }
0x115: {  	v3 =	vor.u32 $0x17, v1;
	_ =	sdelay $0x3  }
0x116: {  	[tilespmem:s22+$0x12700] =	vst v2  }
0x117: {  	v2 =	vld.idx.msk [tilespmem:v3+s10+$0x0], $0xffff;
	_ =	sdelay $0x1  }
0x118: {  	v3 =	vor.u32 $0x18, v1;
	_ =	sdelay $0x3  }
0x119: {  	[tilespmem:s22+$0x12780] =	vst v2  }
0x11a: {  	v2 =	vld.idx.msk [tilespmem:v3+s10+$0x0], $0xffff;
	_ =	sdelay $0x1  }
0x11b: {  	v3 =	vor.u32 $0x19, v1;
	_ =	sdelay $0x3  }
0x11c: {  	[tilespmem:s22+$0x13400] =	vst v2  }
0x11d: {  	v2 =	vld.idx.msk [tilespmem:v3+s10+$0x0], $0xffff;
	_ =	sdelay $0x1  }
0x11e: {  	v3 =	vor.u32 $0x1A, v1;
	_ =	sdelay $0x3  }
0x11f: {  	[tilespmem:s22+$0x13480] =	vst v2  }
0x120: {  	v2 =	vld.idx.msk [tilespmem:v3+s10+$0x0], $0xffff;
	_ =	sdelay $0x1  }
0x121: {  	v3 =	vor.u32 $0x1B, v1;
	_ =	sdelay $0x3  }
0x122: {  	[tilespmem:s22+$0x13500] =	vst v2  }
0x123: {  	v2 =	vld.idx.msk [tilespmem:v3+s10+$0x0], $0xffff;
	_ =	sdelay $0x1  }
0x124: {  	v3 =	vor.u32 $0x1C, v1;
	_ =	sdelay $0x3  }
0x125: {  	[tilespmem:s22+$0x13580] =	vst v2  }
0x126: {  	v2 =	vld.idx.msk [tilespmem:v3+s10+$0x0], $0xffff;
	_ =	sdelay $0x1  }
0x127: {  	v3 =	vor.u32 $0x1D, v1;
	_ =	sdelay $0x3  }
0x128: {  	[tilespmem:s22+$0x13600] =	vst v2  }
0x129: {  	v2 =	vld.idx.msk [tilespmem:v3+s10+$0x0], $0xffff;
	_ =	sdelay $0x1  }
0x12a: {  	v3 =	vor.u32 $0x1E, v1;
	_ =	sdelay $0x3  }
0x12b: {  	[tilespmem:s22+$0x13680] =	vst v2  }
0x12c: {  	v2 =	vld.idx.msk [tilespmem:v3+s10+$0x0], $0xffff;
	_ =	sdelay $0x1  }
0x12d: {  	v1 =	vor.u32 $0x1F, v1  }
.Ltmp0:
0x12e: {  	(pc) =	sbr.rel @p0 .LBB2_2-.Ltmp0, $3  }
0x12f: {  	_ =	sdelay $0x1  }
0x130: {  	[tilespmem:s22+$0x13700] =	vst v2  }
0x131: {  	v1 =	vld.idx.msk [tilespmem:v1+s10+$0x0], $0xffff  }
0x132: {  	_ =	sdelay $0x1  }
0x133: {  	s21 =	sadd.s32 $0x1, s21  }
0x134: {  	p0 =	sne.s32 s21, s6  }
.Ltmp1:
0x135: {  	[tilespmem:s22+$0x13780] =	vst v1;
	(pc) =	sbr.rel @p0 .LBB2_1-.Ltmp1, $4  }
0x136: {  	[hbm4b:s5+s18] =	stream.strided.scatter [tilespmem:s20], [sflag:$0x2], $0x4000, s19, s18, $0x38;
	[tilespmem:$0x14400] =	vst v63  }
0x137: {  	_ =	swait.ge [sflag:s7], $0x4000  }
0x138: {  	[sflag:s7] =	ssyncset.done $0x0  }
0x139: {  	[sflag:s7] =	ssyncadd.s32 $0xFFFFC000  }
0x13a: {  	_ =	sfence.sel $0x180000  }
0x13b: {  	[bflag:$0x0] =	sbarrier.arrive $0xFFFF  }
0x13c: {  	p0 =	sne.s32 s1, $0x0;
	_ =	strace $0x9000004A  }
0x13d: {  	s0 =	sadd.s32 @!p0 $0x100000, s0;
	[bflag:$0x2] =	sbarrier.arrive $0xFFFF  }
0x13e: {  	[sflag:s0] =	ssyncadd.tile.s32 @!p0 $0x1;
	_ =	shalt  }
.Lfunc_end2:
_tile_overlayer_lowered:
.L_overlay_start_2:
0x13f: {  	(tag) =	ssettag $0x2  }
0x140: {  	s0 =	rddreg [dreg:$0x0];
	s2 =	stileid.u32  }
0x141: {  	s1 =	rddreg [dreg:$0x1];
	p0 =	sne.s32 s2, $0x0  }
0x142: {  	s3 =	rddreg [dreg:$0x2];
	[bflag:$0x3] =	sbarrier.arrive $0xFFFF;
	s2 =	simm.s32 @!p0 $0x1C02  }
0x143: {  	[timem:s3], [sflag:s2] =	dma.local @!p0 [hbm:s0], s1  }
0x144: {  	s0 =	simm.s32 @!p0 $0x2  }
0x145: {  	_ =	swait.ge @!p0 [sflag:s0], s1  }
0x146: {  	s1 =	ssub.s32 @!p0 $0x0, s1;
	[sflag:s0] =	ssyncset.done @!p0 $0x0  }
0x147: {  	[sflag:s0] =	ssyncadd.s32 @!p0 s1  }
0x148: {  	[bflag:$0x3] =	sbarrier.arrive $0xFFFF  }
0x149: {  	_ =	shalt  }

</sc_bundles>
